<compile_context>
chip_gen: v7x
topology: tpu7x:2x2x1
jax: 0.10.2.dev20260603
libtpu: 0.0.44.dev20260713+nightly
codegen_flags: <defaults>
</compile_context>

<pallas_src>
import jax
import jax.numpy as jnp
from jax import lax
from jax.experimental import pallas as pl
from jax.experimental.pallas import tpu as pltpu
from jax.experimental.pallas import tpu_sc as plsc

B = 16384
N_USER = 1000000
D_U = 32
N_CAT = 1000
D_C = 16
D_OUT = D_U + D_C + 2

NC = 2
NS = 16
NW = NC * NS
BPW = B // NW
L = 16


def _sc_body(uid_hbm, cid_hbm, wu_hbm, wc_hbm,
             outu_hbm, outc_hbm,
             uid_v, cid_v, wc_v, outc_v, rows_v, sem_u, sem_c):
    wid = lax.axis_index("s") * NC + lax.axis_index("c")
    base = wid * BPW

    pltpu.sync_copy(uid_hbm.at[pl.ds(base, BPW)], uid_v)
    pltpu.sync_copy(cid_hbm.at[pl.ds(base, BPW)], cid_v)
    cat_stage = pltpu.async_copy(wc_hbm, wc_v, sem_c)

    def user_body(g, carry):
        u16 = uid_v[pl.ds(g * L, L)]
        for r in range(L):
            b = g * L + r
            pltpu.async_copy(wu_hbm.at[pl.ds(u16[r], 1)],
                             rows_v.at[pl.ds(b, 1)], sem_u)
        return carry

    lax.fori_loop(0, BPW // L, user_body, 0, unroll=4)

    cat_stage.wait()

    def cat_body(g, carry):
        c16 = cid_v[pl.ds(g * L, L)] * D_C
        for r in range(L):
            b = g * L + r
            outc_v[pl.ds(b * D_C, D_C)] = wc_v[pl.ds(c16[r], D_C)]
        return carry

    lax.fori_loop(0, BPW // L, cat_body, 0, unroll=2)

    pltpu.sync_copy(outc_v, outc_hbm.at[pl.ds(base * D_C, BPW * D_C)])

    pltpu.make_async_copy(wu_hbm.at[pl.ds(0, BPW)], rows_v, sem_u).wait()
    pltpu.sync_copy(rows_v, outu_hbm.at[pl.ds(base, BPW)])


def kernel(user_id, category, day_sin, day_cos, W_user, W_category):
    mesh = plsc.VectorSubcoreMesh(core_axis_name="c", subcore_axis_name="s")
    run = pl.kernel(
        _sc_body, mesh=mesh,
        compiler_params=pltpu.CompilerParams(needs_layout_passes=False),
        out_type=(jax.ShapeDtypeStruct((B, D_U), jnp.float32),
                  jax.ShapeDtypeStruct((B * D_C,), jnp.float32)),
        scratch_types=[
            pltpu.VMEM((BPW,), jnp.int32),
            pltpu.VMEM((BPW,), jnp.int32),
            pltpu.VMEM((N_CAT * D_C,), jnp.float32),
            pltpu.VMEM((BPW * D_C,), jnp.float32),
            pltpu.VMEM((BPW, D_U), jnp.float32),
            pltpu.SemaphoreType.DMA,
            pltpu.SemaphoreType.DMA,
        ],
    )
    eu, ec = run(user_id, category, W_user, W_category.reshape(N_CAT * D_C))
    return jnp.concatenate([eu, ec.reshape(B, D_C), day_sin, day_cos], axis=1)

# --- scband reference (transcript-rebuilt; emitter-appended) ---
"""Pipeline reference for scband-conditioning-block-28793460752888 (READ-ONLY COPY).

The authoritative reference and input builder live on the scoring server;
editing this copy changes nothing except your own understanding.
"""

import jax, jax.numpy as jnp
import numpy as np

B = 16384
N_USER = 1000000
D_USER = 32
N_CAT = 1000
D_CAT = 16


def setup_inputs(seed: int = 0) -> dict:
    key = jax.random.key(seed)
    k1, k2, k3, k4, k5, k6 = jax.random.split(key, 6)
    user_id = jax.random.randint(k1, (B,), 0, N_USER, dtype=jnp.int64 if jax.config.jax_enable_x64 else jnp.int32).astype(jnp.int32)
    category = jax.random.randint(k2, (B,), 0, N_CAT).astype(jnp.int32)
    day_sin = jax.random.normal(k3, (B, 1), dtype=jnp.float32)
    day_cos = jax.random.normal(k4, (B, 1), dtype=jnp.float32)
    W_user = jax.random.normal(k5, (N_USER, D_USER), dtype=jnp.float32) * 0.02
    W_category = jax.random.normal(k6, (N_CAT, D_CAT), dtype=jnp.float32) * 0.02
    return {
        "user_id": user_id,
        "category": category,
        "day_sin": day_sin,
        "day_cos": day_cos,
        "W_user": W_user,
        "W_category": W_category,
    }


def reference(user_id, category, day_sin, day_cos, W_user, W_category):
    # Faithful translation of ConditioningBlock.forward:
    # embeddings for each categorical (in declaration order), then continuous
    # features (unsqueezed to 2-D if needed), concatenated along dim=1.
    e_user = jnp.take(W_user, user_id, axis=0)          # (B, 32)
    e_cat = jnp.take(W_category, category, axis=0)      # (B, 16)
    ds = day_sin if day_sin.ndim == 2 else day_sin[:, None]
    dc = day_cos if day_cos.ndim == 2 else day_cos[:, None]
    return jnp.concatenate([e_user, e_cat, ds, dc], axis=1)  # (B, 50)

if __name__ == "__main__":
    import jax
    _d = setup_inputs()
    print(jax.jit(kernel)(*tuple(_d.values())))

</pallas_src>

<mosaic_0001>
#map = affine_map<(d0, d1) -> (0)>
#map1 = affine_map<(d0, d1) -> (0, 0)>
module attributes {stable_mosaic.version = 14 : i64} {
  func.func @_sc_body(%arg0: i32, %arg1: i32, %arg2: memref<16384xi32, #tpu.memory_space<hbm>>, %arg3: memref<16384xi32, #tpu.memory_space<hbm>>, %arg4: memref<1000000x32xf32, #tpu.memory_space<hbm>>, %arg5: memref<16000xf32, #tpu.memory_space<hbm>>, %arg6: memref<16384x32xf32, #tpu.memory_space<hbm>>, %arg7: memref<262144xf32, #tpu.memory_space<hbm>>, %arg8: memref<512xi32, #tpu.memory_space<vmem>>, %arg9: memref<512xi32, #tpu.memory_space<vmem>>, %arg10: memref<16000xf32, #tpu.memory_space<vmem>>, %arg11: memref<8192xf32, #tpu.memory_space<vmem>>, %arg12: memref<512x32xf32, #tpu.memory_space<vmem>>, %arg13: memref<!tpu.dma_semaphore, #tpu.memory_space<semaphore_mem>>, %arg14: memref<!tpu.dma_semaphore, #tpu.memory_space<semaphore_mem>>) attributes {dimension_semantics = [#tpu.dimension_semantics<core_parallel>, #tpu.dimension_semantics<subcore_parallel>], iteration_bounds = array<i64: 2, 16>, scalar_prefetch = 0 : i64, scratch_operands = 7 : i64, tpu.core_type = #tpu.core_type<sc_vector_subcore>, window_params = [{transform_indices = #map}, {transform_indices = #map}, {transform_indices = #map1}, {transform_indices = #map}, {transform_indices = #map1}, {transform_indices = #map}]} {
    %mul3A = arith.constant 2 : i32
    %mul3A_0 = arith.muli %arg1, %mul3A : i32
    %add3A = arith.addi %mul3A_0, %arg0 : i32
    %mul3A_1 = arith.constant 512 : i32
    %mul3A_2 = arith.muli %add3A, %mul3A_1 : i32
    "tpu.region"() ({
      %run_scoped3A = tpu.sem_alloc : memref<!tpu.dma_semaphore, #tpu.memory_space<semaphore_mem>>
      %dma_start3A = tpu.memref_slice %arg2[%mul3A_2] : memref<16384xi32, #tpu.memory_space<hbm>> -> memref<512xi32, #tpu.memory_space<hbm>>
      %dma_start3A_21 = tpu.memref_slice %arg2[%mul3A_2] : memref<16384xi32, #tpu.memory_space<hbm>> -> memref<512xi32, #tpu.memory_space<hbm>>
      tpu.enqueue_dma source(%dma_start3A_21 : memref<512xi32, #tpu.memory_space<hbm>>) target(%arg8 : memref<512xi32, #tpu.memory_space<vmem>>) target_semaphore(%run_scoped3A : memref<!tpu.dma_semaphore, #tpu.memory_space<semaphore_mem>>)
      %dma_wait3A_22 = tpu.memref_slice %arg2[%mul3A_2] : memref<16384xi32, #tpu.memory_space<hbm>> -> memref<512xi32, #tpu.memory_space<hbm>>
      %dma_wait3A_23 = tpu.memref_slice %arg2[%mul3A_2] : memref<16384xi32, #tpu.memory_space<hbm>> -> memref<512xi32, #tpu.memory_space<hbm>>
      tpu.wait_dma2 semaphore(%run_scoped3A : memref<!tpu.dma_semaphore, #tpu.memory_space<semaphore_mem>>) src(%dma_wait3A_23 : memref<512xi32, #tpu.memory_space<hbm>>) dst(%arg8 : memref<512xi32, #tpu.memory_space<vmem>>)
      tpu.yield
    }) : () -> ()
    "tpu.region"() ({
      %run_scoped3A = tpu.sem_alloc : memref<!tpu.dma_semaphore, #tpu.memory_space<semaphore_mem>>
      %dma_start3A = tpu.memref_slice %arg3[%mul3A_2] : memref<16384xi32, #tpu.memory_space<hbm>> -> memref<512xi32, #tpu.memory_space<hbm>>
      %dma_start3A_21 = tpu.memref_slice %arg3[%mul3A_2] : memref<16384xi32, #tpu.memory_space<hbm>> -> memref<512xi32, #tpu.memory_space<hbm>>
      tpu.enqueue_dma source(%dma_start3A_21 : memref<512xi32, #tpu.memory_space<hbm>>) target(%arg9 : memref<512xi32, #tpu.memory_space<vmem>>) target_semaphore(%run_scoped3A : memref<!tpu.dma_semaphore, #tpu.memory_space<semaphore_mem>>)
      %dma_wait3A_22 = tpu.memref_slice %arg3[%mul3A_2] : memref<16384xi32, #tpu.memory_space<hbm>> -> memref<512xi32, #tpu.memory_space<hbm>>
      %dma_wait3A_23 = tpu.memref_slice %arg3[%mul3A_2] : memref<16384xi32, #tpu.memory_space<hbm>> -> memref<512xi32, #tpu.memory_space<hbm>>
      tpu.wait_dma2 semaphore(%run_scoped3A : memref<!tpu.dma_semaphore, #tpu.memory_space<semaphore_mem>>) src(%dma_wait3A_23 : memref<512xi32, #tpu.memory_space<hbm>>) dst(%arg9 : memref<512xi32, #tpu.memory_space<vmem>>)
      tpu.yield
    }) : () -> ()
    tpu.enqueue_dma source(%arg5 : memref<16000xf32, #tpu.memory_space<hbm>>) target(%arg10 : memref<16000xf32, #tpu.memory_space<vmem>>) target_semaphore(%arg14 : memref<!tpu.dma_semaphore, #tpu.memory_space<semaphore_mem>>)
    %scan3A = arith.constant 0 : i32
    %scan3A_3 = arith.constant 0 : i32
    %scan3A_4 = arith.constant 32 : i32
    %scan3A_5 = arith.addi %scan3A_3, %scan3A_4 : i32
    %scan3A_6 = arith.constant 4 : i32
    scf.for %scan3A_21 = %scan3A_3 to %scan3A_5 step %scan3A_6  : i32 {
      %mul3A_22 = arith.constant 16 : i32
      %mul3A_23 = arith.muli %scan3A_21, %mul3A_22 : i32
      %get3A = arith.index_cast %mul3A_23 : i32 to index
      %get3A_24 = tpu.vector_load %arg8[%get3A] {strides = array<i32>} : memref<512xi32, #tpu.memory_space<vmem>>, vector<16xi32>,
      %mul3A_25 = arith.constant 16 : i32
      %mul3A_26 = arith.muli %scan3A_21, %mul3A_25 : i32
      %add3A_27 = arith.constant 0 : i32
      %add3A_28 = arith.addi %mul3A_26, %add3A_27 : i32
      %slice3A = vector.extract_strided_slice %get3A_24 {offsets = [0], sizes = [1], strides = [1]} : vector<16xi32> to vector<1xi32>
      %squeeze3A = vector.extract %slice3A[0] : i32 from vector<1xi32>
      %dma_start3A = arith.constant 0 : i32
      %dma_start3A_29 = tpu.memref_slice %arg12[%add3A_28, %dma_start3A] : memref<512x32xf32, #tpu.memory_space<vmem>> -> memref<1x32xf32, #tpu.memory_space<vmem>>
      %dma_start3A_30 = arith.constant 0 : i32
      %dma_start3A_31 = tpu.memref_slice %arg4[%squeeze3A, %dma_start3A_30] : memref<1000000x32xf32, #tpu.memory_space<hbm>> -> memref<1x32xf32, #tpu.memory_space<hbm>>
      %dma_start3A_32 = arith.constant 0 : i32
      %dma_start3A_33 = tpu.memref_slice %arg12[%add3A_28, %dma_start3A_32] : memref<512x32xf32, #tpu.memory_space<vmem>> -> memref<1x32xf32, #tpu.memory_space<vmem>>
      %dma_start3A_34 = arith.constant 0 : i32
      %dma_start3A_35 = tpu.memref_slice %arg4[%squeeze3A, %dma_start3A_34] : memref<1000000x32xf32, #tpu.memory_space<hbm>> -> memref<1x32xf32, #tpu.memory_space<hbm>>
      tpu.enqueue_dma source(%dma_start3A_35 : memref<1x32xf32, #tpu.memory_space<hbm>>) target(%dma_start3A_33 : memref<1x32xf32, #tpu.memory_space<vmem>>) target_semaphore(%arg13 : memref<!tpu.dma_semaphore, #tpu.memory_space<semaphore_mem>>)
      %mul3A_36 = arith.constant 16 : i32
      %mul3A_37 = arith.muli %scan3A_21, %mul3A_36 : i32
      %add3A_38 = arith.constant 1 : i32
      %add3A_39 = arith.addi %mul3A_37, %add3A_38 : i32
      %slice3A_40 = vector.extract_strided_slice %get3A_24 {offsets = [1], sizes = [1], strides = [1]} : vector<16xi32> to vector<1xi32>
      %squeeze3A_41 = vector.extract %slice3A_40[0] : i32 from vector<1xi32>
      %dma_start3A_42 = arith.constant 0 : i32
      %dma_start3A_43 = tpu.memref_slice %arg12[%add3A_39, %dma_start3A_42] : memref<512x32xf32, #tpu.memory_space<vmem>> -> memref<1x32xf32, #tpu.memory_space<vmem>>
      %dma_start3A_44 = arith.constant 0 : i32
      %dma_start3A_45 = tpu.memref_slice %arg4[%squeeze3A_41, %dma_start3A_44] : memref<1000000x32xf32, #tpu.memory_space<hbm>> -> memref<1x32xf32, #tpu.memory_space<hbm>>
      %dma_start3A_46 = arith.constant 0 : i32
      %dma_start3A_47 = tpu.memref_slice %arg12[%add3A_39, %dma_start3A_46] : memref<512x32xf32, #tpu.memory_space<vmem>> -> memref<1x32xf32, #tpu.memory_space<vmem>>
      %dma_start3A_48 = arith.constant 0 : i32
      %dma_start3A_49 = tpu.memref_slice %arg4[%squeeze3A_41, %dma_start3A_48] : memref<1000000x32xf32, #tpu.memory_space<hbm>> -> memref<1x32xf32, #tpu.memory_space<hbm>>
      tpu.enqueue_dma source(%dma_start3A_49 : memref<1x32xf32, #tpu.memory_space<hbm>>) target(%dma_start3A_47 : memref<1x32xf32, #tpu.memory_space<vmem>>) target_semaphore(%arg13 : memref<!tpu.dma_semaphore, #tpu.memory_space<semaphore_mem>>)
      %mul3A_50 = arith.constant 16 : i32
      %mul3A_51 = arith.muli %scan3A_21, %mul3A_50 : i32
      %add3A_52 = arith.constant 2 : i32
      %add3A_53 = arith.addi %mul3A_51, %add3A_52 : i32
      %slice3A_54 = vector.extract_strided_slice %get3A_24 {offsets = [2], sizes = [1], strides = [1]} : vector<16xi32> to vector<1xi32>
      %squeeze3A_55 = vector.extract %slice3A_54[0] : i32 from vector<1xi32>
      %dma_start3A_56 = arith.constant 0 : i32
      %dma_start3A_57 = tpu.memref_slice %arg12[%add3A_53, %dma_start3A_56] : memref<512x32xf32, #tpu.memory_space<vmem>> -> memref<1x32xf32, #tpu.memory_space<vmem>>
      %dma_start3A_58 = arith.constant 0 : i32
      %dma_start3A_59 = tpu.memref_slice %arg4[%squeeze3A_55, %dma_start3A_58] : memref<1000000x32xf32, #tpu.memory_space<hbm>> -> memref<1x32xf32, #tpu.memory_space<hbm>>
      %dma_start3A_60 = arith.constant 0 : i32
      %dma_start3A_61 = tpu.memref_slice %arg12[%add3A_53, %dma_start3A_60] : memref<512x32xf32, #tpu.memory_space<vmem>> -> memref<1x32xf32, #tpu.memory_space<vmem>>
      %dma_start3A_62 = arith.constant 0 : i32
      %dma_start3A_63 = tpu.memref_slice %arg4[%squeeze3A_55, %dma_start3A_62] : memref<1000000x32xf32, #tpu.memory_space<hbm>> -> memref<1x32xf32, #tpu.memory_space<hbm>>
      tpu.enqueue_dma source(%dma_start3A_63 : memref<1x32xf32, #tpu.memory_space<hbm>>) target(%dma_start3A_61 : memref<1x32xf32, #tpu.memory_space<vmem>>) target_semaphore(%arg13 : memref<!tpu.dma_semaphore, #tpu.memory_space<semaphore_mem>>)
      %mul3A_64 = arith.constant 16 : i32
      %mul3A_65 = arith.muli %scan3A_21, %mul3A_64 : i32
      %add3A_66 = arith.constant 3 : i32
      %add3A_67 = arith.addi %mul3A_65, %add3A_66 : i32
      %slice3A_68 = vector.extract_strided_slice %get3A_24 {offsets = [3], sizes = [1], strides = [1]} : vector<16xi32> to vector<1xi32>
      %squeeze3A_69 = vector.extract %slice3A_68[0] : i32 from vector<1xi32>
      %dma_start3A_70 = arith.constant 0 : i32
      %dma_start3A_71 = tpu.memref_slice %arg12[%add3A_67, %dma_start3A_70] : memref<512x32xf32, #tpu.memory_space<vmem>> -> memref<1x32xf32, #tpu.memory_space<vmem>>
      %dma_start3A_72 = arith.constant 0 : i32
      %dma_start3A_73 = tpu.memref_slice %arg4[%squeeze3A_69, %dma_start3A_72] : memref<1000000x32xf32, #tpu.memory_space<hbm>> -> memref<1x32xf32, #tpu.memory_space<hbm>>
      %dma_start3A_74 = arith.constant 0 : i32
      %dma_start3A_75 = tpu.memref_slice %arg12[%add3A_67, %dma_start3A_74] : memref<512x32xf32, #tpu.memory_space<vmem>> -> memref<1x32xf32, #tpu.memory_space<vmem>>
      %dma_start3A_76 = arith.constant 0 : i32
      %dma_start3A_77 = tpu.memref_slice %arg4[%squeeze3A_69, %dma_start3A_76] : memref<1000000x32xf32, #tpu.memory_space<hbm>> -> memref<1x32xf32, #tpu.memory_space<hbm>>
      tpu.enqueue_dma source(%dma_start3A_77 : memref<1x32xf32, #tpu.memory_space<hbm>>) target(%dma_start3A_75 : memref<1x32xf32, #tpu.memory_space<vmem>>) target_semaphore(%arg13 : memref<!tpu.dma_semaphore, #tpu.memory_space<semaphore_mem>>)
      %mul3A_78 = arith.constant 16 : i32
      %mul3A_79 = arith.muli %scan3A_21, %mul3A_78 : i32
      %add3A_80 = arith.constant 4 : i32
      %add3A_81 = arith.addi %mul3A_79, %add3A_80 : i32
      %slice3A_82 = vector.extract_strided_slice %get3A_24 {offsets = [4], sizes = [1], strides = [1]} : vector<16xi32> to vector<1xi32>
      %squeeze3A_83 = vector.extract %slice3A_82[0] : i32 from vector<1xi32>
      %dma_start3A_84 = arith.constant 0 : i32
      %dma_start3A_85 = tpu.memref_slice %arg12[%add3A_81, %dma_start3A_84] : memref<512x32xf32, #tpu.memory_space<vmem>> -> memref<1x32xf32, #tpu.memory_space<vmem>>
      %dma_start3A_86 = arith.constant 0 : i32
      %dma_start3A_87 = tpu.memref_slice %arg4[%squeeze3A_83, %dma_start3A_86] : memref<1000000x32xf32, #tpu.memory_space<hbm>> -> memref<1x32xf32, #tpu.memory_space<hbm>>
      %dma_start3A_88 = arith.constant 0 : i32
      %dma_start3A_89 = tpu.memref_slice %arg12[%add3A_81, %dma_start3A_88] : memref<512x32xf32, #tpu.memory_space<vmem>> -> memref<1x32xf32, #tpu.memory_space<vmem>>
      %dma_start3A_90 = arith.constant 0 : i32
      %dma_start3A_91 = tpu.memref_slice %arg4[%squeeze3A_83, %dma_start3A_90] : memref<1000000x32xf32, #tpu.memory_space<hbm>> -> memref<1x32xf32, #tpu.memory_space<hbm>>
      tpu.enqueue_dma source(%dma_start3A_91 : memref<1x32xf32, #tpu.memory_space<hbm>>) target(%dma_start3A_89 : memref<1x32xf32, #tpu.memory_space<vmem>>) target_semaphore(%arg13 : memref<!tpu.dma_semaphore, #tpu.memory_space<semaphore_mem>>)
      %mul3A_92 = arith.constant 16 : i32
      %mul3A_93 = arith.muli %scan3A_21, %mul3A_92 : i32
      %add3A_94 = arith.constant 5 : i32
      %add3A_95 = arith.addi %mul3A_93, %add3A_94 : i32
      %slice3A_96 = vector.extract_strided_slice %get3A_24 {offsets = [5], sizes = [1], strides = [1]} : vector<16xi32> to vector<1xi32>
      %squeeze3A_97 = vector.extract %slice3A_96[0] : i32 from vector<1xi32>
      %dma_start3A_98 = arith.constant 0 : i32
      %dma_start3A_99 = tpu.memref_slice %arg12[%add3A_95, %dma_start3A_98] : memref<512x32xf32, #tpu.memory_space<vmem>> -> memref<1x32xf32, #tpu.memory_space<vmem>>
      %dma_start3A_100 = arith.constant 0 : i32
      %dma_start3A_101 = tpu.memref_slice %arg4[%squeeze3A_97, %dma_start3A_100] : memref<1000000x32xf32, #tpu.memory_space<hbm>> -> memref<1x32xf32, #tpu.memory_space<hbm>>
      %dma_start3A_102 = arith.constant 0 : i32
      %dma_start3A_103 = tpu.memref_slice %arg12[%add3A_95, %dma_start3A_102] : memref<512x32xf32, #tpu.memory_space<vmem>> -> memref<1x32xf32, #tpu.memory_space<vmem>>
      %dma_start3A_104 = arith.constant 0 : i32
      %dma_start3A_105 = tpu.memref_slice %arg4[%squeeze3A_97, %dma_start3A_104] : memref<1000000x32xf32, #tpu.memory_space<hbm>> -> memref<1x32xf32, #tpu.memory_space<hbm>>
      tpu.enqueue_dma source(%dma_start3A_105 : memref<1x32xf32, #tpu.memory_space<hbm>>) target(%dma_start3A_103 : memref<1x32xf32, #tpu.memory_space<vmem>>) target_semaphore(%arg13 : memref<!tpu.dma_semaphore, #tpu.memory_space<semaphore_mem>>)
      %mul3A_106 = arith.constant 16 : i32
      %mul3A_107 = arith.muli %scan3A_21, %mul3A_106 : i32
      %add3A_108 = arith.constant 6 : i32
      %add3A_109 = arith.addi %mul3A_107, %add3A_108 : i32
      %slice3A_110 = vector.extract_strided_slice %get3A_24 {offsets = [6], sizes = [1], strides = [1]} : vector<16xi32> to vector<1xi32>
      %squeeze3A_111 = vector.extract %slice3A_110[0] : i32 from vector<1xi32>
      %dma_start3A_112 = arith.constant 0 : i32
      %dma_start3A_113 = tpu.memref_slice %arg12[%add3A_109, %dma_start3A_112] : memref<512x32xf32, #tpu.memory_space<vmem>> -> memref<1x32xf32, #tpu.memory_space<vmem>>
      %dma_start3A_114 = arith.constant 0 : i32
      %dma_start3A_115 = tpu.memref_slice %arg4[%squeeze3A_111, %dma_start3A_114] : memref<1000000x32xf32, #tpu.memory_space<hbm>> -> memref<1x32xf32, #tpu.memory_space<hbm>>
      %dma_start3A_116 = arith.constant 0 : i32
      %dma_start3A_117 = tpu.memref_slice %arg12[%add3A_109, %dma_start3A_116] : memref<512x32xf32, #tpu.memory_space<vmem>> -> memref<1x32xf32, #tpu.memory_space<vmem>>
      %dma_start3A_118 = arith.constant 0 : i32
      %dma_start3A_119 = tpu.memref_slice %arg4[%squeeze3A_111, %dma_start3A_118] : memref<1000000x32xf32, #tpu.memory_space<hbm>> -> memref<1x32xf32, #tpu.memory_space<hbm>>
      tpu.enqueue_dma source(%dma_start3A_119 : memref<1x32xf32, #tpu.memory_space<hbm>>) target(%dma_start3A_117 : memref<1x32xf32, #tpu.memory_space<vmem>>) target_semaphore(%arg13 : memref<!tpu.dma_semaphore, #tpu.memory_space<semaphore_mem>>)
      %mul3A_120 = arith.constant 16 : i32
      %mul3A_121 = arith.muli %scan3A_21, %mul3A_120 : i32
      %add3A_122 = arith.constant 7 : i32
      %add3A_123 = arith.addi %mul3A_121, %add3A_122 : i32
      %slice3A_124 = vector.extract_strided_slice %get3A_24 {offsets = [7], sizes = [1], strides = [1]} : vector<16xi32> to vector<1xi32>
      %squeeze3A_125 = vector.extract %slice3A_124[0] : i32 from vector<1xi32>
      %dma_start3A_126 = arith.constant 0 : i32
      %dma_start3A_127 = tpu.memref_slice %arg12[%add3A_123, %dma_start3A_126] : memref<512x32xf32, #tpu.memory_space<vmem>> -> memref<1x32xf32, #tpu.memory_space<vmem>>
      %dma_start3A_128 = arith.constant 0 : i32
      %dma_start3A_129 = tpu.memref_slice %arg4[%squeeze3A_125, %dma_start3A_128] : memref<1000000x32xf32, #tpu.memory_space<hbm>> -> memref<1x32xf32, #tpu.memory_space<hbm>>
      %dma_start3A_130 = arith.constant 0 : i32
      %dma_start3A_131 = tpu.memref_slice %arg12[%add3A_123, %dma_start3A_130] : memref<512x32xf32, #tpu.memory_space<vmem>> -> memref<1x32xf32, #tpu.memory_space<vmem>>
      %dma_start3A_132 = arith.constant 0 : i32
      %dma_start3A_133 = tpu.memref_slice %arg4[%squeeze3A_125, %dma_start3A_132] : memref<1000000x32xf32, #tpu.memory_space<hbm>> -> memref<1x32xf32, #tpu.memory_space<hbm>>
      tpu.enqueue_dma source(%dma_start3A_133 : memref<1x32xf32, #tpu.memory_space<hbm>>) target(%dma_start3A_131 : memref<1x32xf32, #tpu.memory_space<vmem>>) target_semaphore(%arg13 : memref<!tpu.dma_semaphore, #tpu.memory_space<semaphore_mem>>)
      %mul3A_134 = arith.constant 16 : i32
      %mul3A_135 = arith.muli %scan3A_21, %mul3A_134 : i32
      %add3A_136 = arith.constant 8 : i32
      %add3A_137 = arith.addi %mul3A_135, %add3A_136 : i32
      %slice3A_138 = vector.extract_strided_slice %get3A_24 {offsets = [8], sizes = [1], strides = [1]} : vector<16xi32> to vector<1xi32>
      %squeeze3A_139 = vector.extract %slice3A_138[0] : i32 from vector<1xi32>
      %dma_start3A_140 = arith.constant 0 : i32
      %dma_start3A_141 = tpu.memref_slice %arg12[%add3A_137, %dma_start3A_140] : memref<512x32xf32, #tpu.memory_space<vmem>> -> memref<1x32xf32, #tpu.memory_space<vmem>>
      %dma_start3A_142 = arith.constant 0 : i32
      %dma_start3A_143 = tpu.memref_slice %arg4[%squeeze3A_139, %dma_start3A_142] : memref<1000000x32xf32, #tpu.memory_space<hbm>> -> memref<1x32xf32, #tpu.memory_space<hbm>>
      %dma_start3A_144 = arith.constant 0 : i32
      %dma_start3A_145 = tpu.memref_slice %arg12[%add3A_137, %dma_start3A_144] : memref<512x32xf32, #tpu.memory_space<vmem>> -> memref<1x32xf32, #tpu.memory_space<vmem>>
      %dma_start3A_146 = arith.constant 0 : i32
      %dma_start3A_147 = tpu.memref_slice %arg4[%squeeze3A_139, %dma_start3A_146] : memref<1000000x32xf32, #tpu.memory_space<hbm>> -> memref<1x32xf32, #tpu.memory_space<hbm>>
      tpu.enqueue_dma source(%dma_start3A_147 : memref<1x32xf32, #tpu.memory_space<hbm>>) target(%dma_start3A_145 : memref<1x32xf32, #tpu.memory_space<vmem>>) target_semaphore(%arg13 : memref<!tpu.dma_semaphore, #tpu.memory_space<semaphore_mem>>)
      %mul3A_148 = arith.constant 16 : i32
      %mul3A_149 = arith.muli %scan3A_21, %mul3A_148 : i32
      %add3A_150 = arith.constant 9 : i32
      %add3A_151 = arith.addi %mul3A_149, %add3A_150 : i32
      %slice3A_152 = vector.extract_strided_slice %get3A_24 {offsets = [9], sizes = [1], strides = [1]} : vector<16xi32> to vector<1xi32>
      %squeeze3A_153 = vector.extract %slice3A_152[0] : i32 from vector<1xi32>
      %dma_start3A_154 = arith.constant 0 : i32
      %dma_start3A_155 = tpu.memref_slice %arg12[%add3A_151, %dma_start3A_154] : memref<512x32xf32, #tpu.memory_space<vmem>> -> memref<1x32xf32, #tpu.memory_space<vmem>>
      %dma_start3A_156 = arith.constant 0 : i32
      %dma_start3A_157 = tpu.memref_slice %arg4[%squeeze3A_153, %dma_start3A_156] : memref<1000000x32xf32, #tpu.memory_space<hbm>> -> memref<1x32xf32, #tpu.memory_space<hbm>>
      %dma_start3A_158 = arith.constant 0 : i32
      %dma_start3A_159 = tpu.memref_slice %arg12[%add3A_151, %dma_start3A_158] : memref<512x32xf32, #tpu.memory_space<vmem>> -> memref<1x32xf32, #tpu.memory_space<vmem>>
      %dma_start3A_160 = arith.constant 0 : i32
      %dma_start3A_161 = tpu.memref_slice %arg4[%squeeze3A_153, %dma_start3A_160] : memref<1000000x32xf32, #tpu.memory_space<hbm>> -> memref<1x32xf32, #tpu.memory_space<hbm>>
      tpu.enqueue_dma source(%dma_start3A_161 : memref<1x32xf32, #tpu.memory_space<hbm>>) target(%dma_start3A_159 : memref<1x32xf32, #tpu.memory_space<vmem>>) target_semaphore(%arg13 : memref<!tpu.dma_semaphore, #tpu.memory_space<semaphore_mem>>)
      %mul3A_162 = arith.constant 16 : i32
      %mul3A_163 = arith.muli %scan3A_21, %mul3A_162 : i32
      %add3A_164 = arith.constant 10 : i32
      %add3A_165 = arith.addi %mul3A_163, %add3A_164 : i32
      %slice3A_166 = vector.extract_strided_slice %get3A_24 {offsets = [10], sizes = [1], strides = [1]} : vector<16xi32> to vector<1xi32>
      %squeeze3A_167 = vector.extract %slice3A_166[0] : i32 from vector<1xi32>
      %dma_start3A_168 = arith.constant 0 : i32
      %dma_start3A_169 = tpu.memref_slice %arg12[%add3A_165, %dma_start3A_168] : memref<512x32xf32, #tpu.memory_space<vmem>> -> memref<1x32xf32, #tpu.memory_space<vmem>>
      %dma_start3A_170 = arith.constant 0 : i32
      %dma_start3A_171 = tpu.memref_slice %arg4[%squeeze3A_167, %dma_start3A_170] : memref<1000000x32xf32, #tpu.memory_space<hbm>> -> memref<1x32xf32, #tpu.memory_space<hbm>>
      %dma_start3A_172 = arith.constant 0 : i32
      %dma_start3A_173 = tpu.memref_slice %arg12[%add3A_165, %dma_start3A_172] : memref<512x32xf32, #tpu.memory_space<vmem>> -> memref<1x32xf32, #tpu.memory_space<vmem>>
      %dma_start3A_174 = arith.constant 0 : i32
      %dma_start3A_175 = tpu.memref_slice %arg4[%squeeze3A_167, %dma_start3A_174] : memref<1000000x32xf32, #tpu.memory_space<hbm>> -> memref<1x32xf32, #tpu.memory_space<hbm>>
      tpu.enqueue_dma source(%dma_start3A_175 : memref<1x32xf32, #tpu.memory_space<hbm>>) target(%dma_start3A_173 : memref<1x32xf32, #tpu.memory_space<vmem>>) target_semaphore(%arg13 : memref<!tpu.dma_semaphore, #tpu.memory_space<semaphore_mem>>)
      %mul3A_176 = arith.constant 16 : i32
      %mul3A_177 = arith.muli %scan3A_21, %mul3A_176 : i32
      %add3A_178 = arith.constant 11 : i32
      %add3A_179 = arith.addi %mul3A_177, %add3A_178 : i32
      %slice3A_180 = vector.extract_strided_slice %get3A_24 {offsets = [11], sizes = [1], strides = [1]} : vector<16xi32> to vector<1xi32>
      %squeeze3A_181 = vector.extract %slice3A_180[0] : i32 from vector<1xi32>
      %dma_start3A_182 = arith.constant 0 : i32
      %dma_start3A_183 = tpu.memref_slice %arg12[%add3A_179, %dma_start3A_182] : memref<512x32xf32, #tpu.memory_space<vmem>> -> memref<1x32xf32, #tpu.memory_space<vmem>>
      %dma_start3A_184 = arith.constant 0 : i32
      %dma_start3A_185 = tpu.memref_slice %arg4[%squeeze3A_181, %dma_start3A_184] : memref<1000000x32xf32, #tpu.memory_space<hbm>> -> memref<1x32xf32, #tpu.memory_space<hbm>>
      %dma_start3A_186 = arith.constant 0 : i32
      %dma_start3A_187 = tpu.memref_slice %arg12[%add3A_179, %dma_start3A_186] : memref<512x32xf32, #tpu.memory_space<vmem>> -> memref<1x32xf32, #tpu.memory_space<vmem>>
      %dma_start3A_188 = arith.constant 0 : i32
      %dma_start3A_189 = tpu.memref_slice %arg4[%squeeze3A_181, %dma_start3A_188] : memref<1000000x32xf32, #tpu.memory_space<hbm>> -> memref<1x32xf32, #tpu.memory_space<hbm>>
      tpu.enqueue_dma source(%dma_start3A_189 : memref<1x32xf32, #tpu.memory_space<hbm>>) target(%dma_start3A_187 : memref<1x32xf32, #tpu.memory_space<vmem>>) target_semaphore(%arg13 : memref<!tpu.dma_semaphore, #tpu.memory_space<semaphore_mem>>)
      %mul3A_190 = arith.constant 16 : i32
      %mul3A_191 = arith.muli %scan3A_21, %mul3A_190 : i32
      %add3A_192 = arith.constant 12 : i32
      %add3A_193 = arith.addi %mul3A_191, %add3A_192 : i32
      %slice3A_194 = vector.extract_strided_slice %get3A_24 {offsets = [12], sizes = [1], strides = [1]} : vector<16xi32> to vector<1xi32>
      %squeeze3A_195 = vector.extract %slice3A_194[0] : i32 from vector<1xi32>
      %dma_start3A_196 = arith.constant 0 : i32
      %dma_start3A_197 = tpu.memref_slice %arg12[%add3A_193, %dma_start3A_196] : memref<512x32xf32, #tpu.memory_space<vmem>> -> memref<1x32xf32, #tpu.memory_space<vmem>>
      %dma_start3A_198 = arith.constant 0 : i32
      %dma_start3A_199 = tpu.memref_slice %arg4[%squeeze3A_195, %dma_start3A_198] : memref<1000000x32xf32, #tpu.memory_space<hbm>> -> memref<1x32xf32, #tpu.memory_space<hbm>>
      %dma_start3A_200 = arith.constant 0 : i32
      %dma_start3A_201 = tpu.memref_slice %arg12[%add3A_193, %dma_start3A_200] : memref<512x32xf32, #tpu.memory_space<vmem>> -> memref<1x32xf32, #tpu.memory_space<vmem>>
      %dma_start3A_202 = arith.constant 0 : i32
      %dma_start3A_203 = tpu.memref_slice %arg4[%squeeze3A_195, %dma_start3A_202] : memref<1000000x32xf32, #tpu.memory_space<hbm>> -> memref<1x32xf32, #tpu.memory_space<hbm>>
      tpu.enqueue_dma source(%dma_start3A_203 : memref<1x32xf32, #tpu.memory_space<hbm>>) target(%dma_start3A_201 : memref<1x32xf32, #tpu.memory_space<vmem>>) target_semaphore(%arg13 : memref<!tpu.dma_semaphore, #tpu.memory_space<semaphore_mem>>)
      %mul3A_204 = arith.constant 16 : i32
      %mul3A_205 = arith.muli %scan3A_21, %mul3A_204 : i32
      %add3A_206 = arith.constant 13 : i32
      %add3A_207 = arith.addi %mul3A_205, %add3A_206 : i32
      %slice3A_208 = vector.extract_strided_slice %get3A_24 {offsets = [13], sizes = [1], strides = [1]} : vector<16xi32> to vector<1xi32>
      %squeeze3A_209 = vector.extract %slice3A_208[0] : i32 from vector<1xi32>
      %dma_start3A_210 = arith.constant 0 : i32
      %dma_start3A_211 = tpu.memref_slice %arg12[%add3A_207, %dma_start3A_210] : memref<512x32xf32, #tpu.memory_space<vmem>> -> memref<1x32xf32, #tpu.memory_space<vmem>>
      %dma_start3A_212 = arith.constant 0 : i32
      %dma_start3A_213 = tpu.memref_slice %arg4[%squeeze3A_209, %dma_start3A_212] : memref<1000000x32xf32, #tpu.memory_space<hbm>> -> memref<1x32xf32, #tpu.memory_space<hbm>>
      %dma_start3A_214 = arith.constant 0 : i32
      %dma_start3A_215 = tpu.memref_slice %arg12[%add3A_207, %dma_start3A_214] : memref<512x32xf32, #tpu.memory_space<vmem>> -> memref<1x32xf32, #tpu.memory_space<vmem>>
      %dma_start3A_216 = arith.constant 0 : i32
      %dma_start3A_217 = tpu.memref_slice %arg4[%squeeze3A_209, %dma_start3A_216] : memref<1000000x32xf32, #tpu.memory_space<hbm>> -> memref<1x32xf32, #tpu.memory_space<hbm>>
      tpu.enqueue_dma source(%dma_start3A_217 : memref<1x32xf32, #tpu.memory_space<hbm>>) target(%dma_start3A_215 : memref<1x32xf32, #tpu.memory_space<vmem>>) target_semaphore(%arg13 : memref<!tpu.dma_semaphore, #tpu.memory_space<semaphore_mem>>)
      %mul3A_218 = arith.constant 16 : i32
      %mul3A_219 = arith.muli %scan3A_21, %mul3A_218 : i32
      %add3A_220 = arith.constant 14 : i32
      %add3A_221 = arith.addi %mul3A_219, %add3A_220 : i32
      %slice3A_222 = vector.extract_strided_slice %get3A_24 {offsets = [14], sizes = [1], strides = [1]} : vector<16xi32> to vector<1xi32>
      %squeeze3A_223 = vector.extract %slice3A_222[0] : i32 from vector<1xi32>
      %dma_start3A_224 = arith.constant 0 : i32
      %dma_start3A_225 = tpu.memref_slice %arg12[%add3A_221, %dma_start3A_224] : memref<512x32xf32, #tpu.memory_space<vmem>> -> memref<1x32xf32, #tpu.memory_space<vmem>>
      %dma_start3A_226 = arith.constant 0 : i32
      %dma_start3A_227 = tpu.memref_slice %arg4[%squeeze3A_223, %dma_start3A_226] : memref<1000000x32xf32, #tpu.memory_space<hbm>> -> memref<1x32xf32, #tpu.memory_space<hbm>>
      %dma_start3A_228 = arith.constant 0 : i32
      %dma_start3A_229 = tpu.memref_slice %arg12[%add3A_221, %dma_start3A_228] : memref<512x32xf32, #tpu.memory_space<vmem>> -> memref<1x32xf32, #tpu.memory_space<vmem>>
      %dma_start3A_230 = arith.constant 0 : i32
      %dma_start3A_231 = tpu.memref_slice %arg4[%squeeze3A_223, %dma_start3A_230] : memref<1000000x32xf32, #tpu.memory_space<hbm>> -> memref<1x32xf32, #tpu.memory_space<hbm>>
      tpu.enqueue_dma source(%dma_start3A_231 : memref<1x32xf32, #tpu.memory_space<hbm>>) target(%dma_start3A_229 : memref<1x32xf32, #tpu.memory_space<vmem>>) target_semaphore(%arg13 : memref<!tpu.dma_semaphore, #tpu.memory_space<semaphore_mem>>)
      %mul3A_232 = arith.constant 16 : i32
      %mul3A_233 = arith.muli %scan3A_21, %mul3A_232 : i32
      %add3A_234 = arith.constant 15 : i32
      %add3A_235 = arith.addi %mul3A_233, %add3A_234 : i32
      %slice3A_236 = vector.extract_strided_slice %get3A_24 {offsets = [15], sizes = [1], strides = [1]} : vector<16xi32> to vector<1xi32>
      %squeeze3A_237 = vector.extract %slice3A_236[0] : i32 from vector<1xi32>
      %dma_start3A_238 = arith.constant 0 : i32
      %dma_start3A_239 = tpu.memref_slice %arg12[%add3A_235, %dma_start3A_238] : memref<512x32xf32, #tpu.memory_space<vmem>> -> memref<1x32xf32, #tpu.memory_space<vmem>>
      %dma_start3A_240 = arith.constant 0 : i32
      %dma_start3A_241 = tpu.memref_slice %arg4[%squeeze3A_237, %dma_start3A_240] : memref<1000000x32xf32, #tpu.memory_space<hbm>> -> memref<1x32xf32, #tpu.memory_space<hbm>>
      %dma_start3A_242 = arith.constant 0 : i32
      %dma_start3A_243 = tpu.memref_slice %arg12[%add3A_235, %dma_start3A_242] : memref<512x32xf32, #tpu.memory_space<vmem>> -> memref<1x32xf32, #tpu.memory_space<vmem>>
      %dma_start3A_244 = arith.constant 0 : i32
      %dma_start3A_245 = tpu.memref_slice %arg4[%squeeze3A_237, %dma_start3A_244] : memref<1000000x32xf32, #tpu.memory_space<hbm>> -> memref<1x32xf32, #tpu.memory_space<hbm>>
      tpu.enqueue_dma source(%dma_start3A_245 : memref<1x32xf32, #tpu.memory_space<hbm>>) target(%dma_start3A_243 : memref<1x32xf32, #tpu.memory_space<vmem>>) target_semaphore(%arg13 : memref<!tpu.dma_semaphore, #tpu.memory_space<semaphore_mem>>)
      %scan3A_246 = arith.constant 1 : i32
      %scan3A_247 = arith.addi %scan3A_21, %scan3A_246 : i32
      %mul3A_248 = arith.constant 16 : i32
      %mul3A_249 = arith.muli %scan3A_247, %mul3A_248 : i32
      %get3A_250 = arith.index_cast %mul3A_249 : i32 to index
      %get3A_251 = tpu.vector_load %arg8[%get3A_250] {strides = array<i32>} : memref<512xi32, #tpu.memory_space<vmem>>, vector<16xi32>,
      %mul3A_252 = arith.constant 16 : i32
      %mul3A_253 = arith.muli %scan3A_247, %mul3A_252 : i32
      %add3A_254 = arith.constant 0 : i32
      %add3A_255 = arith.addi %mul3A_253, %add3A_254 : i32
      %slice3A_256 = vector.extract_strided_slice %get3A_251 {offsets = [0], sizes = [1], strides = [1]} : vector<16xi32> to vector<1xi32>
      %squeeze3A_257 = vector.extract %slice3A_256[0] : i32 from vector<1xi32>
      %dma_start3A_258 = arith.constant 0 : i32
      %dma_start3A_259 = tpu.memref_slice %arg12[%add3A_255, %dma_start3A_258] : memref<512x32xf32, #tpu.memory_space<vmem>> -> memref<1x32xf32, #tpu.memory_space<vmem>>
      %dma_start3A_260 = arith.constant 0 : i32
      %dma_start3A_261 = tpu.memref_slice %arg4[%squeeze3A_257, %dma_start3A_260] : memref<1000000x32xf32, #tpu.memory_space<hbm>> -> memref<1x32xf32, #tpu.memory_space<hbm>>
      %dma_start3A_262 = arith.constant 0 : i32
      %dma_start3A_263 = tpu.memref_slice %arg12[%add3A_255, %dma_start3A_262] : memref<512x32xf32, #tpu.memory_space<vmem>> -> memref<1x32xf32, #tpu.memory_space<vmem>>
      %dma_start3A_264 = arith.constant 0 : i32
      %dma_start3A_265 = tpu.memref_slice %arg4[%squeeze3A_257, %dma_start3A_264] : memref<1000000x32xf32, #tpu.memory_space<hbm>> -> memref<1x32xf32, #tpu.memory_space<hbm>>
      tpu.enqueue_dma source(%dma_start3A_265 : memref<1x32xf32, #tpu.memory_space<hbm>>) target(%dma_start3A_263 : memref<1x32xf32, #tpu.memory_space<vmem>>) target_semaphore(%arg13 : memref<!tpu.dma_semaphore, #tpu.memory_space<semaphore_mem>>)
      %mul3A_266 = arith.constant 16 : i32
      %mul3A_267 = arith.muli %scan3A_247, %mul3A_266 : i32
      %add3A_268 = arith.constant 1 : i32
      %add3A_269 = arith.addi %mul3A_267, %add3A_268 : i32
      %slice3A_270 = vector.extract_strided_slice %get3A_251 {offsets = [1], sizes = [1], strides = [1]} : vector<16xi32> to vector<1xi32>
      %squeeze3A_271 = vector.extract %slice3A_270[0] : i32 from vector<1xi32>
      %dma_start3A_272 = arith.constant 0 : i32
      %dma_start3A_273 = tpu.memref_slice %arg12[%add3A_269, %dma_start3A_272] : memref<512x32xf32, #tpu.memory_space<vmem>> -> memref<1x32xf32, #tpu.memory_space<vmem>>
      %dma_start3A_274 = arith.constant 0 : i32
      %dma_start3A_275 = tpu.memref_slice %arg4[%squeeze3A_271, %dma_start3A_274] : memref<1000000x32xf32, #tpu.memory_space<hbm>> -> memref<1x32xf32, #tpu.memory_space<hbm>>
      %dma_start3A_276 = arith.constant 0 : i32
      %dma_start3A_277 = tpu.memref_slice %arg12[%add3A_269, %dma_start3A_276] : memref<512x32xf32, #tpu.memory_space<vmem>> -> memref<1x32xf32, #tpu.memory_space<vmem>>
      %dma_start3A_278 = arith.constant 0 : i32
      %dma_start3A_279 = tpu.memref_slice %arg4[%squeeze3A_271, %dma_start3A_278] : memref<1000000x32xf32, #tpu.memory_space<hbm>> -> memref<1x32xf32, #tpu.memory_space<hbm>>
      tpu.enqueue_dma source(%dma_start3A_279 : memref<1x32xf32, #tpu.memory_space<hbm>>) target(%dma_start3A_277 : memref<1x32xf32, #tpu.memory_space<vmem>>) target_semaphore(%arg13 : memref<!tpu.dma_semaphore, #tpu.memory_space<semaphore_mem>>)
      %mul3A_280 = arith.constant 16 : i32
      %mul3A_281 = arith.muli %scan3A_247, %mul3A_280 : i32
      %add3A_282 = arith.constant 2 : i32
      %add3A_283 = arith.addi %mul3A_281, %add3A_282 : i32
      %slice3A_284 = vector.extract_strided_slice %get3A_251 {offsets = [2], sizes = [1], strides = [1]} : vector<16xi32> to vector<1xi32>
      %squeeze3A_285 = vector.extract %slice3A_284[0] : i32 from vector<1xi32>
      %dma_start3A_286 = arith.constant 0 : i32
      %dma_start3A_287 = tpu.memref_slice %arg12[%add3A_283, %dma_start3A_286] : memref<512x32xf32, #tpu.memory_space<vmem>> -> memref<1x32xf32, #tpu.memory_space<vmem>>
      %dma_start3A_288 = arith.constant 0 : i32
      %dma_start3A_289 = tpu.memref_slice %arg4[%squeeze3A_285, %dma_start3A_288] : memref<1000000x32xf32, #tpu.memory_space<hbm>> -> memref<1x32xf32, #tpu.memory_space<hbm>>
      %dma_start3A_290 = arith.constant 0 : i32
      %dma_start3A_291 = tpu.memref_slice %arg12[%add3A_283, %dma_start3A_290] : memref<512x32xf32, #tpu.memory_space<vmem>> -> memref<1x32xf32, #tpu.memory_space<vmem>>
      %dma_start3A_292 = arith.constant 0 : i32
      %dma_start3A_293 = tpu.memref_slice %arg4[%squeeze3A_285, %dma_start3A_292] : memref<1000000x32xf32, #tpu.memory_space<hbm>> -> memref<1x32xf32, #tpu.memory_space<hbm>>
      tpu.enqueue_dma source(%dma_start3A_293 : memref<1x32xf32, #tpu.memory_space<hbm>>) target(%dma_start3A_291 : memref<1x32xf32, #tpu.memory_space<vmem>>) target_semaphore(%arg13 : memref<!tpu.dma_semaphore, #tpu.memory_space<semaphore_mem>>)
      %mul3A_294 = arith.constant 16 : i32
      %mul3A_295 = arith.muli %scan3A_247, %mul3A_294 : i32
      %add3A_296 = arith.constant 3 : i32
      %add3A_297 = arith.addi %mul3A_295, %add3A_296 : i32
      %slice3A_298 = vector.extract_strided_slice %get3A_251 {offsets = [3], sizes = [1], strides = [1]} : vector<16xi32> to vector<1xi32>
      %squeeze3A_299 = vector.extract %slice3A_298[0] : i32 from vector<1xi32>
      %dma_start3A_300 = arith.constant 0 : i32
      %dma_start3A_301 = tpu.memref_slice %arg12[%add3A_297, %dma_start3A_300] : memref<512x32xf32, #tpu.memory_space<vmem>> -> memref<1x32xf32, #tpu.memory_space<vmem>>
      %dma_start3A_302 = arith.constant 0 : i32
      %dma_start3A_303 = tpu.memref_slice %arg4[%squeeze3A_299, %dma_start3A_302] : memref<1000000x32xf32, #tpu.memory_space<hbm>> -> memref<1x32xf32, #tpu.memory_space<hbm>>
      %dma_start3A_304 = arith.constant 0 : i32
      %dma_start3A_305 = tpu.memref_slice %arg12[%add3A_297, %dma_start3A_304] : memref<512x32xf32, #tpu.memory_space<vmem>> -> memref<1x32xf32, #tpu.memory_space<vmem>>
      %dma_start3A_306 = arith.constant 0 : i32
      %dma_start3A_307 = tpu.memref_slice %arg4[%squeeze3A_299, %dma_start3A_306] : memref<1000000x32xf32, #tpu.memory_space<hbm>> -> memref<1x32xf32, #tpu.memory_space<hbm>>
      tpu.enqueue_dma source(%dma_start3A_307 : memref<1x32xf32, #tpu.memory_space<hbm>>) target(%dma_start3A_305 : memref<1x32xf32, #tpu.memory_space<vmem>>) target_semaphore(%arg13 : memref<!tpu.dma_semaphore, #tpu.memory_space<semaphore_mem>>)
      %mul3A_308 = arith.constant 16 : i32
      %mul3A_309 = arith.muli %scan3A_247, %mul3A_308 : i32
      %add3A_310 = arith.constant 4 : i32
      %add3A_311 = arith.addi %mul3A_309, %add3A_310 : i32
      %slice3A_312 = vector.extract_strided_slice %get3A_251 {offsets = [4], sizes = [1], strides = [1]} : vector<16xi32> to vector<1xi32>
      %squeeze3A_313 = vector.extract %slice3A_312[0] : i32 from vector<1xi32>
      %dma_start3A_314 = arith.constant 0 : i32
      %dma_start3A_315 = tpu.memref_slice %arg12[%add3A_311, %dma_start3A_314] : memref<512x32xf32, #tpu.memory_space<vmem>> -> memref<1x32xf32, #tpu.memory_space<vmem>>
      %dma_start3A_316 = arith.constant 0 : i32
      %dma_start3A_317 = tpu.memref_slice %arg4[%squeeze3A_313, %dma_start3A_316] : memref<1000000x32xf32, #tpu.memory_space<hbm>> -> memref<1x32xf32, #tpu.memory_space<hbm>>
      %dma_start3A_318 = arith.constant 0 : i32
      %dma_start3A_319 = tpu.memref_slice %arg12[%add3A_311, %dma_start3A_318] : memref<512x32xf32, #tpu.memory_space<vmem>> -> memref<1x32xf32, #tpu.memory_space<vmem>>
      %dma_start3A_320 = arith.constant 0 : i32
      %dma_start3A_321 = tpu.memref_slice %arg4[%squeeze3A_313, %dma_start3A_320] : memref<1000000x32xf32, #tpu.memory_space<hbm>> -> memref<1x32xf32, #tpu.memory_space<hbm>>
      tpu.enqueue_dma source(%dma_start3A_321 : memref<1x32xf32, #tpu.memory_space<hbm>>) target(%dma_start3A_319 : memref<1x32xf32, #tpu.memory_space<vmem>>) target_semaphore(%arg13 : memref<!tpu.dma_semaphore, #tpu.memory_space<semaphore_mem>>)
      %mul3A_322 = arith.constant 16 : i32
      %mul3A_323 = arith.muli %scan3A_247, %mul3A_322 : i32
      %add3A_324 = arith.constant 5 : i32
      %add3A_325 = arith.addi %mul3A_323, %add3A_324 : i32
      %slice3A_326 = vector.extract_strided_slice %get3A_251 {offsets = [5], sizes = [1], strides = [1]} : vector<16xi32> to vector<1xi32>
      %squeeze3A_327 = vector.extract %slice3A_326[0] : i32 from vector<1xi32>
      %dma_start3A_328 = arith.constant 0 : i32
      %dma_start3A_329 = tpu.memref_slice %arg12[%add3A_325, %dma_start3A_328] : memref<512x32xf32, #tpu.memory_space<vmem>> -> memref<1x32xf32, #tpu.memory_space<vmem>>
      %dma_start3A_330 = arith.constant 0 : i32
      %dma_start3A_331 = tpu.memref_slice %arg4[%squeeze3A_327, %dma_start3A_330] : memref<1000000x32xf32, #tpu.memory_space<hbm>> -> memref<1x32xf32, #tpu.memory_space<hbm>>
      %dma_start3A_332 = arith.constant 0 : i32
      %dma_start3A_333 = tpu.memref_slice %arg12[%add3A_325, %dma_start3A_332] : memref<512x32xf32, #tpu.memory_space<vmem>> -> memref<1x32xf32, #tpu.memory_space<vmem>>
      %dma_start3A_334 = arith.constant 0 : i32
      %dma_start3A_335 = tpu.memref_slice %arg4[%squeeze3A_327, %dma_start3A_334] : memref<1000000x32xf32, #tpu.memory_space<hbm>> -> memref<1x32xf32, #tpu.memory_space<hbm>>
      tpu.enqueue_dma source(%dma_start3A_335 : memref<1x32xf32, #tpu.memory_space<hbm>>) target(%dma_start3A_333 : memref<1x32xf32, #tpu.memory_space<vmem>>) target_semaphore(%arg13 : memref<!tpu.dma_semaphore, #tpu.memory_space<semaphore_mem>>)
      %mul3A_336 = arith.constant 16 : i32
      %mul3A_337 = arith.muli %scan3A_247, %mul3A_336 : i32
      %add3A_338 = arith.constant 6 : i32
      %add3A_339 = arith.addi %mul3A_337, %add3A_338 : i32
      %slice3A_340 = vector.extract_strided_slice %get3A_251 {offsets = [6], sizes = [1], strides = [1]} : vector<16xi32> to vector<1xi32>
      %squeeze3A_341 = vector.extract %slice3A_340[0] : i32 from vector<1xi32>
      %dma_start3A_342 = arith.constant 0 : i32
      %dma_start3A_343 = tpu.memref_slice %arg12[%add3A_339, %dma_start3A_342] : memref<512x32xf32, #tpu.memory_space<vmem>> -> memref<1x32xf32, #tpu.memory_space<vmem>>
      %dma_start3A_344 = arith.constant 0 : i32
      %dma_start3A_345 = tpu.memref_slice %arg4[%squeeze3A_341, %dma_start3A_344] : memref<1000000x32xf32, #tpu.memory_space<hbm>> -> memref<1x32xf32, #tpu.memory_space<hbm>>
      %dma_start3A_346 = arith.constant 0 : i32
      %dma_start3A_347 = tpu.memref_slice %arg12[%add3A_339, %dma_start3A_346] : memref<512x32xf32, #tpu.memory_space<vmem>> -> memref<1x32xf32, #tpu.memory_space<vmem>>
      %dma_start3A_348 = arith.constant 0 : i32
      %dma_start3A_349 = tpu.memref_slice %arg4[%squeeze3A_341, %dma_start3A_348] : memref<1000000x32xf32, #tpu.memory_space<hbm>> -> memref<1x32xf32, #tpu.memory_space<hbm>>
      tpu.enqueue_dma source(%dma_start3A_349 : memref<1x32xf32, #tpu.memory_space<hbm>>) target(%dma_start3A_347 : memref<1x32xf32, #tpu.memory_space<vmem>>) target_semaphore(%arg13 : memref<!tpu.dma_semaphore, #tpu.memory_space<semaphore_mem>>)
      %mul3A_350 = arith.constant 16 : i32
      %mul3A_351 = arith.muli %scan3A_247, %mul3A_350 : i32
      %add3A_352 = arith.constant 7 : i32
      %add3A_353 = arith.addi %mul3A_351, %add3A_352 : i32
      %slice3A_354 = vector.extract_strided_slice %get3A_251 {offsets = [7], sizes = [1], strides = [1]} : vector<16xi32> to vector<1xi32>
      %squeeze3A_355 = vector.extract %slice3A_354[0] : i32 from vector<1xi32>
      %dma_start3A_356 = arith.constant 0 : i32
      %dma_start3A_357 = tpu.memref_slice %arg12[%add3A_353, %dma_start3A_356] : memref<512x32xf32, #tpu.memory_space<vmem>> -> memref<1x32xf32, #tpu.memory_space<vmem>>
      %dma_start3A_358 = arith.constant 0 : i32
      %dma_start3A_359 = tpu.memref_slice %arg4[%squeeze3A_355, %dma_start3A_358] : memref<1000000x32xf32, #tpu.memory_space<hbm>> -> memref<1x32xf32, #tpu.memory_space<hbm>>
      %dma_start3A_360 = arith.constant 0 : i32
      %dma_start3A_361 = tpu.memref_slice %arg12[%add3A_353, %dma_start3A_360] : memref<512x32xf32, #tpu.memory_space<vmem>> -> memref<1x32xf32, #tpu.memory_space<vmem>>
      %dma_start3A_362 = arith.constant 0 : i32
      %dma_start3A_363 = tpu.memref_slice %arg4[%squeeze3A_355, %dma_start3A_362] : memref<1000000x32xf32, #tpu.memory_space<hbm>> -> memref<1x32xf32, #tpu.memory_space<hbm>>
      tpu.enqueue_dma source(%dma_start3A_363 : memref<1x32xf32, #tpu.memory_space<hbm>>) target(%dma_start3A_361 : memref<1x32xf32, #tpu.memory_space<vmem>>) target_semaphore(%arg13 : memref<!tpu.dma_semaphore, #tpu.memory_space<semaphore_mem>>)
      %mul3A_364 = arith.constant 16 : i32
      %mul3A_365 = arith.muli %scan3A_247, %mul3A_364 : i32
      %add3A_366 = arith.constant 8 : i32
      %add3A_367 = arith.addi %mul3A_365, %add3A_366 : i32
      %slice3A_368 = vector.extract_strided_slice %get3A_251 {offsets = [8], sizes = [1], strides = [1]} : vector<16xi32> to vector<1xi32>
      %squeeze3A_369 = vector.extract %slice3A_368[0] : i32 from vector<1xi32>
      %dma_start3A_370 = arith.constant 0 : i32
      %dma_start3A_371 = tpu.memref_slice %arg12[%add3A_367, %dma_start3A_370] : memref<512x32xf32, #tpu.memory_space<vmem>> -> memref<1x32xf32, #tpu.memory_space<vmem>>
      %dma_start3A_372 = arith.constant 0 : i32
      %dma_start3A_373 = tpu.memref_slice %arg4[%squeeze3A_369, %dma_start3A_372] : memref<1000000x32xf32, #tpu.memory_space<hbm>> -> memref<1x32xf32, #tpu.memory_space<hbm>>
      %dma_start3A_374 = arith.constant 0 : i32
      %dma_start3A_375 = tpu.memref_slice %arg12[%add3A_367, %dma_start3A_374] : memref<512x32xf32, #tpu.memory_space<vmem>> -> memref<1x32xf32, #tpu.memory_space<vmem>>
      %dma_start3A_376 = arith.constant 0 : i32
      %dma_start3A_377 = tpu.memref_slice %arg4[%squeeze3A_369, %dma_start3A_376] : memref<1000000x32xf32, #tpu.memory_space<hbm>> -> memref<1x32xf32, #tpu.memory_space<hbm>>
      tpu.enqueue_dma source(%dma_start3A_377 : memref<1x32xf32, #tpu.memory_space<hbm>>) target(%dma_start3A_375 : memref<1x32xf32, #tpu.memory_space<vmem>>) target_semaphore(%arg13 : memref<!tpu.dma_semaphore, #tpu.memory_space<semaphore_mem>>)
      %mul3A_378 = arith.constant 16 : i32
      %mul3A_379 = arith.muli %scan3A_247, %mul3A_378 : i32
      %add3A_380 = arith.constant 9 : i32
      %add3A_381 = arith.addi %mul3A_379, %add3A_380 : i32
      %slice3A_382 = vector.extract_strided_slice %get3A_251 {offsets = [9], sizes = [1], strides = [1]} : vector<16xi32> to vector<1xi32>
      %squeeze3A_383 = vector.extract %slice3A_382[0] : i32 from vector<1xi32>
      %dma_start3A_384 = arith.constant 0 : i32
      %dma_start3A_385 = tpu.memref_slice %arg12[%add3A_381, %dma_start3A_384] : memref<512x32xf32, #tpu.memory_space<vmem>> -> memref<1x32xf32, #tpu.memory_space<vmem>>
      %dma_start3A_386 = arith.constant 0 : i32
      %dma_start3A_387 = tpu.memref_slice %arg4[%squeeze3A_383, %dma_start3A_386] : memref<1000000x32xf32, #tpu.memory_space<hbm>> -> memref<1x32xf32, #tpu.memory_space<hbm>>
      %dma_start3A_388 = arith.constant 0 : i32
      %dma_start3A_389 = tpu.memref_slice %arg12[%add3A_381, %dma_start3A_388] : memref<512x32xf32, #tpu.memory_space<vmem>> -> memref<1x32xf32, #tpu.memory_space<vmem>>
      %dma_start3A_390 = arith.constant 0 : i32
      %dma_start3A_391 = tpu.memref_slice %arg4[%squeeze3A_383, %dma_start3A_390] : memref<1000000x32xf32, #tpu.memory_space<hbm>> -> memref<1x32xf32, #tpu.memory_space<hbm>>
      tpu.enqueue_dma source(%dma_start3A_391 : memref<1x32xf32, #tpu.memory_space<hbm>>) target(%dma_start3A_389 : memref<1x32xf32, #tpu.memory_space<vmem>>) target_semaphore(%arg13 : memref<!tpu.dma_semaphore, #tpu.memory_space<semaphore_mem>>)
      %mul3A_392 = arith.constant 16 : i32
      %mul3A_393 = arith.muli %scan3A_247, %mul3A_392 : i32
      %add3A_394 = arith.constant 10 : i32
      %add3A_395 = arith.addi %mul3A_393, %add3A_394 : i32
      %slice3A_396 = vector.extract_strided_slice %get3A_251 {offsets = [10], sizes = [1], strides = [1]} : vector<16xi32> to vector<1xi32>
      %squeeze3A_397 = vector.extract %slice3A_396[0] : i32 from vector<1xi32>
      %dma_start3A_398 = arith.constant 0 : i32
      %dma_start3A_399 = tpu.memref_slice %arg12[%add3A_395, %dma_start3A_398] : memref<512x32xf32, #tpu.memory_space<vmem>> -> memref<1x32xf32, #tpu.memory_space<vmem>>
      %dma_start3A_400 = arith.constant 0 : i32
      %dma_start3A_401 = tpu.memref_slice %arg4[%squeeze3A_397, %dma_start3A_400] : memref<1000000x32xf32, #tpu.memory_space<hbm>> -> memref<1x32xf32, #tpu.memory_space<hbm>>
      %dma_start3A_402 = arith.constant 0 : i32
      %dma_start3A_403 = tpu.memref_slice %arg12[%add3A_395, %dma_start3A_402] : memref<512x32xf32, #tpu.memory_space<vmem>> -> memref<1x32xf32, #tpu.memory_space<vmem>>
      %dma_start3A_404 = arith.constant 0 : i32
      %dma_start3A_405 = tpu.memref_slice %arg4[%squeeze3A_397, %dma_start3A_404] : memref<1000000x32xf32, #tpu.memory_space<hbm>> -> memref<1x32xf32, #tpu.memory_space<hbm>>
      tpu.enqueue_dma source(%dma_start3A_405 : memref<1x32xf32, #tpu.memory_space<hbm>>) target(%dma_start3A_403 : memref<1x32xf32, #tpu.memory_space<vmem>>) target_semaphore(%arg13 : memref<!tpu.dma_semaphore, #tpu.memory_space<semaphore_mem>>)
      %mul3A_406 = arith.constant 16 : i32
      %mul3A_407 = arith.muli %scan3A_247, %mul3A_406 : i32
      %add3A_408 = arith.constant 11 : i32
      %add3A_409 = arith.addi %mul3A_407, %add3A_408 : i32
      %slice3A_410 = vector.extract_strided_slice %get3A_251 {offsets = [11], sizes = [1], strides = [1]} : vector<16xi32> to vector<1xi32>
      %squeeze3A_411 = vector.extract %slice3A_410[0] : i32 from vector<1xi32>
      %dma_start3A_412 = arith.constant 0 : i32
      %dma_start3A_413 = tpu.memref_slice %arg12[%add3A_409, %dma_start3A_412] : memref<512x32xf32, #tpu.memory_space<vmem>> -> memref<1x32xf32, #tpu.memory_space<vmem>>
      %dma_start3A_414 = arith.constant 0 : i32
      %dma_start3A_415 = tpu.memref_slice %arg4[%squeeze3A_411, %dma_start3A_414] : memref<1000000x32xf32, #tpu.memory_space<hbm>> -> memref<1x32xf32, #tpu.memory_space<hbm>>
      %dma_start3A_416 = arith.constant 0 : i32
      %dma_start3A_417 = tpu.memref_slice %arg12[%add3A_409, %dma_start3A_416] : memref<512x32xf32, #tpu.memory_space<vmem>> -> memref<1x32xf32, #tpu.memory_space<vmem>>
      %dma_start3A_418 = arith.constant 0 : i32
      %dma_start3A_419 = tpu.memref_slice %arg4[%squeeze3A_411, %dma_start3A_418] : memref<1000000x32xf32, #tpu.memory_space<hbm>> -> memref<1x32xf32, #tpu.memory_space<hbm>>
      tpu.enqueue_dma source(%dma_start3A_419 : memref<1x32xf32, #tpu.memory_space<hbm>>) target(%dma_start3A_417 : memref<1x32xf32, #tpu.memory_space<vmem>>) target_semaphore(%arg13 : memref<!tpu.dma_semaphore, #tpu.memory_space<semaphore_mem>>)
      %mul3A_420 = arith.constant 16 : i32
      %mul3A_421 = arith.muli %scan3A_247, %mul3A_420 : i32
      %add3A_422 = arith.constant 12 : i32
      %add3A_423 = arith.addi %mul3A_421, %add3A_422 : i32
      %slice3A_424 = vector.extract_strided_slice %get3A_251 {offsets = [12], sizes = [1], strides = [1]} : vector<16xi32> to vector<1xi32>
      %squeeze3A_425 = vector.extract %slice3A_424[0] : i32 from vector<1xi32>
      %dma_start3A_426 = arith.constant 0 : i32
      %dma_start3A_427 = tpu.memref_slice %arg12[%add3A_423, %dma_start3A_426] : memref<512x32xf32, #tpu.memory_space<vmem>> -> memref<1x32xf32, #tpu.memory_space<vmem>>
      %dma_start3A_428 = arith.constant 0 : i32
      %dma_start3A_429 = tpu.memref_slice %arg4[%squeeze3A_425, %dma_start3A_428] : memref<1000000x32xf32, #tpu.memory_space<hbm>> -> memref<1x32xf32, #tpu.memory_space<hbm>>
      %dma_start3A_430 = arith.constant 0 : i32
      %dma_start3A_431 = tpu.memref_slice %arg12[%add3A_423, %dma_start3A_430] : memref<512x32xf32, #tpu.memory_space<vmem>> -> memref<1x32xf32, #tpu.memory_space<vmem>>
      %dma_start3A_432 = arith.constant 0 : i32
      %dma_start3A_433 = tpu.memref_slice %arg4[%squeeze3A_425, %dma_start3A_432] : memref<1000000x32xf32, #tpu.memory_space<hbm>> -> memref<1x32xf32, #tpu.memory_space<hbm>>
      tpu.enqueue_dma source(%dma_start3A_433 : memref<1x32xf32, #tpu.memory_space<hbm>>) target(%dma_start3A_431 : memref<1x32xf32, #tpu.memory_space<vmem>>) target_semaphore(%arg13 : memref<!tpu.dma_semaphore, #tpu.memory_space<semaphore_mem>>)
      %mul3A_434 = arith.constant 16 : i32
      %mul3A_435 = arith.muli %scan3A_247, %mul3A_434 : i32
      %add3A_436 = arith.constant 13 : i32
      %add3A_437 = arith.addi %mul3A_435, %add3A_436 : i32
      %slice3A_438 = vector.extract_strided_slice %get3A_251 {offsets = [13], sizes = [1], strides = [1]} : vector<16xi32> to vector<1xi32>
      %squeeze3A_439 = vector.extract %slice3A_438[0] : i32 from vector<1xi32>
      %dma_start3A_440 = arith.constant 0 : i32
      %dma_start3A_441 = tpu.memref_slice %arg12[%add3A_437, %dma_start3A_440] : memref<512x32xf32, #tpu.memory_space<vmem>> -> memref<1x32xf32, #tpu.memory_space<vmem>>
      %dma_start3A_442 = arith.constant 0 : i32
      %dma_start3A_443 = tpu.memref_slice %arg4[%squeeze3A_439, %dma_start3A_442] : memref<1000000x32xf32, #tpu.memory_space<hbm>> -> memref<1x32xf32, #tpu.memory_space<hbm>>
      %dma_start3A_444 = arith.constant 0 : i32
      %dma_start3A_445 = tpu.memref_slice %arg12[%add3A_437, %dma_start3A_444] : memref<512x32xf32, #tpu.memory_space<vmem>> -> memref<1x32xf32, #tpu.memory_space<vmem>>
      %dma_start3A_446 = arith.constant 0 : i32
      %dma_start3A_447 = tpu.memref_slice %arg4[%squeeze3A_439, %dma_start3A_446] : memref<1000000x32xf32, #tpu.memory_space<hbm>> -> memref<1x32xf32, #tpu.memory_space<hbm>>
      tpu.enqueue_dma source(%dma_start3A_447 : memref<1x32xf32, #tpu.memory_space<hbm>>) target(%dma_start3A_445 : memref<1x32xf32, #tpu.memory_space<vmem>>) target_semaphore(%arg13 : memref<!tpu.dma_semaphore, #tpu.memory_space<semaphore_mem>>)
      %mul3A_448 = arith.constant 16 : i32
      %mul3A_449 = arith.muli %scan3A_247, %mul3A_448 : i32
      %add3A_450 = arith.constant 14 : i32
      %add3A_451 = arith.addi %mul3A_449, %add3A_450 : i32
      %slice3A_452 = vector.extract_strided_slice %get3A_251 {offsets = [14], sizes = [1], strides = [1]} : vector<16xi32> to vector<1xi32>
      %squeeze3A_453 = vector.extract %slice3A_452[0] : i32 from vector<1xi32>
      %dma_start3A_454 = arith.constant 0 : i32
      %dma_start3A_455 = tpu.memref_slice %arg12[%add3A_451, %dma_start3A_454] : memref<512x32xf32, #tpu.memory_space<vmem>> -> memref<1x32xf32, #tpu.memory_space<vmem>>
      %dma_start3A_456 = arith.constant 0 : i32
      %dma_start3A_457 = tpu.memref_slice %arg4[%squeeze3A_453, %dma_start3A_456] : memref<1000000x32xf32, #tpu.memory_space<hbm>> -> memref<1x32xf32, #tpu.memory_space<hbm>>
      %dma_start3A_458 = arith.constant 0 : i32
      %dma_start3A_459 = tpu.memref_slice %arg12[%add3A_451, %dma_start3A_458] : memref<512x32xf32, #tpu.memory_space<vmem>> -> memref<1x32xf32, #tpu.memory_space<vmem>>
      %dma_start3A_460 = arith.constant 0 : i32
      %dma_start3A_461 = tpu.memref_slice %arg4[%squeeze3A_453, %dma_start3A_460] : memref<1000000x32xf32, #tpu.memory_space<hbm>> -> memref<1x32xf32, #tpu.memory_space<hbm>>
      tpu.enqueue_dma source(%dma_start3A_461 : memref<1x32xf32, #tpu.memory_space<hbm>>) target(%dma_start3A_459 : memref<1x32xf32, #tpu.memory_space<vmem>>) target_semaphore(%arg13 : memref<!tpu.dma_semaphore, #tpu.memory_space<semaphore_mem>>)
      %mul3A_462 = arith.constant 16 : i32
      %mul3A_463 = arith.muli %scan3A_247, %mul3A_462 : i32
      %add3A_464 = arith.constant 15 : i32
      %add3A_465 = arith.addi %mul3A_463, %add3A_464 : i32
      %slice3A_466 = vector.extract_strided_slice %get3A_251 {offsets = [15], sizes = [1], strides = [1]} : vector<16xi32> to vector<1xi32>
      %squeeze3A_467 = vector.extract %slice3A_466[0] : i32 from vector<1xi32>
      %dma_start3A_468 = arith.constant 0 : i32
      %dma_start3A_469 = tpu.memref_slice %arg12[%add3A_465, %dma_start3A_468] : memref<512x32xf32, #tpu.memory_space<vmem>> -> memref<1x32xf32, #tpu.memory_space<vmem>>
      %dma_start3A_470 = arith.constant 0 : i32
      %dma_start3A_471 = tpu.memref_slice %arg4[%squeeze3A_467, %dma_start3A_470] : memref<1000000x32xf32, #tpu.memory_space<hbm>> -> memref<1x32xf32, #tpu.memory_space<hbm>>
      %dma_start3A_472 = arith.constant 0 : i32
      %dma_start3A_473 = tpu.memref_slice %arg12[%add3A_465, %dma_start3A_472] : memref<512x32xf32, #tpu.memory_space<vmem>> -> memref<1x32xf32, #tpu.memory_space<vmem>>
      %dma_start3A_474 = arith.constant 0 : i32
      %dma_start3A_475 = tpu.memref_slice %arg4[%squeeze3A_467, %dma_start3A_474] : memref<1000000x32xf32, #tpu.memory_space<hbm>> -> memref<1x32xf32, #tpu.memory_space<hbm>>
      tpu.enqueue_dma source(%dma_start3A_475 : memref<1x32xf32, #tpu.memory_space<hbm>>) target(%dma_start3A_473 : memref<1x32xf32, #tpu.memory_space<vmem>>) target_semaphore(%arg13 : memref<!tpu.dma_semaphore, #tpu.memory_space<semaphore_mem>>)
      %scan3A_476 = arith.constant 2 : i32
      %scan3A_477 = arith.addi %scan3A_21, %scan3A_476 : i32
      %mul3A_478 = arith.constant 16 : i32
      %mul3A_479 = arith.muli %scan3A_477, %mul3A_478 : i32
      %get3A_480 = arith.index_cast %mul3A_479 : i32 to index
      %get3A_481 = tpu.vector_load %arg8[%get3A_480] {strides = array<i32>} : memref<512xi32, #tpu.memory_space<vmem>>, vector<16xi32>,
      %mul3A_482 = arith.constant 16 : i32
      %mul3A_483 = arith.muli %scan3A_477, %mul3A_482 : i32
      %add3A_484 = arith.constant 0 : i32
      %add3A_485 = arith.addi %mul3A_483, %add3A_484 : i32
      %slice3A_486 = vector.extract_strided_slice %get3A_481 {offsets = [0], sizes = [1], strides = [1]} : vector<16xi32> to vector<1xi32>
      %squeeze3A_487 = vector.extract %slice3A_486[0] : i32 from vector<1xi32>
      %dma_start3A_488 = arith.constant 0 : i32
      %dma_start3A_489 = tpu.memref_slice %arg12[%add3A_485, %dma_start3A_488] : memref<512x32xf32, #tpu.memory_space<vmem>> -> memref<1x32xf32, #tpu.memory_space<vmem>>
      %dma_start3A_490 = arith.constant 0 : i32
      %dma_start3A_491 = tpu.memref_slice %arg4[%squeeze3A_487, %dma_start3A_490] : memref<1000000x32xf32, #tpu.memory_space<hbm>> -> memref<1x32xf32, #tpu.memory_space<hbm>>
      %dma_start3A_492 = arith.constant 0 : i32
      %dma_start3A_493 = tpu.memref_slice %arg12[%add3A_485, %dma_start3A_492] : memref<512x32xf32, #tpu.memory_space<vmem>> -> memref<1x32xf32, #tpu.memory_space<vmem>>
      %dma_start3A_494 = arith.constant 0 : i32
      %dma_start3A_495 = tpu.memref_slice %arg4[%squeeze3A_487, %dma_start3A_494] : memref<1000000x32xf32, #tpu.memory_space<hbm>> -> memref<1x32xf32, #tpu.memory_space<hbm>>
      tpu.enqueue_dma source(%dma_start3A_495 : memref<1x32xf32, #tpu.memory_space<hbm>>) target(%dma_start3A_493 : memref<1x32xf32, #tpu.memory_space<vmem>>) target_semaphore(%arg13 : memref<!tpu.dma_semaphore, #tpu.memory_space<semaphore_mem>>)
      %mul3A_496 = arith.constant 16 : i32
      %mul3A_497 = arith.muli %scan3A_477, %mul3A_496 : i32
      %add3A_498 = arith.constant 1 : i32
      %add3A_499 = arith.addi %mul3A_497, %add3A_498 : i32
      %slice3A_500 = vector.extract_strided_slice %get3A_481 {offsets = [1], sizes = [1], strides = [1]} : vector<16xi32> to vector<1xi32>
      %squeeze3A_501 = vector.extract %slice3A_500[0] : i32 from vector<1xi32>
      %dma_start3A_502 = arith.constant 0 : i32
      %dma_start3A_503 = tpu.memref_slice %arg12[%add3A_499, %dma_start3A_502] : memref<512x32xf32, #tpu.memory_space<vmem>> -> memref<1x32xf32, #tpu.memory_space<vmem>>
      %dma_start3A_504 = arith.constant 0 : i32
      %dma_start3A_505 = tpu.memref_slice %arg4[%squeeze3A_501, %dma_start3A_504] : memref<1000000x32xf32, #tpu.memory_space<hbm>> -> memref<1x32xf32, #tpu.memory_space<hbm>>
      %dma_start3A_506 = arith.constant 0 : i32
      %dma_start3A_507 = tpu.memref_slice %arg12[%add3A_499, %dma_start3A_506] : memref<512x32xf32, #tpu.memory_space<vmem>> -> memref<1x32xf32, #tpu.memory_space<vmem>>
      %dma_start3A_508 = arith.constant 0 : i32
      %dma_start3A_509 = tpu.memref_slice %arg4[%squeeze3A_501, %dma_start3A_508] : memref<1000000x32xf32, #tpu.memory_space<hbm>> -> memref<1x32xf32, #tpu.memory_space<hbm>>
      tpu.enqueue_dma source(%dma_start3A_509 : memref<1x32xf32, #tpu.memory_space<hbm>>) target(%dma_start3A_507 : memref<1x32xf32, #tpu.memory_space<vmem>>) target_semaphore(%arg13 : memref<!tpu.dma_semaphore, #tpu.memory_space<semaphore_mem>>)
      %mul3A_510 = arith.constant 16 : i32
      %mul3A_511 = arith.muli %scan3A_477, %mul3A_510 : i32
      %add3A_512 = arith.constant 2 : i32
      %add3A_513 = arith.addi %mul3A_511, %add3A_512 : i32
      %slice3A_514 = vector.extract_strided_slice %get3A_481 {offsets = [2], sizes = [1], strides = [1]} : vector<16xi32> to vector<1xi32>
      %squeeze3A_515 = vector.extract %slice3A_514[0] : i32 from vector<1xi32>
      %dma_start3A_516 = arith.constant 0 : i32
      %dma_start3A_517 = tpu.memref_slice %arg12[%add3A_513, %dma_start3A_516] : memref<512x32xf32, #tpu.memory_space<vmem>> -> memref<1x32xf32, #tpu.memory_space<vmem>>
      %dma_start3A_518 = arith.constant 0 : i32
      %dma_start3A_519 = tpu.memref_slice %arg4[%squeeze3A_515, %dma_start3A_518] : memref<1000000x32xf32, #tpu.memory_space<hbm>> -> memref<1x32xf32, #tpu.memory_space<hbm>>
      %dma_start3A_520 = arith.constant 0 : i32
      %dma_start3A_521 = tpu.memref_slice %arg12[%add3A_513, %dma_start3A_520] : memref<512x32xf32, #tpu.memory_space<vmem>> -> memref<1x32xf32, #tpu.memory_space<vmem>>
      %dma_start3A_522 = arith.constant 0 : i32
      %dma_start3A_523 = tpu.memref_slice %arg4[%squeeze3A_515, %dma_start3A_522] : memref<1000000x32xf32, #tpu.memory_space<hbm>> -> memref<1x32xf32, #tpu.memory_space<hbm>>
      tpu.enqueue_dma source(%dma_start3A_523 : memref<1x32xf32, #tpu.memory_space<hbm>>) target(%dma_start3A_521 : memref<1x32xf32, #tpu.memory_space<vmem>>) target_semaphore(%arg13 : memref<!tpu.dma_semaphore, #tpu.memory_space<semaphore_mem>>)
      %mul3A_524 = arith.constant 16 : i32
      %mul3A_525 = arith.muli %scan3A_477, %mul3A_524 : i32
      %add3A_526 = arith.constant 3 : i32
      %add3A_527 = arith.addi %mul3A_525, %add3A_526 : i32
      %slice3A_528 = vector.extract_strided_slice %get3A_481 {offsets = [3], sizes = [1], strides = [1]} : vector<16xi32> to vector<1xi32>
      %squeeze3A_529 = vector.extract %slice3A_528[0] : i32 from vector<1xi32>
      %dma_start3A_530 = arith.constant 0 : i32
      %dma_start3A_531 = tpu.memref_slice %arg12[%add3A_527, %dma_start3A_530] : memref<512x32xf32, #tpu.memory_space<vmem>> -> memref<1x32xf32, #tpu.memory_space<vmem>>
      %dma_start3A_532 = arith.constant 0 : i32
      %dma_start3A_533 = tpu.memref_slice %arg4[%squeeze3A_529, %dma_start3A_532] : memref<1000000x32xf32, #tpu.memory_space<hbm>> -> memref<1x32xf32, #tpu.memory_space<hbm>>
      %dma_start3A_534 = arith.constant 0 : i32
      %dma_start3A_535 = tpu.memref_slice %arg12[%add3A_527, %dma_start3A_534] : memref<512x32xf32, #tpu.memory_space<vmem>> -> memref<1x32xf32, #tpu.memory_space<vmem>>
      %dma_start3A_536 = arith.constant 0 : i32
      %dma_start3A_537 = tpu.memref_slice %arg4[%squeeze3A_529, %dma_start3A_536] : memref<1000000x32xf32, #tpu.memory_space<hbm>> -> memref<1x32xf32, #tpu.memory_space<hbm>>
      tpu.enqueue_dma source(%dma_start3A_537 : memref<1x32xf32, #tpu.memory_space<hbm>>) target(%dma_start3A_535 : memref<1x32xf32, #tpu.memory_space<vmem>>) target_semaphore(%arg13 : memref<!tpu.dma_semaphore, #tpu.memory_space<semaphore_mem>>)
      %mul3A_538 = arith.constant 16 : i32
      %mul3A_539 = arith.muli %scan3A_477, %mul3A_538 : i32
      %add3A_540 = arith.constant 4 : i32
      %add3A_541 = arith.addi %mul3A_539, %add3A_540 : i32
      %slice3A_542 = vector.extract_strided_slice %get3A_481 {offsets = [4], sizes = [1], strides = [1]} : vector<16xi32> to vector<1xi32>
      %squeeze3A_543 = vector.extract %slice3A_542[0] : i32 from vector<1xi32>
      %dma_start3A_544 = arith.constant 0 : i32
      %dma_start3A_545 = tpu.memref_slice %arg12[%add3A_541, %dma_start3A_544] : memref<512x32xf32, #tpu.memory_space<vmem>> -> memref<1x32xf32, #tpu.memory_space<vmem>>
      %dma_start3A_546 = arith.constant 0 : i32
      %dma_start3A_547 = tpu.memref_slice %arg4[%squeeze3A_543, %dma_start3A_546] : memref<1000000x32xf32, #tpu.memory_space<hbm>> -> memref<1x32xf32, #tpu.memory_space<hbm>>
      %dma_start3A_548 = arith.constant 0 : i32
      %dma_start3A_549 = tpu.memref_slice %arg12[%add3A_541, %dma_start3A_548] : memref<512x32xf32, #tpu.memory_space<vmem>> -> memref<1x32xf32, #tpu.memory_space<vmem>>
      %dma_start3A_550 = arith.constant 0 : i32
      %dma_start3A_551 = tpu.memref_slice %arg4[%squeeze3A_543, %dma_start3A_550] : memref<1000000x32xf32, #tpu.memory_space<hbm>> -> memref<1x32xf32, #tpu.memory_space<hbm>>
      tpu.enqueue_dma source(%dma_start3A_551 : memref<1x32xf32, #tpu.memory_space<hbm>>) target(%dma_start3A_549 : memref<1x32xf32, #tpu.memory_space<vmem>>) target_semaphore(%arg13 : memref<!tpu.dma_semaphore, #tpu.memory_space<semaphore_mem>>)
      %mul3A_552 = arith.constant 16 : i32
      %mul3A_553 = arith.muli %scan3A_477, %mul3A_552 : i32
      %add3A_554 = arith.constant 5 : i32
      %add3A_555 = arith.addi %mul3A_553, %add3A_554 : i32
      %slice3A_556 = vector.extract_strided_slice %get3A_481 {offsets = [5], sizes = [1], strides = [1]} : vector<16xi32> to vector<1xi32>
      %squeeze3A_557 = vector.extract %slice3A_556[0] : i32 from vector<1xi32>
      %dma_start3A_558 = arith.constant 0 : i32
      %dma_start3A_559 = tpu.memref_slice %arg12[%add3A_555, %dma_start3A_558] : memref<512x32xf32, #tpu.memory_space<vmem>> -> memref<1x32xf32, #tpu.memory_space<vmem>>
      %dma_start3A_560 = arith.constant 0 : i32
      %dma_start3A_561 = tpu.memref_slice %arg4[%squeeze3A_557, %dma_start3A_560] : memref<1000000x32xf32, #tpu.memory_space<hbm>> -> memref<1x32xf32, #tpu.memory_space<hbm>>
      %dma_start3A_562 = arith.constant 0 : i32
      %dma_start3A_563 = tpu.memref_slice %arg12[%add3A_555, %dma_start3A_562] : memref<512x32xf32, #tpu.memory_space<vmem>> -> memref<1x32xf32, #tpu.memory_space<vmem>>
      %dma_start3A_564 = arith.constant 0 : i32
      %dma_start3A_565 = tpu.memref_slice %arg4[%squeeze3A_557, %dma_start3A_564] : memref<1000000x32xf32, #tpu.memory_space<hbm>> -> memref<1x32xf32, #tpu.memory_space<hbm>>
      tpu.enqueue_dma source(%dma_start3A_565 : memref<1x32xf32, #tpu.memory_space<hbm>>) target(%dma_start3A_563 : memref<1x32xf32, #tpu.memory_space<vmem>>) target_semaphore(%arg13 : memref<!tpu.dma_semaphore, #tpu.memory_space<semaphore_mem>>)
      %mul3A_566 = arith.constant 16 : i32
      %mul3A_567 = arith.muli %scan3A_477, %mul3A_566 : i32
      %add3A_568 = arith.constant 6 : i32
      %add3A_569 = arith.addi %mul3A_567, %add3A_568 : i32
      %slice3A_570 = vector.extract_strided_slice %get3A_481 {offsets = [6], sizes = [1], strides = [1]} : vector<16xi32> to vector<1xi32>
      %squeeze3A_571 = vector.extract %slice3A_570[0] : i32 from vector<1xi32>
      %dma_start3A_572 = arith.constant 0 : i32
      %dma_start3A_573 = tpu.memref_slice %arg12[%add3A_569, %dma_start3A_572] : memref<512x32xf32, #tpu.memory_space<vmem>> -> memref<1x32xf32, #tpu.memory_space<vmem>>
      %dma_start3A_574 = arith.constant 0 : i32
      %dma_start3A_575 = tpu.memref_slice %arg4[%squeeze3A_571, %dma_start3A_574] : memref<1000000x32xf32, #tpu.memory_space<hbm>> -> memref<1x32xf32, #tpu.memory_space<hbm>>
      %dma_start3A_576 = arith.constant 0 : i32
      %dma_start3A_577 = tpu.memref_slice %arg12[%add3A_569, %dma_start3A_576] : memref<512x32xf32, #tpu.memory_space<vmem>> -> memref<1x32xf32, #tpu.memory_space<vmem>>
      %dma_start3A_578 = arith.constant 0 : i32
      %dma_start3A_579 = tpu.memref_slice %arg4[%squeeze3A_571, %dma_start3A_578] : memref<1000000x32xf32, #tpu.memory_space<hbm>> -> memref<1x32xf32, #tpu.memory_space<hbm>>
      tpu.enqueue_dma source(%dma_start3A_579 : memref<1x32xf32, #tpu.memory_space<hbm>>) target(%dma_start3A_577 : memref<1x32xf32, #tpu.memory_space<vmem>>) target_semaphore(%arg13 : memref<!tpu.dma_semaphore, #tpu.memory_space<semaphore_mem>>)
      %mul3A_580 = arith.constant 16 : i32
      %mul3A_581 = arith.muli %scan3A_477, %mul3A_580 : i32
      %add3A_582 = arith.constant 7 : i32
      %add3A_583 = arith.addi %mul3A_581, %add3A_582 : i32
      %slice3A_584 = vector.extract_strided_slice %get3A_481 {offsets = [7], sizes = [1], strides = [1]} : vector<16xi32> to vector<1xi32>
      %squeeze3A_585 = vector.extract %slice3A_584[0] : i32 from vector<1xi32>
      %dma_start3A_586 = arith.constant 0 : i32
      %dma_start3A_587 = tpu.memref_slice %arg12[%add3A_583, %dma_start3A_586] : memref<512x32xf32, #tpu.memory_space<vmem>> -> memref<1x32xf32, #tpu.memory_space<vmem>>
      %dma_start3A_588 = arith.constant 0 : i32
      %dma_start3A_589 = tpu.memref_slice %arg4[%squeeze3A_585, %dma_start3A_588] : memref<1000000x32xf32, #tpu.memory_space<hbm>> -> memref<1x32xf32, #tpu.memory_space<hbm>>
      %dma_start3A_590 = arith.constant 0 : i32
      %dma_start3A_591 = tpu.memref_slice %arg12[%add3A_583, %dma_start3A_590] : memref<512x32xf32, #tpu.memory_space<vmem>> -> memref<1x32xf32, #tpu.memory_space<vmem>>
      %dma_start3A_592 = arith.constant 0 : i32
      %dma_start3A_593 = tpu.memref_slice %arg4[%squeeze3A_585, %dma_start3A_592] : memref<1000000x32xf32, #tpu.memory_space<hbm>> -> memref<1x32xf32, #tpu.memory_space<hbm>>
      tpu.enqueue_dma source(%dma_start3A_593 : memref<1x32xf32, #tpu.memory_space<hbm>>) target(%dma_start3A_591 : memref<1x32xf32, #tpu.memory_space<vmem>>) target_semaphore(%arg13 : memref<!tpu.dma_semaphore, #tpu.memory_space<semaphore_mem>>)
      %mul3A_594 = arith.constant 16 : i32
      %mul3A_595 = arith.muli %scan3A_477, %mul3A_594 : i32
      %add3A_596 = arith.constant 8 : i32
      %add3A_597 = arith.addi %mul3A_595, %add3A_596 : i32
      %slice3A_598 = vector.extract_strided_slice %get3A_481 {offsets = [8], sizes = [1], strides = [1]} : vector<16xi32> to vector<1xi32>
      %squeeze3A_599 = vector.extract %slice3A_598[0] : i32 from vector<1xi32>
      %dma_start3A_600 = arith.constant 0 : i32
      %dma_start3A_601 = tpu.memref_slice %arg12[%add3A_597, %dma_start3A_600] : memref<512x32xf32, #tpu.memory_space<vmem>> -> memref<1x32xf32, #tpu.memory_space<vmem>>
      %dma_start3A_602 = arith.constant 0 : i32
      %dma_start3A_603 = tpu.memref_slice %arg4[%squeeze3A_599, %dma_start3A_602] : memref<1000000x32xf32, #tpu.memory_space<hbm>> -> memref<1x32xf32, #tpu.memory_space<hbm>>
      %dma_start3A_604 = arith.constant 0 : i32
      %dma_start3A_605 = tpu.memref_slice %arg12[%add3A_597, %dma_start3A_604] : memref<512x32xf32, #tpu.memory_space<vmem>> -> memref<1x32xf32, #tpu.memory_space<vmem>>
      %dma_start3A_606 = arith.constant 0 : i32
      %dma_start3A_607 = tpu.memref_slice %arg4[%squeeze3A_599, %dma_start3A_606] : memref<1000000x32xf32, #tpu.memory_space<hbm>> -> memref<1x32xf32, #tpu.memory_space<hbm>>
      tpu.enqueue_dma source(%dma_start3A_607 : memref<1x32xf32, #tpu.memory_space<hbm>>) target(%dma_start3A_605 : memref<1x32xf32, #tpu.memory_space<vmem>>) target_semaphore(%arg13 : memref<!tpu.dma_semaphore, #tpu.memory_space<semaphore_mem>>)
      %mul3A_608 = arith.constant 16 : i32
      %mul3A_609 = arith.muli %scan3A_477, %mul3A_608 : i32
      %add3A_610 = arith.constant 9 : i32
      %add3A_611 = arith.addi %mul3A_609, %add3A_610 : i32
      %slice3A_612 = vector.extract_strided_slice %get3A_481 {offsets = [9], sizes = [1], strides = [1]} : vector<16xi32> to vector<1xi32>
      %squeeze3A_613 = vector.extract %slice3A_612[0] : i32 from vector<1xi32>
      %dma_start3A_614 = arith.constant 0 : i32
      %dma_start3A_615 = tpu.memref_slice %arg12[%add3A_611, %dma_start3A_614] : memref<512x32xf32, #tpu.memory_space<vmem>> -> memref<1x32xf32, #tpu.memory_space<vmem>>
      %dma_start3A_616 = arith.constant 0 : i32
      %dma_start3A_617 = tpu.memref_slice %arg4[%squeeze3A_613, %dma_start3A_616] : memref<1000000x32xf32, #tpu.memory_space<hbm>> -> memref<1x32xf32, #tpu.memory_space<hbm>>
      %dma_start3A_618 = arith.constant 0 : i32
      %dma_start3A_619 = tpu.memref_slice %arg12[%add3A_611, %dma_start3A_618] : memref<512x32xf32, #tpu.memory_space<vmem>> -> memref<1x32xf32, #tpu.memory_space<vmem>>
      %dma_start3A_620 = arith.constant 0 : i32
      %dma_start3A_621 = tpu.memref_slice %arg4[%squeeze3A_613, %dma_start3A_620] : memref<1000000x32xf32, #tpu.memory_space<hbm>> -> memref<1x32xf32, #tpu.memory_space<hbm>>
      tpu.enqueue_dma source(%dma_start3A_621 : memref<1x32xf32, #tpu.memory_space<hbm>>) target(%dma_start3A_619 : memref<1x32xf32, #tpu.memory_space<vmem>>) target_semaphore(%arg13 : memref<!tpu.dma_semaphore, #tpu.memory_space<semaphore_mem>>)
      %mul3A_622 = arith.constant 16 : i32
      %mul3A_623 = arith.muli %scan3A_477, %mul3A_622 : i32
      %add3A_624 = arith.constant 10 : i32
      %add3A_625 = arith.addi %mul3A_623, %add3A_624 : i32
      %slice3A_626 = vector.extract_strided_slice %get3A_481 {offsets = [10], sizes = [1], strides = [1]} : vector<16xi32> to vector<1xi32>
      %squeeze3A_627 = vector.extract %slice3A_626[0] : i32 from vector<1xi32>
      %dma_start3A_628 = arith.constant 0 : i32
      %dma_start3A_629 = tpu.memref_slice %arg12[%add3A_625, %dma_start3A_628] : memref<512x32xf32, #tpu.memory_space<vmem>> -> memref<1x32xf32, #tpu.memory_space<vmem>>
      %dma_start3A_630 = arith.constant 0 : i32
      %dma_start3A_631 = tpu.memref_slice %arg4[%squeeze3A_627, %dma_start3A_630] : memref<1000000x32xf32, #tpu.memory_space<hbm>> -> memref<1x32xf32, #tpu.memory_space<hbm>>
      %dma_start3A_632 = arith.constant 0 : i32
      %dma_start3A_633 = tpu.memref_slice %arg12[%add3A_625, %dma_start3A_632] : memref<512x32xf32, #tpu.memory_space<vmem>> -> memref<1x32xf32, #tpu.memory_space<vmem>>
      %dma_start3A_634 = arith.constant 0 : i32
      %dma_start3A_635 = tpu.memref_slice %arg4[%squeeze3A_627, %dma_start3A_634] : memref<1000000x32xf32, #tpu.memory_space<hbm>> -> memref<1x32xf32, #tpu.memory_space<hbm>>
      tpu.enqueue_dma source(%dma_start3A_635 : memref<1x32xf32, #tpu.memory_space<hbm>>) target(%dma_start3A_633 : memref<1x32xf32, #tpu.memory_space<vmem>>) target_semaphore(%arg13 : memref<!tpu.dma_semaphore, #tpu.memory_space<semaphore_mem>>)
      %mul3A_636 = arith.constant 16 : i32
      %mul3A_637 = arith.muli %scan3A_477, %mul3A_636 : i32
      %add3A_638 = arith.constant 11 : i32
      %add3A_639 = arith.addi %mul3A_637, %add3A_638 : i32
      %slice3A_640 = vector.extract_strided_slice %get3A_481 {offsets = [11], sizes = [1], strides = [1]} : vector<16xi32> to vector<1xi32>
      %squeeze3A_641 = vector.extract %slice3A_640[0] : i32 from vector<1xi32>
      %dma_start3A_642 = arith.constant 0 : i32
      %dma_start3A_643 = tpu.memref_slice %arg12[%add3A_639, %dma_start3A_642] : memref<512x32xf32, #tpu.memory_space<vmem>> -> memref<1x32xf32, #tpu.memory_space<vmem>>
      %dma_start3A_644 = arith.constant 0 : i32
      %dma_start3A_645 = tpu.memref_slice %arg4[%squeeze3A_641, %dma_start3A_644] : memref<1000000x32xf32, #tpu.memory_space<hbm>> -> memref<1x32xf32, #tpu.memory_space<hbm>>
      %dma_start3A_646 = arith.constant 0 : i32
      %dma_start3A_647 = tpu.memref_slice %arg12[%add3A_639, %dma_start3A_646] : memref<512x32xf32, #tpu.memory_space<vmem>> -> memref<1x32xf32, #tpu.memory_space<vmem>>
      %dma_start3A_648 = arith.constant 0 : i32
      %dma_start3A_649 = tpu.memref_slice %arg4[%squeeze3A_641, %dma_start3A_648] : memref<1000000x32xf32, #tpu.memory_space<hbm>> -> memref<1x32xf32, #tpu.memory_space<hbm>>
      tpu.enqueue_dma source(%dma_start3A_649 : memref<1x32xf32, #tpu.memory_space<hbm>>) target(%dma_start3A_647 : memref<1x32xf32, #tpu.memory_space<vmem>>) target_semaphore(%arg13 : memref<!tpu.dma_semaphore, #tpu.memory_space<semaphore_mem>>)
      %mul3A_650 = arith.constant 16 : i32
      %mul3A_651 = arith.muli %scan3A_477, %mul3A_650 : i32
      %add3A_652 = arith.constant 12 : i32
      %add3A_653 = arith.addi %mul3A_651, %add3A_652 : i32
      %slice3A_654 = vector.extract_strided_slice %get3A_481 {offsets = [12], sizes = [1], strides = [1]} : vector<16xi32> to vector<1xi32>
      %squeeze3A_655 = vector.extract %slice3A_654[0] : i32 from vector<1xi32>
      %dma_start3A_656 = arith.constant 0 : i32
      %dma_start3A_657 = tpu.memref_slice %arg12[%add3A_653, %dma_start3A_656] : memref<512x32xf32, #tpu.memory_space<vmem>> -> memref<1x32xf32, #tpu.memory_space<vmem>>
      %dma_start3A_658 = arith.constant 0 : i32
      %dma_start3A_659 = tpu.memref_slice %arg4[%squeeze3A_655, %dma_start3A_658] : memref<1000000x32xf32, #tpu.memory_space<hbm>> -> memref<1x32xf32, #tpu.memory_space<hbm>>
      %dma_start3A_660 = arith.constant 0 : i32
      %dma_start3A_661 = tpu.memref_slice %arg12[%add3A_653, %dma_start3A_660] : memref<512x32xf32, #tpu.memory_space<vmem>> -> memref<1x32xf32, #tpu.memory_space<vmem>>
      %dma_start3A_662 = arith.constant 0 : i32
      %dma_start3A_663 = tpu.memref_slice %arg4[%squeeze3A_655, %dma_start3A_662] : memref<1000000x32xf32, #tpu.memory_space<hbm>> -> memref<1x32xf32, #tpu.memory_space<hbm>>
      tpu.enqueue_dma source(%dma_start3A_663 : memref<1x32xf32, #tpu.memory_space<hbm>>) target(%dma_start3A_661 : memref<1x32xf32, #tpu.memory_space<vmem>>) target_semaphore(%arg13 : memref<!tpu.dma_semaphore, #tpu.memory_space<semaphore_mem>>)
      %mul3A_664 = arith.constant 16 : i32
      %mul3A_665 = arith.muli %scan3A_477, %mul3A_664 : i32
      %add3A_666 = arith.constant 13 : i32
      %add3A_667 = arith.addi %mul3A_665, %add3A_666 : i32
      %slice3A_668 = vector.extract_strided_slice %get3A_481 {offsets = [13], sizes = [1], strides = [1]} : vector<16xi32> to vector<1xi32>
      %squeeze3A_669 = vector.extract %slice3A_668[0] : i32 from vector<1xi32>
      %dma_start3A_670 = arith.constant 0 : i32
      %dma_start3A_671 = tpu.memref_slice %arg12[%add3A_667, %dma_start3A_670] : memref<512x32xf32, #tpu.memory_space<vmem>> -> memref<1x32xf32, #tpu.memory_space<vmem>>
      %dma_start3A_672 = arith.constant 0 : i32
      %dma_start3A_673 = tpu.memref_slice %arg4[%squeeze3A_669, %dma_start3A_672] : memref<1000000x32xf32, #tpu.memory_space<hbm>> -> memref<1x32xf32, #tpu.memory_space<hbm>>
      %dma_start3A_674 = arith.constant 0 : i32
      %dma_start3A_675 = tpu.memref_slice %arg12[%add3A_667, %dma_start3A_674] : memref<512x32xf32, #tpu.memory_space<vmem>> -> memref<1x32xf32, #tpu.memory_space<vmem>>
      %dma_start3A_676 = arith.constant 0 : i32
      %dma_start3A_677 = tpu.memref_slice %arg4[%squeeze3A_669, %dma_start3A_676] : memref<1000000x32xf32, #tpu.memory_space<hbm>> -> memref<1x32xf32, #tpu.memory_space<hbm>>
      tpu.enqueue_dma source(%dma_start3A_677 : memref<1x32xf32, #tpu.memory_space<hbm>>) target(%dma_start3A_675 : memref<1x32xf32, #tpu.memory_space<vmem>>) target_semaphore(%arg13 : memref<!tpu.dma_semaphore, #tpu.memory_space<semaphore_mem>>)
      %mul3A_678 = arith.constant 16 : i32
      %mul3A_679 = arith.muli %scan3A_477, %mul3A_678 : i32
      %add3A_680 = arith.constant 14 : i32
      %add3A_681 = arith.addi %mul3A_679, %add3A_680 : i32
      %slice3A_682 = vector.extract_strided_slice %get3A_481 {offsets = [14], sizes = [1], strides = [1]} : vector<16xi32> to vector<1xi32>
      %squeeze3A_683 = vector.extract %slice3A_682[0] : i32 from vector<1xi32>
      %dma_start3A_684 = arith.constant 0 : i32
      %dma_start3A_685 = tpu.memref_slice %arg12[%add3A_681, %dma_start3A_684] : memref<512x32xf32, #tpu.memory_space<vmem>> -> memref<1x32xf32, #tpu.memory_space<vmem>>
      %dma_start3A_686 = arith.constant 0 : i32
      %dma_start3A_687 = tpu.memref_slice %arg4[%squeeze3A_683, %dma_start3A_686] : memref<1000000x32xf32, #tpu.memory_space<hbm>> -> memref<1x32xf32, #tpu.memory_space<hbm>>
      %dma_start3A_688 = arith.constant 0 : i32
      %dma_start3A_689 = tpu.memref_slice %arg12[%add3A_681, %dma_start3A_688] : memref<512x32xf32, #tpu.memory_space<vmem>> -> memref<1x32xf32, #tpu.memory_space<vmem>>
      %dma_start3A_690 = arith.constant 0 : i32
      %dma_start3A_691 = tpu.memref_slice %arg4[%squeeze3A_683, %dma_start3A_690] : memref<1000000x32xf32, #tpu.memory_space<hbm>> -> memref<1x32xf32, #tpu.memory_space<hbm>>
      tpu.enqueue_dma source(%dma_start3A_691 : memref<1x32xf32, #tpu.memory_space<hbm>>) target(%dma_start3A_689 : memref<1x32xf32, #tpu.memory_space<vmem>>) target_semaphore(%arg13 : memref<!tpu.dma_semaphore, #tpu.memory_space<semaphore_mem>>)
      %mul3A_692 = arith.constant 16 : i32
      %mul3A_693 = arith.muli %scan3A_477, %mul3A_692 : i32
      %add3A_694 = arith.constant 15 : i32
      %add3A_695 = arith.addi %mul3A_693, %add3A_694 : i32
      %slice3A_696 = vector.extract_strided_slice %get3A_481 {offsets = [15], sizes = [1], strides = [1]} : vector<16xi32> to vector<1xi32>
      %squeeze3A_697 = vector.extract %slice3A_696[0] : i32 from vector<1xi32>
      %dma_start3A_698 = arith.constant 0 : i32
      %dma_start3A_699 = tpu.memref_slice %arg12[%add3A_695, %dma_start3A_698] : memref<512x32xf32, #tpu.memory_space<vmem>> -> memref<1x32xf32, #tpu.memory_space<vmem>>
      %dma_start3A_700 = arith.constant 0 : i32
      %dma_start3A_701 = tpu.memref_slice %arg4[%squeeze3A_697, %dma_start3A_700] : memref<1000000x32xf32, #tpu.memory_space<hbm>> -> memref<1x32xf32, #tpu.memory_space<hbm>>
      %dma_start3A_702 = arith.constant 0 : i32
      %dma_start3A_703 = tpu.memref_slice %arg12[%add3A_695, %dma_start3A_702] : memref<512x32xf32, #tpu.memory_space<vmem>> -> memref<1x32xf32, #tpu.memory_space<vmem>>
      %dma_start3A_704 = arith.constant 0 : i32
      %dma_start3A_705 = tpu.memref_slice %arg4[%squeeze3A_697, %dma_start3A_704] : memref<1000000x32xf32, #tpu.memory_space<hbm>> -> memref<1x32xf32, #tpu.memory_space<hbm>>
      tpu.enqueue_dma source(%dma_start3A_705 : memref<1x32xf32, #tpu.memory_space<hbm>>) target(%dma_start3A_703 : memref<1x32xf32, #tpu.memory_space<vmem>>) target_semaphore(%arg13 : memref<!tpu.dma_semaphore, #tpu.memory_space<semaphore_mem>>)
      %scan3A_706 = arith.constant 3 : i32
      %scan3A_707 = arith.addi %scan3A_21, %scan3A_706 : i32
      %mul3A_708 = arith.constant 16 : i32
      %mul3A_709 = arith.muli %scan3A_707, %mul3A_708 : i32
      %get3A_710 = arith.index_cast %mul3A_709 : i32 to index
      %get3A_711 = tpu.vector_load %arg8[%get3A_710] {strides = array<i32>} : memref<512xi32, #tpu.memory_space<vmem>>, vector<16xi32>,
      %mul3A_712 = arith.constant 16 : i32
      %mul3A_713 = arith.muli %scan3A_707, %mul3A_712 : i32
      %add3A_714 = arith.constant 0 : i32
      %add3A_715 = arith.addi %mul3A_713, %add3A_714 : i32
      %slice3A_716 = vector.extract_strided_slice %get3A_711 {offsets = [0], sizes = [1], strides = [1]} : vector<16xi32> to vector<1xi32>
      %squeeze3A_717 = vector.extract %slice3A_716[0] : i32 from vector<1xi32>
      %dma_start3A_718 = arith.constant 0 : i32
      %dma_start3A_719 = tpu.memref_slice %arg12[%add3A_715, %dma_start3A_718] : memref<512x32xf32, #tpu.memory_space<vmem>> -> memref<1x32xf32, #tpu.memory_space<vmem>>
      %dma_start3A_720 = arith.constant 0 : i32
      %dma_start3A_721 = tpu.memref_slice %arg4[%squeeze3A_717, %dma_start3A_720] : memref<1000000x32xf32, #tpu.memory_space<hbm>> -> memref<1x32xf32, #tpu.memory_space<hbm>>
      %dma_start3A_722 = arith.constant 0 : i32
      %dma_start3A_723 = tpu.memref_slice %arg12[%add3A_715, %dma_start3A_722] : memref<512x32xf32, #tpu.memory_space<vmem>> -> memref<1x32xf32, #tpu.memory_space<vmem>>
      %dma_start3A_724 = arith.constant 0 : i32
      %dma_start3A_725 = tpu.memref_slice %arg4[%squeeze3A_717, %dma_start3A_724] : memref<1000000x32xf32, #tpu.memory_space<hbm>> -> memref<1x32xf32, #tpu.memory_space<hbm>>
      tpu.enqueue_dma source(%dma_start3A_725 : memref<1x32xf32, #tpu.memory_space<hbm>>) target(%dma_start3A_723 : memref<1x32xf32, #tpu.memory_space<vmem>>) target_semaphore(%arg13 : memref<!tpu.dma_semaphore, #tpu.memory_space<semaphore_mem>>)
      %mul3A_726 = arith.constant 16 : i32
      %mul3A_727 = arith.muli %scan3A_707, %mul3A_726 : i32
      %add3A_728 = arith.constant 1 : i32
      %add3A_729 = arith.addi %mul3A_727, %add3A_728 : i32
      %slice3A_730 = vector.extract_strided_slice %get3A_711 {offsets = [1], sizes = [1], strides = [1]} : vector<16xi32> to vector<1xi32>
      %squeeze3A_731 = vector.extract %slice3A_730[0] : i32 from vector<1xi32>
      %dma_start3A_732 = arith.constant 0 : i32
      %dma_start3A_733 = tpu.memref_slice %arg12[%add3A_729, %dma_start3A_732] : memref<512x32xf32, #tpu.memory_space<vmem>> -> memref<1x32xf32, #tpu.memory_space<vmem>>
      %dma_start3A_734 = arith.constant 0 : i32
      %dma_start3A_735 = tpu.memref_slice %arg4[%squeeze3A_731, %dma_start3A_734] : memref<1000000x32xf32, #tpu.memory_space<hbm>> -> memref<1x32xf32, #tpu.memory_space<hbm>>
      %dma_start3A_736 = arith.constant 0 : i32
      %dma_start3A_737 = tpu.memref_slice %arg12[%add3A_729, %dma_start3A_736] : memref<512x32xf32, #tpu.memory_space<vmem>> -> memref<1x32xf32, #tpu.memory_space<vmem>>
      %dma_start3A_738 = arith.constant 0 : i32
      %dma_start3A_739 = tpu.memref_slice %arg4[%squeeze3A_731, %dma_start3A_738] : memref<1000000x32xf32, #tpu.memory_space<hbm>> -> memref<1x32xf32, #tpu.memory_space<hbm>>
      tpu.enqueue_dma source(%dma_start3A_739 : memref<1x32xf32, #tpu.memory_space<hbm>>) target(%dma_start3A_737 : memref<1x32xf32, #tpu.memory_space<vmem>>) target_semaphore(%arg13 : memref<!tpu.dma_semaphore, #tpu.memory_space<semaphore_mem>>)
      %mul3A_740 = arith.constant 16 : i32
      %mul3A_741 = arith.muli %scan3A_707, %mul3A_740 : i32
      %add3A_742 = arith.constant 2 : i32
      %add3A_743 = arith.addi %mul3A_741, %add3A_742 : i32
      %slice3A_744 = vector.extract_strided_slice %get3A_711 {offsets = [2], sizes = [1], strides = [1]} : vector<16xi32> to vector<1xi32>
      %squeeze3A_745 = vector.extract %slice3A_744[0] : i32 from vector<1xi32>
      %dma_start3A_746 = arith.constant 0 : i32
      %dma_start3A_747 = tpu.memref_slice %arg12[%add3A_743, %dma_start3A_746] : memref<512x32xf32, #tpu.memory_space<vmem>> -> memref<1x32xf32, #tpu.memory_space<vmem>>
      %dma_start3A_748 = arith.constant 0 : i32
      %dma_start3A_749 = tpu.memref_slice %arg4[%squeeze3A_745, %dma_start3A_748] : memref<1000000x32xf32, #tpu.memory_space<hbm>> -> memref<1x32xf32, #tpu.memory_space<hbm>>
      %dma_start3A_750 = arith.constant 0 : i32
      %dma_start3A_751 = tpu.memref_slice %arg12[%add3A_743, %dma_start3A_750] : memref<512x32xf32, #tpu.memory_space<vmem>> -> memref<1x32xf32, #tpu.memory_space<vmem>>
      %dma_start3A_752 = arith.constant 0 : i32
      %dma_start3A_753 = tpu.memref_slice %arg4[%squeeze3A_745, %dma_start3A_752] : memref<1000000x32xf32, #tpu.memory_space<hbm>> -> memref<1x32xf32, #tpu.memory_space<hbm>>
      tpu.enqueue_dma source(%dma_start3A_753 : memref<1x32xf32, #tpu.memory_space<hbm>>) target(%dma_start3A_751 : memref<1x32xf32, #tpu.memory_space<vmem>>) target_semaphore(%arg13 : memref<!tpu.dma_semaphore, #tpu.memory_space<semaphore_mem>>)
      %mul3A_754 = arith.constant 16 : i32
      %mul3A_755 = arith.muli %scan3A_707, %mul3A_754 : i32
      %add3A_756 = arith.constant 3 : i32
      %add3A_757 = arith.addi %mul3A_755, %add3A_756 : i32
      %slice3A_758 = vector.extract_strided_slice %get3A_711 {offsets = [3], sizes = [1], strides = [1]} : vector<16xi32> to vector<1xi32>
      %squeeze3A_759 = vector.extract %slice3A_758[0] : i32 from vector<1xi32>
      %dma_start3A_760 = arith.constant 0 : i32
      %dma_start3A_761 = tpu.memref_slice %arg12[%add3A_757, %dma_start3A_760] : memref<512x32xf32, #tpu.memory_space<vmem>> -> memref<1x32xf32, #tpu.memory_space<vmem>>
      %dma_start3A_762 = arith.constant 0 : i32
      %dma_start3A_763 = tpu.memref_slice %arg4[%squeeze3A_759, %dma_start3A_762] : memref<1000000x32xf32, #tpu.memory_space<hbm>> -> memref<1x32xf32, #tpu.memory_space<hbm>>
      %dma_start3A_764 = arith.constant 0 : i32
      %dma_start3A_765 = tpu.memref_slice %arg12[%add3A_757, %dma_start3A_764] : memref<512x32xf32, #tpu.memory_space<vmem>> -> memref<1x32xf32, #tpu.memory_space<vmem>>
      %dma_start3A_766 = arith.constant 0 : i32
      %dma_start3A_767 = tpu.memref_slice %arg4[%squeeze3A_759, %dma_start3A_766] : memref<1000000x32xf32, #tpu.memory_space<hbm>> -> memref<1x32xf32, #tpu.memory_space<hbm>>
      tpu.enqueue_dma source(%dma_start3A_767 : memref<1x32xf32, #tpu.memory_space<hbm>>) target(%dma_start3A_765 : memref<1x32xf32, #tpu.memory_space<vmem>>) target_semaphore(%arg13 : memref<!tpu.dma_semaphore, #tpu.memory_space<semaphore_mem>>)
      %mul3A_768 = arith.constant 16 : i32
      %mul3A_769 = arith.muli %scan3A_707, %mul3A_768 : i32
      %add3A_770 = arith.constant 4 : i32
      %add3A_771 = arith.addi %mul3A_769, %add3A_770 : i32
      %slice3A_772 = vector.extract_strided_slice %get3A_711 {offsets = [4], sizes = [1], strides = [1]} : vector<16xi32> to vector<1xi32>
      %squeeze3A_773 = vector.extract %slice3A_772[0] : i32 from vector<1xi32>
      %dma_start3A_774 = arith.constant 0 : i32
      %dma_start3A_775 = tpu.memref_slice %arg12[%add3A_771, %dma_start3A_774] : memref<512x32xf32, #tpu.memory_space<vmem>> -> memref<1x32xf32, #tpu.memory_space<vmem>>
      %dma_start3A_776 = arith.constant 0 : i32
      %dma_start3A_777 = tpu.memref_slice %arg4[%squeeze3A_773, %dma_start3A_776] : memref<1000000x32xf32, #tpu.memory_space<hbm>> -> memref<1x32xf32, #tpu.memory_space<hbm>>
      %dma_start3A_778 = arith.constant 0 : i32
      %dma_start3A_779 = tpu.memref_slice %arg12[%add3A_771, %dma_start3A_778] : memref<512x32xf32, #tpu.memory_space<vmem>> -> memref<1x32xf32, #tpu.memory_space<vmem>>
      %dma_start3A_780 = arith.constant 0 : i32
      %dma_start3A_781 = tpu.memref_slice %arg4[%squeeze3A_773, %dma_start3A_780] : memref<1000000x32xf32, #tpu.memory_space<hbm>> -> memref<1x32xf32, #tpu.memory_space<hbm>>
      tpu.enqueue_dma source(%dma_start3A_781 : memref<1x32xf32, #tpu.memory_space<hbm>>) target(%dma_start3A_779 : memref<1x32xf32, #tpu.memory_space<vmem>>) target_semaphore(%arg13 : memref<!tpu.dma_semaphore, #tpu.memory_space<semaphore_mem>>)
      %mul3A_782 = arith.constant 16 : i32
      %mul3A_783 = arith.muli %scan3A_707, %mul3A_782 : i32
      %add3A_784 = arith.constant 5 : i32
      %add3A_785 = arith.addi %mul3A_783, %add3A_784 : i32
      %slice3A_786 = vector.extract_strided_slice %get3A_711 {offsets = [5], sizes = [1], strides = [1]} : vector<16xi32> to vector<1xi32>
      %squeeze3A_787 = vector.extract %slice3A_786[0] : i32 from vector<1xi32>
      %dma_start3A_788 = arith.constant 0 : i32
      %dma_start3A_789 = tpu.memref_slice %arg12[%add3A_785, %dma_start3A_788] : memref<512x32xf32, #tpu.memory_space<vmem>> -> memref<1x32xf32, #tpu.memory_space<vmem>>
      %dma_start3A_790 = arith.constant 0 : i32
      %dma_start3A_791 = tpu.memref_slice %arg4[%squeeze3A_787, %dma_start3A_790] : memref<1000000x32xf32, #tpu.memory_space<hbm>> -> memref<1x32xf32, #tpu.memory_space<hbm>>
      %dma_start3A_792 = arith.constant 0 : i32
      %dma_start3A_793 = tpu.memref_slice %arg12[%add3A_785, %dma_start3A_792] : memref<512x32xf32, #tpu.memory_space<vmem>> -> memref<1x32xf32, #tpu.memory_space<vmem>>
      %dma_start3A_794 = arith.constant 0 : i32
      %dma_start3A_795 = tpu.memref_slice %arg4[%squeeze3A_787, %dma_start3A_794] : memref<1000000x32xf32, #tpu.memory_space<hbm>> -> memref<1x32xf32, #tpu.memory_space<hbm>>
      tpu.enqueue_dma source(%dma_start3A_795 : memref<1x32xf32, #tpu.memory_space<hbm>>) target(%dma_start3A_793 : memref<1x32xf32, #tpu.memory_space<vmem>>) target_semaphore(%arg13 : memref<!tpu.dma_semaphore, #tpu.memory_space<semaphore_mem>>)
      %mul3A_796 = arith.constant 16 : i32
      %mul3A_797 = arith.muli %scan3A_707, %mul3A_796 : i32
      %add3A_798 = arith.constant 6 : i32
      %add3A_799 = arith.addi %mul3A_797, %add3A_798 : i32
      %slice3A_800 = vector.extract_strided_slice %get3A_711 {offsets = [6], sizes = [1], strides = [1]} : vector<16xi32> to vector<1xi32>
      %squeeze3A_801 = vector.extract %slice3A_800[0] : i32 from vector<1xi32>
      %dma_start3A_802 = arith.constant 0 : i32
      %dma_start3A_803 = tpu.memref_slice %arg12[%add3A_799, %dma_start3A_802] : memref<512x32xf32, #tpu.memory_space<vmem>> -> memref<1x32xf32, #tpu.memory_space<vmem>>
      %dma_start3A_804 = arith.constant 0 : i32
      %dma_start3A_805 = tpu.memref_slice %arg4[%squeeze3A_801, %dma_start3A_804] : memref<1000000x32xf32, #tpu.memory_space<hbm>> -> memref<1x32xf32, #tpu.memory_space<hbm>>
      %dma_start3A_806 = arith.constant 0 : i32
      %dma_start3A_807 = tpu.memref_slice %arg12[%add3A_799, %dma_start3A_806] : memref<512x32xf32, #tpu.memory_space<vmem>> -> memref<1x32xf32, #tpu.memory_space<vmem>>
      %dma_start3A_808 = arith.constant 0 : i32
      %dma_start3A_809 = tpu.memref_slice %arg4[%squeeze3A_801, %dma_start3A_808] : memref<1000000x32xf32, #tpu.memory_space<hbm>> -> memref<1x32xf32, #tpu.memory_space<hbm>>
      tpu.enqueue_dma source(%dma_start3A_809 : memref<1x32xf32, #tpu.memory_space<hbm>>) target(%dma_start3A_807 : memref<1x32xf32, #tpu.memory_space<vmem>>) target_semaphore(%arg13 : memref<!tpu.dma_semaphore, #tpu.memory_space<semaphore_mem>>)
      %mul3A_810 = arith.constant 16 : i32
      %mul3A_811 = arith.muli %scan3A_707, %mul3A_810 : i32
      %add3A_812 = arith.constant 7 : i32
      %add3A_813 = arith.addi %mul3A_811, %add3A_812 : i32
      %slice3A_814 = vector.extract_strided_slice %get3A_711 {offsets = [7], sizes = [1], strides = [1]} : vector<16xi32> to vector<1xi32>
      %squeeze3A_815 = vector.extract %slice3A_814[0] : i32 from vector<1xi32>
      %dma_start3A_816 = arith.constant 0 : i32
      %dma_start3A_817 = tpu.memref_slice %arg12[%add3A_813, %dma_start3A_816] : memref<512x32xf32, #tpu.memory_space<vmem>> -> memref<1x32xf32, #tpu.memory_space<vmem>>
      %dma_start3A_818 = arith.constant 0 : i32
      %dma_start3A_819 = tpu.memref_slice %arg4[%squeeze3A_815, %dma_start3A_818] : memref<1000000x32xf32, #tpu.memory_space<hbm>> -> memref<1x32xf32, #tpu.memory_space<hbm>>
      %dma_start3A_820 = arith.constant 0 : i32
      %dma_start3A_821 = tpu.memref_slice %arg12[%add3A_813, %dma_start3A_820] : memref<512x32xf32, #tpu.memory_space<vmem>> -> memref<1x32xf32, #tpu.memory_space<vmem>>
      %dma_start3A_822 = arith.constant 0 : i32
      %dma_start3A_823 = tpu.memref_slice %arg4[%squeeze3A_815, %dma_start3A_822] : memref<1000000x32xf32, #tpu.memory_space<hbm>> -> memref<1x32xf32, #tpu.memory_space<hbm>>
      tpu.enqueue_dma source(%dma_start3A_823 : memref<1x32xf32, #tpu.memory_space<hbm>>) target(%dma_start3A_821 : memref<1x32xf32, #tpu.memory_space<vmem>>) target_semaphore(%arg13 : memref<!tpu.dma_semaphore, #tpu.memory_space<semaphore_mem>>)
      %mul3A_824 = arith.constant 16 : i32
      %mul3A_825 = arith.muli %scan3A_707, %mul3A_824 : i32
      %add3A_826 = arith.constant 8 : i32
      %add3A_827 = arith.addi %mul3A_825, %add3A_826 : i32
      %slice3A_828 = vector.extract_strided_slice %get3A_711 {offsets = [8], sizes = [1], strides = [1]} : vector<16xi32> to vector<1xi32>
      %squeeze3A_829 = vector.extract %slice3A_828[0] : i32 from vector<1xi32>
      %dma_start3A_830 = arith.constant 0 : i32
      %dma_start3A_831 = tpu.memref_slice %arg12[%add3A_827, %dma_start3A_830] : memref<512x32xf32, #tpu.memory_space<vmem>> -> memref<1x32xf32, #tpu.memory_space<vmem>>
      %dma_start3A_832 = arith.constant 0 : i32
      %dma_start3A_833 = tpu.memref_slice %arg4[%squeeze3A_829, %dma_start3A_832] : memref<1000000x32xf32, #tpu.memory_space<hbm>> -> memref<1x32xf32, #tpu.memory_space<hbm>>
      %dma_start3A_834 = arith.constant 0 : i32
      %dma_start3A_835 = tpu.memref_slice %arg12[%add3A_827, %dma_start3A_834] : memref<512x32xf32, #tpu.memory_space<vmem>> -> memref<1x32xf32, #tpu.memory_space<vmem>>
      %dma_start3A_836 = arith.constant 0 : i32
      %dma_start3A_837 = tpu.memref_slice %arg4[%squeeze3A_829, %dma_start3A_836] : memref<1000000x32xf32, #tpu.memory_space<hbm>> -> memref<1x32xf32, #tpu.memory_space<hbm>>
      tpu.enqueue_dma source(%dma_start3A_837 : memref<1x32xf32, #tpu.memory_space<hbm>>) target(%dma_start3A_835 : memref<1x32xf32, #tpu.memory_space<vmem>>) target_semaphore(%arg13 : memref<!tpu.dma_semaphore, #tpu.memory_space<semaphore_mem>>)
      %mul3A_838 = arith.constant 16 : i32
      %mul3A_839 = arith.muli %scan3A_707, %mul3A_838 : i32
      %add3A_840 = arith.constant 9 : i32
      %add3A_841 = arith.addi %mul3A_839, %add3A_840 : i32
      %slice3A_842 = vector.extract_strided_slice %get3A_711 {offsets = [9], sizes = [1], strides = [1]} : vector<16xi32> to vector<1xi32>
      %squeeze3A_843 = vector.extract %slice3A_842[0] : i32 from vector<1xi32>
      %dma_start3A_844 = arith.constant 0 : i32
      %dma_start3A_845 = tpu.memref_slice %arg12[%add3A_841, %dma_start3A_844] : memref<512x32xf32, #tpu.memory_space<vmem>> -> memref<1x32xf32, #tpu.memory_space<vmem>>
      %dma_start3A_846 = arith.constant 0 : i32
      %dma_start3A_847 = tpu.memref_slice %arg4[%squeeze3A_843, %dma_start3A_846] : memref<1000000x32xf32, #tpu.memory_space<hbm>> -> memref<1x32xf32, #tpu.memory_space<hbm>>
      %dma_start3A_848 = arith.constant 0 : i32
      %dma_start3A_849 = tpu.memref_slice %arg12[%add3A_841, %dma_start3A_848] : memref<512x32xf32, #tpu.memory_space<vmem>> -> memref<1x32xf32, #tpu.memory_space<vmem>>
      %dma_start3A_850 = arith.constant 0 : i32
      %dma_start3A_851 = tpu.memref_slice %arg4[%squeeze3A_843, %dma_start3A_850] : memref<1000000x32xf32, #tpu.memory_space<hbm>> -> memref<1x32xf32, #tpu.memory_space<hbm>>
      tpu.enqueue_dma source(%dma_start3A_851 : memref<1x32xf32, #tpu.memory_space<hbm>>) target(%dma_start3A_849 : memref<1x32xf32, #tpu.memory_space<vmem>>) target_semaphore(%arg13 : memref<!tpu.dma_semaphore, #tpu.memory_space<semaphore_mem>>)
      %mul3A_852 = arith.constant 16 : i32
      %mul3A_853 = arith.muli %scan3A_707, %mul3A_852 : i32
      %add3A_854 = arith.constant 10 : i32
      %add3A_855 = arith.addi %mul3A_853, %add3A_854 : i32
      %slice3A_856 = vector.extract_strided_slice %get3A_711 {offsets = [10], sizes = [1], strides = [1]} : vector<16xi32> to vector<1xi32>
      %squeeze3A_857 = vector.extract %slice3A_856[0] : i32 from vector<1xi32>
      %dma_start3A_858 = arith.constant 0 : i32
      %dma_start3A_859 = tpu.memref_slice %arg12[%add3A_855, %dma_start3A_858] : memref<512x32xf32, #tpu.memory_space<vmem>> -> memref<1x32xf32, #tpu.memory_space<vmem>>
      %dma_start3A_860 = arith.constant 0 : i32
      %dma_start3A_861 = tpu.memref_slice %arg4[%squeeze3A_857, %dma_start3A_860] : memref<1000000x32xf32, #tpu.memory_space<hbm>> -> memref<1x32xf32, #tpu.memory_space<hbm>>
      %dma_start3A_862 = arith.constant 0 : i32
      %dma_start3A_863 = tpu.memref_slice %arg12[%add3A_855, %dma_start3A_862] : memref<512x32xf32, #tpu.memory_space<vmem>> -> memref<1x32xf32, #tpu.memory_space<vmem>>
      %dma_start3A_864 = arith.constant 0 : i32
      %dma_start3A_865 = tpu.memref_slice %arg4[%squeeze3A_857, %dma_start3A_864] : memref<1000000x32xf32, #tpu.memory_space<hbm>> -> memref<1x32xf32, #tpu.memory_space<hbm>>
      tpu.enqueue_dma source(%dma_start3A_865 : memref<1x32xf32, #tpu.memory_space<hbm>>) target(%dma_start3A_863 : memref<1x32xf32, #tpu.memory_space<vmem>>) target_semaphore(%arg13 : memref<!tpu.dma_semaphore, #tpu.memory_space<semaphore_mem>>)
      %mul3A_866 = arith.constant 16 : i32
      %mul3A_867 = arith.muli %scan3A_707, %mul3A_866 : i32
      %add3A_868 = arith.constant 11 : i32
      %add3A_869 = arith.addi %mul3A_867, %add3A_868 : i32
      %slice3A_870 = vector.extract_strided_slice %get3A_711 {offsets = [11], sizes = [1], strides = [1]} : vector<16xi32> to vector<1xi32>
      %squeeze3A_871 = vector.extract %slice3A_870[0] : i32 from vector<1xi32>
      %dma_start3A_872 = arith.constant 0 : i32
      %dma_start3A_873 = tpu.memref_slice %arg12[%add3A_869, %dma_start3A_872] : memref<512x32xf32, #tpu.memory_space<vmem>> -> memref<1x32xf32, #tpu.memory_space<vmem>>
      %dma_start3A_874 = arith.constant 0 : i32
      %dma_start3A_875 = tpu.memref_slice %arg4[%squeeze3A_871, %dma_start3A_874] : memref<1000000x32xf32, #tpu.memory_space<hbm>> -> memref<1x32xf32, #tpu.memory_space<hbm>>
      %dma_start3A_876 = arith.constant 0 : i32
      %dma_start3A_877 = tpu.memref_slice %arg12[%add3A_869, %dma_start3A_876] : memref<512x32xf32, #tpu.memory_space<vmem>> -> memref<1x32xf32, #tpu.memory_space<vmem>>
      %dma_start3A_878 = arith.constant 0 : i32
      %dma_start3A_879 = tpu.memref_slice %arg4[%squeeze3A_871, %dma_start3A_878] : memref<1000000x32xf32, #tpu.memory_space<hbm>> -> memref<1x32xf32, #tpu.memory_space<hbm>>
      tpu.enqueue_dma source(%dma_start3A_879 : memref<1x32xf32, #tpu.memory_space<hbm>>) target(%dma_start3A_877 : memref<1x32xf32, #tpu.memory_space<vmem>>) target_semaphore(%arg13 : memref<!tpu.dma_semaphore, #tpu.memory_space<semaphore_mem>>)
      %mul3A_880 = arith.constant 16 : i32
      %mul3A_881 = arith.muli %scan3A_707, %mul3A_880 : i32
      %add3A_882 = arith.constant 12 : i32
      %add3A_883 = arith.addi %mul3A_881, %add3A_882 : i32
      %slice3A_884 = vector.extract_strided_slice %get3A_711 {offsets = [12], sizes = [1], strides = [1]} : vector<16xi32> to vector<1xi32>
      %squeeze3A_885 = vector.extract %slice3A_884[0] : i32 from vector<1xi32>
      %dma_start3A_886 = arith.constant 0 : i32
      %dma_start3A_887 = tpu.memref_slice %arg12[%add3A_883, %dma_start3A_886] : memref<512x32xf32, #tpu.memory_space<vmem>> -> memref<1x32xf32, #tpu.memory_space<vmem>>
      %dma_start3A_888 = arith.constant 0 : i32
      %dma_start3A_889 = tpu.memref_slice %arg4[%squeeze3A_885, %dma_start3A_888] : memref<1000000x32xf32, #tpu.memory_space<hbm>> -> memref<1x32xf32, #tpu.memory_space<hbm>>
      %dma_start3A_890 = arith.constant 0 : i32
      %dma_start3A_891 = tpu.memref_slice %arg12[%add3A_883, %dma_start3A_890] : memref<512x32xf32, #tpu.memory_space<vmem>> -> memref<1x32xf32, #tpu.memory_space<vmem>>
      %dma_start3A_892 = arith.constant 0 : i32
      %dma_start3A_893 = tpu.memref_slice %arg4[%squeeze3A_885, %dma_start3A_892] : memref<1000000x32xf32, #tpu.memory_space<hbm>> -> memref<1x32xf32, #tpu.memory_space<hbm>>
      tpu.enqueue_dma source(%dma_start3A_893 : memref<1x32xf32, #tpu.memory_space<hbm>>) target(%dma_start3A_891 : memref<1x32xf32, #tpu.memory_space<vmem>>) target_semaphore(%arg13 : memref<!tpu.dma_semaphore, #tpu.memory_space<semaphore_mem>>)
      %mul3A_894 = arith.constant 16 : i32
      %mul3A_895 = arith.muli %scan3A_707, %mul3A_894 : i32
      %add3A_896 = arith.constant 13 : i32
      %add3A_897 = arith.addi %mul3A_895, %add3A_896 : i32
      %slice3A_898 = vector.extract_strided_slice %get3A_711 {offsets = [13], sizes = [1], strides = [1]} : vector<16xi32> to vector<1xi32>
      %squeeze3A_899 = vector.extract %slice3A_898[0] : i32 from vector<1xi32>
      %dma_start3A_900 = arith.constant 0 : i32
      %dma_start3A_901 = tpu.memref_slice %arg12[%add3A_897, %dma_start3A_900] : memref<512x32xf32, #tpu.memory_space<vmem>> -> memref<1x32xf32, #tpu.memory_space<vmem>>
      %dma_start3A_902 = arith.constant 0 : i32
      %dma_start3A_903 = tpu.memref_slice %arg4[%squeeze3A_899, %dma_start3A_902] : memref<1000000x32xf32, #tpu.memory_space<hbm>> -> memref<1x32xf32, #tpu.memory_space<hbm>>
      %dma_start3A_904 = arith.constant 0 : i32
      %dma_start3A_905 = tpu.memref_slice %arg12[%add3A_897, %dma_start3A_904] : memref<512x32xf32, #tpu.memory_space<vmem>> -> memref<1x32xf32, #tpu.memory_space<vmem>>
      %dma_start3A_906 = arith.constant 0 : i32
      %dma_start3A_907 = tpu.memref_slice %arg4[%squeeze3A_899, %dma_start3A_906] : memref<1000000x32xf32, #tpu.memory_space<hbm>> -> memref<1x32xf32, #tpu.memory_space<hbm>>
      tpu.enqueue_dma source(%dma_start3A_907 : memref<1x32xf32, #tpu.memory_space<hbm>>) target(%dma_start3A_905 : memref<1x32xf32, #tpu.memory_space<vmem>>) target_semaphore(%arg13 : memref<!tpu.dma_semaphore, #tpu.memory_space<semaphore_mem>>)
      %mul3A_908 = arith.constant 16 : i32
      %mul3A_909 = arith.muli %scan3A_707, %mul3A_908 : i32
      %add3A_910 = arith.constant 14 : i32
      %add3A_911 = arith.addi %mul3A_909, %add3A_910 : i32
      %slice3A_912 = vector.extract_strided_slice %get3A_711 {offsets = [14], sizes = [1], strides = [1]} : vector<16xi32> to vector<1xi32>
      %squeeze3A_913 = vector.extract %slice3A_912[0] : i32 from vector<1xi32>
      %dma_start3A_914 = arith.constant 0 : i32
      %dma_start3A_915 = tpu.memref_slice %arg12[%add3A_911, %dma_start3A_914] : memref<512x32xf32, #tpu.memory_space<vmem>> -> memref<1x32xf32, #tpu.memory_space<vmem>>
      %dma_start3A_916 = arith.constant 0 : i32
      %dma_start3A_917 = tpu.memref_slice %arg4[%squeeze3A_913, %dma_start3A_916] : memref<1000000x32xf32, #tpu.memory_space<hbm>> -> memref<1x32xf32, #tpu.memory_space<hbm>>
      %dma_start3A_918 = arith.constant 0 : i32
      %dma_start3A_919 = tpu.memref_slice %arg12[%add3A_911, %dma_start3A_918] : memref<512x32xf32, #tpu.memory_space<vmem>> -> memref<1x32xf32, #tpu.memory_space<vmem>>
      %dma_start3A_920 = arith.constant 0 : i32
      %dma_start3A_921 = tpu.memref_slice %arg4[%squeeze3A_913, %dma_start3A_920] : memref<1000000x32xf32, #tpu.memory_space<hbm>> -> memref<1x32xf32, #tpu.memory_space<hbm>>
      tpu.enqueue_dma source(%dma_start3A_921 : memref<1x32xf32, #tpu.memory_space<hbm>>) target(%dma_start3A_919 : memref<1x32xf32, #tpu.memory_space<vmem>>) target_semaphore(%arg13 : memref<!tpu.dma_semaphore, #tpu.memory_space<semaphore_mem>>)
      %mul3A_922 = arith.constant 16 : i32
      %mul3A_923 = arith.muli %scan3A_707, %mul3A_922 : i32
      %add3A_924 = arith.constant 15 : i32
      %add3A_925 = arith.addi %mul3A_923, %add3A_924 : i32
      %slice3A_926 = vector.extract_strided_slice %get3A_711 {offsets = [15], sizes = [1], strides = [1]} : vector<16xi32> to vector<1xi32>
      %squeeze3A_927 = vector.extract %slice3A_926[0] : i32 from vector<1xi32>
      %dma_start3A_928 = arith.constant 0 : i32
      %dma_start3A_929 = tpu.memref_slice %arg12[%add3A_925, %dma_start3A_928] : memref<512x32xf32, #tpu.memory_space<vmem>> -> memref<1x32xf32, #tpu.memory_space<vmem>>
      %dma_start3A_930 = arith.constant 0 : i32
      %dma_start3A_931 = tpu.memref_slice %arg4[%squeeze3A_927, %dma_start3A_930] : memref<1000000x32xf32, #tpu.memory_space<hbm>> -> memref<1x32xf32, #tpu.memory_space<hbm>>
      %dma_start3A_932 = arith.constant 0 : i32
      %dma_start3A_933 = tpu.memref_slice %arg12[%add3A_925, %dma_start3A_932] : memref<512x32xf32, #tpu.memory_space<vmem>> -> memref<1x32xf32, #tpu.memory_space<vmem>>
      %dma_start3A_934 = arith.constant 0 : i32
      %dma_start3A_935 = tpu.memref_slice %arg4[%squeeze3A_927, %dma_start3A_934] : memref<1000000x32xf32, #tpu.memory_space<hbm>> -> memref<1x32xf32, #tpu.memory_space<hbm>>
      tpu.enqueue_dma source(%dma_start3A_935 : memref<1x32xf32, #tpu.memory_space<hbm>>) target(%dma_start3A_933 : memref<1x32xf32, #tpu.memory_space<vmem>>) target_semaphore(%arg13 : memref<!tpu.dma_semaphore, #tpu.memory_space<semaphore_mem>>)
    }
    %scan3A_7 = arith.constant 32 : i32
    tpu.wait_dma2 semaphore(%arg14 : memref<!tpu.dma_semaphore, #tpu.memory_space<semaphore_mem>>) src(%arg5 : memref<16000xf32, #tpu.memory_space<hbm>>) dst(%arg10 : memref<16000xf32, #tpu.memory_space<vmem>>)
    %scan3A_8 = arith.constant 0 : i32
    %scan3A_9 = arith.constant 0 : i32
    %scan3A_10 = arith.constant 32 : i32
    %scan3A_11 = arith.addi %scan3A_9, %scan3A_10 : i32
    %scan3A_12 = arith.constant 2 : i32
    scf.for %scan3A_21 = %scan3A_9 to %scan3A_11 step %scan3A_12  : i32 {
      %mul3A_22 = arith.constant 16 : i32
      %mul3A_23 = arith.muli %scan3A_21, %mul3A_22 : i32
      %get3A = arith.index_cast %mul3A_23 : i32 to index
      %get3A_24 = tpu.vector_load %arg9[%get3A] {strides = array<i32>} : memref<512xi32, #tpu.memory_space<vmem>>, vector<16xi32>,
      %mul3A_25 = arith.constant 16 : i32
      %mul3A_26 = vector.broadcast %mul3A_25 : i32 to vector<16xi32>
      %mul3A_27 = arith.muli %get3A_24, %mul3A_26 : vector<16xi32>
      %mul3A_28 = arith.constant 16 : i32
      %mul3A_29 = arith.muli %scan3A_21, %mul3A_28 : i32
      %add3A_30 = arith.constant 0 : i32
      %add3A_31 = arith.addi %mul3A_29, %add3A_30 : i32
      %slice3A = vector.extract_strided_slice %mul3A_27 {offsets = [0], sizes = [1], strides = [1]} : vector<16xi32> to vector<1xi32>
      %squeeze3A = vector.extract %slice3A[0] : i32 from vector<1xi32>
      %get3A_32 = arith.index_cast %squeeze3A : i32 to index
      %get3A_33 = tpu.vector_load %arg10[%get3A_32] {strides = array<i32>} : memref<16000xf32, #tpu.memory_space<vmem>>, vector<16xf32>,
      %mul3A_34 = arith.constant 16 : i32
      %mul3A_35 = arith.muli %add3A_31, %mul3A_34 : i32
      %swap3A = arith.index_cast %mul3A_35 : i32 to index
      %swap3A_36 = tpu.vector_load %arg11[%swap3A] {strides = array<i32>} : memref<8192xf32, #tpu.memory_space<vmem>>, vector<16xf32>,
      tpu.vector_store %arg11[%swap3A], %get3A_33 {strides = array<i32>} : memref<8192xf32, #tpu.memory_space<vmem>>, vector<16xf32>,
      %mul3A_37 = arith.constant 16 : i32
      %mul3A_38 = arith.muli %scan3A_21, %mul3A_37 : i32
      %add3A_39 = arith.constant 1 : i32
      %add3A_40 = arith.addi %mul3A_38, %add3A_39 : i32
      %slice3A_41 = vector.extract_strided_slice %mul3A_27 {offsets = [1], sizes = [1], strides = [1]} : vector<16xi32> to vector<1xi32>
      %squeeze3A_42 = vector.extract %slice3A_41[0] : i32 from vector<1xi32>
      %get3A_43 = arith.index_cast %squeeze3A_42 : i32 to index
      %get3A_44 = tpu.vector_load %arg10[%get3A_43] {strides = array<i32>} : memref<16000xf32, #tpu.memory_space<vmem>>, vector<16xf32>,
      %mul3A_45 = arith.constant 16 : i32
      %mul3A_46 = arith.muli %add3A_40, %mul3A_45 : i32
      %swap3A_47 = arith.index_cast %mul3A_46 : i32 to index
      %swap3A_48 = tpu.vector_load %arg11[%swap3A_47] {strides = array<i32>} : memref<8192xf32, #tpu.memory_space<vmem>>, vector<16xf32>,
      tpu.vector_store %arg11[%swap3A_47], %get3A_44 {strides = array<i32>} : memref<8192xf32, #tpu.memory_space<vmem>>, vector<16xf32>,
      %mul3A_49 = arith.constant 16 : i32
      %mul3A_50 = arith.muli %scan3A_21, %mul3A_49 : i32
      %add3A_51 = arith.constant 2 : i32
      %add3A_52 = arith.addi %mul3A_50, %add3A_51 : i32
      %slice3A_53 = vector.extract_strided_slice %mul3A_27 {offsets = [2], sizes = [1], strides = [1]} : vector<16xi32> to vector<1xi32>
      %squeeze3A_54 = vector.extract %slice3A_53[0] : i32 from vector<1xi32>
      %get3A_55 = arith.index_cast %squeeze3A_54 : i32 to index
      %get3A_56 = tpu.vector_load %arg10[%get3A_55] {strides = array<i32>} : memref<16000xf32, #tpu.memory_space<vmem>>, vector<16xf32>,
      %mul3A_57 = arith.constant 16 : i32
      %mul3A_58 = arith.muli %add3A_52, %mul3A_57 : i32
      %swap3A_59 = arith.index_cast %mul3A_58 : i32 to index
      %swap3A_60 = tpu.vector_load %arg11[%swap3A_59] {strides = array<i32>} : memref<8192xf32, #tpu.memory_space<vmem>>, vector<16xf32>,
      tpu.vector_store %arg11[%swap3A_59], %get3A_56 {strides = array<i32>} : memref<8192xf32, #tpu.memory_space<vmem>>, vector<16xf32>,
      %mul3A_61 = arith.constant 16 : i32
      %mul3A_62 = arith.muli %scan3A_21, %mul3A_61 : i32
      %add3A_63 = arith.constant 3 : i32
      %add3A_64 = arith.addi %mul3A_62, %add3A_63 : i32
      %slice3A_65 = vector.extract_strided_slice %mul3A_27 {offsets = [3], sizes = [1], strides = [1]} : vector<16xi32> to vector<1xi32>
      %squeeze3A_66 = vector.extract %slice3A_65[0] : i32 from vector<1xi32>
      %get3A_67 = arith.index_cast %squeeze3A_66 : i32 to index
      %get3A_68 = tpu.vector_load %arg10[%get3A_67] {strides = array<i32>} : memref<16000xf32, #tpu.memory_space<vmem>>, vector<16xf32>,
      %mul3A_69 = arith.constant 16 : i32
      %mul3A_70 = arith.muli %add3A_64, %mul3A_69 : i32
      %swap3A_71 = arith.index_cast %mul3A_70 : i32 to index
      %swap3A_72 = tpu.vector_load %arg11[%swap3A_71] {strides = array<i32>} : memref<8192xf32, #tpu.memory_space<vmem>>, vector<16xf32>,
      tpu.vector_store %arg11[%swap3A_71], %get3A_68 {strides = array<i32>} : memref<8192xf32, #tpu.memory_space<vmem>>, vector<16xf32>,
      %mul3A_73 = arith.constant 16 : i32
      %mul3A_74 = arith.muli %scan3A_21, %mul3A_73 : i32
      %add3A_75 = arith.constant 4 : i32
      %add3A_76 = arith.addi %mul3A_74, %add3A_75 : i32
      %slice3A_77 = vector.extract_strided_slice %mul3A_27 {offsets = [4], sizes = [1], strides = [1]} : vector<16xi32> to vector<1xi32>
      %squeeze3A_78 = vector.extract %slice3A_77[0] : i32 from vector<1xi32>
      %get3A_79 = arith.index_cast %squeeze3A_78 : i32 to index
      %get3A_80 = tpu.vector_load %arg10[%get3A_79] {strides = array<i32>} : memref<16000xf32, #tpu.memory_space<vmem>>, vector<16xf32>,
      %mul3A_81 = arith.constant 16 : i32
      %mul3A_82 = arith.muli %add3A_76, %mul3A_81 : i32
      %swap3A_83 = arith.index_cast %mul3A_82 : i32 to index
      %swap3A_84 = tpu.vector_load %arg11[%swap3A_83] {strides = array<i32>} : memref<8192xf32, #tpu.memory_space<vmem>>, vector<16xf32>,
      tpu.vector_store %arg11[%swap3A_83], %get3A_80 {strides = array<i32>} : memref<8192xf32, #tpu.memory_space<vmem>>, vector<16xf32>,
      %mul3A_85 = arith.constant 16 : i32
      %mul3A_86 = arith.muli %scan3A_21, %mul3A_85 : i32
      %add3A_87 = arith.constant 5 : i32
      %add3A_88 = arith.addi %mul3A_86, %add3A_87 : i32
      %slice3A_89 = vector.extract_strided_slice %mul3A_27 {offsets = [5], sizes = [1], strides = [1]} : vector<16xi32> to vector<1xi32>
      %squeeze3A_90 = vector.extract %slice3A_89[0] : i32 from vector<1xi32>
      %get3A_91 = arith.index_cast %squeeze3A_90 : i32 to index
      %get3A_92 = tpu.vector_load %arg10[%get3A_91] {strides = array<i32>} : memref<16000xf32, #tpu.memory_space<vmem>>, vector<16xf32>,
      %mul3A_93 = arith.constant 16 : i32
      %mul3A_94 = arith.muli %add3A_88, %mul3A_93 : i32
      %swap3A_95 = arith.index_cast %mul3A_94 : i32 to index
      %swap3A_96 = tpu.vector_load %arg11[%swap3A_95] {strides = array<i32>} : memref<8192xf32, #tpu.memory_space<vmem>>, vector<16xf32>,
      tpu.vector_store %arg11[%swap3A_95], %get3A_92 {strides = array<i32>} : memref<8192xf32, #tpu.memory_space<vmem>>, vector<16xf32>,
      %mul3A_97 = arith.constant 16 : i32
      %mul3A_98 = arith.muli %scan3A_21, %mul3A_97 : i32
      %add3A_99 = arith.constant 6 : i32
      %add3A_100 = arith.addi %mul3A_98, %add3A_99 : i32
      %slice3A_101 = vector.extract_strided_slice %mul3A_27 {offsets = [6], sizes = [1], strides = [1]} : vector<16xi32> to vector<1xi32>
      %squeeze3A_102 = vector.extract %slice3A_101[0] : i32 from vector<1xi32>
      %get3A_103 = arith.index_cast %squeeze3A_102 : i32 to index
      %get3A_104 = tpu.vector_load %arg10[%get3A_103] {strides = array<i32>} : memref<16000xf32, #tpu.memory_space<vmem>>, vector<16xf32>,
      %mul3A_105 = arith.constant 16 : i32
      %mul3A_106 = arith.muli %add3A_100, %mul3A_105 : i32
      %swap3A_107 = arith.index_cast %mul3A_106 : i32 to index
      %swap3A_108 = tpu.vector_load %arg11[%swap3A_107] {strides = array<i32>} : memref<8192xf32, #tpu.memory_space<vmem>>, vector<16xf32>,
      tpu.vector_store %arg11[%swap3A_107], %get3A_104 {strides = array<i32>} : memref<8192xf32, #tpu.memory_space<vmem>>, vector<16xf32>,
      %mul3A_109 = arith.constant 16 : i32
      %mul3A_110 = arith.muli %scan3A_21, %mul3A_109 : i32
      %add3A_111 = arith.constant 7 : i32
      %add3A_112 = arith.addi %mul3A_110, %add3A_111 : i32
      %slice3A_113 = vector.extract_strided_slice %mul3A_27 {offsets = [7], sizes = [1], strides = [1]} : vector<16xi32> to vector<1xi32>
      %squeeze3A_114 = vector.extract %slice3A_113[0] : i32 from vector<1xi32>
      %get3A_115 = arith.index_cast %squeeze3A_114 : i32 to index
      %get3A_116 = tpu.vector_load %arg10[%get3A_115] {strides = array<i32>} : memref<16000xf32, #tpu.memory_space<vmem>>, vector<16xf32>,
      %mul3A_117 = arith.constant 16 : i32
      %mul3A_118 = arith.muli %add3A_112, %mul3A_117 : i32
      %swap3A_119 = arith.index_cast %mul3A_118 : i32 to index
      %swap3A_120 = tpu.vector_load %arg11[%swap3A_119] {strides = array<i32>} : memref<8192xf32, #tpu.memory_space<vmem>>, vector<16xf32>,
      tpu.vector_store %arg11[%swap3A_119], %get3A_116 {strides = array<i32>} : memref<8192xf32, #tpu.memory_space<vmem>>, vector<16xf32>,
      %mul3A_121 = arith.constant 16 : i32
      %mul3A_122 = arith.muli %scan3A_21, %mul3A_121 : i32
      %add3A_123 = arith.constant 8 : i32
      %add3A_124 = arith.addi %mul3A_122, %add3A_123 : i32
      %slice3A_125 = vector.extract_strided_slice %mul3A_27 {offsets = [8], sizes = [1], strides = [1]} : vector<16xi32> to vector<1xi32>
      %squeeze3A_126 = vector.extract %slice3A_125[0] : i32 from vector<1xi32>
      %get3A_127 = arith.index_cast %squeeze3A_126 : i32 to index
      %get3A_128 = tpu.vector_load %arg10[%get3A_127] {strides = array<i32>} : memref<16000xf32, #tpu.memory_space<vmem>>, vector<16xf32>,
      %mul3A_129 = arith.constant 16 : i32
      %mul3A_130 = arith.muli %add3A_124, %mul3A_129 : i32
      %swap3A_131 = arith.index_cast %mul3A_130 : i32 to index
      %swap3A_132 = tpu.vector_load %arg11[%swap3A_131] {strides = array<i32>} : memref<8192xf32, #tpu.memory_space<vmem>>, vector<16xf32>,
      tpu.vector_store %arg11[%swap3A_131], %get3A_128 {strides = array<i32>} : memref<8192xf32, #tpu.memory_space<vmem>>, vector<16xf32>,
      %mul3A_133 = arith.constant 16 : i32
      %mul3A_134 = arith.muli %scan3A_21, %mul3A_133 : i32
      %add3A_135 = arith.constant 9 : i32
      %add3A_136 = arith.addi %mul3A_134, %add3A_135 : i32
      %slice3A_137 = vector.extract_strided_slice %mul3A_27 {offsets = [9], sizes = [1], strides = [1]} : vector<16xi32> to vector<1xi32>
      %squeeze3A_138 = vector.extract %slice3A_137[0] : i32 from vector<1xi32>
      %get3A_139 = arith.index_cast %squeeze3A_138 : i32 to index
      %get3A_140 = tpu.vector_load %arg10[%get3A_139] {strides = array<i32>} : memref<16000xf32, #tpu.memory_space<vmem>>, vector<16xf32>,
      %mul3A_141 = arith.constant 16 : i32
      %mul3A_142 = arith.muli %add3A_136, %mul3A_141 : i32
      %swap3A_143 = arith.index_cast %mul3A_142 : i32 to index
      %swap3A_144 = tpu.vector_load %arg11[%swap3A_143] {strides = array<i32>} : memref<8192xf32, #tpu.memory_space<vmem>>, vector<16xf32>,
      tpu.vector_store %arg11[%swap3A_143], %get3A_140 {strides = array<i32>} : memref<8192xf32, #tpu.memory_space<vmem>>, vector<16xf32>,
      %mul3A_145 = arith.constant 16 : i32
      %mul3A_146 = arith.muli %scan3A_21, %mul3A_145 : i32
      %add3A_147 = arith.constant 10 : i32
      %add3A_148 = arith.addi %mul3A_146, %add3A_147 : i32
      %slice3A_149 = vector.extract_strided_slice %mul3A_27 {offsets = [10], sizes = [1], strides = [1]} : vector<16xi32> to vector<1xi32>
      %squeeze3A_150 = vector.extract %slice3A_149[0] : i32 from vector<1xi32>
      %get3A_151 = arith.index_cast %squeeze3A_150 : i32 to index
      %get3A_152 = tpu.vector_load %arg10[%get3A_151] {strides = array<i32>} : memref<16000xf32, #tpu.memory_space<vmem>>, vector<16xf32>,
      %mul3A_153 = arith.constant 16 : i32
      %mul3A_154 = arith.muli %add3A_148, %mul3A_153 : i32
      %swap3A_155 = arith.index_cast %mul3A_154 : i32 to index
      %swap3A_156 = tpu.vector_load %arg11[%swap3A_155] {strides = array<i32>} : memref<8192xf32, #tpu.memory_space<vmem>>, vector<16xf32>,
      tpu.vector_store %arg11[%swap3A_155], %get3A_152 {strides = array<i32>} : memref<8192xf32, #tpu.memory_space<vmem>>, vector<16xf32>,
      %mul3A_157 = arith.constant 16 : i32
      %mul3A_158 = arith.muli %scan3A_21, %mul3A_157 : i32
      %add3A_159 = arith.constant 11 : i32
      %add3A_160 = arith.addi %mul3A_158, %add3A_159 : i32
      %slice3A_161 = vector.extract_strided_slice %mul3A_27 {offsets = [11], sizes = [1], strides = [1]} : vector<16xi32> to vector<1xi32>
      %squeeze3A_162 = vector.extract %slice3A_161[0] : i32 from vector<1xi32>
      %get3A_163 = arith.index_cast %squeeze3A_162 : i32 to index
      %get3A_164 = tpu.vector_load %arg10[%get3A_163] {strides = array<i32>} : memref<16000xf32, #tpu.memory_space<vmem>>, vector<16xf32>,
      %mul3A_165 = arith.constant 16 : i32
      %mul3A_166 = arith.muli %add3A_160, %mul3A_165 : i32
      %swap3A_167 = arith.index_cast %mul3A_166 : i32 to index
      %swap3A_168 = tpu.vector_load %arg11[%swap3A_167] {strides = array<i32>} : memref<8192xf32, #tpu.memory_space<vmem>>, vector<16xf32>,
      tpu.vector_store %arg11[%swap3A_167], %get3A_164 {strides = array<i32>} : memref<8192xf32, #tpu.memory_space<vmem>>, vector<16xf32>,
      %mul3A_169 = arith.constant 16 : i32
      %mul3A_170 = arith.muli %scan3A_21, %mul3A_169 : i32
      %add3A_171 = arith.constant 12 : i32
      %add3A_172 = arith.addi %mul3A_170, %add3A_171 : i32
      %slice3A_173 = vector.extract_strided_slice %mul3A_27 {offsets = [12], sizes = [1], strides = [1]} : vector<16xi32> to vector<1xi32>
      %squeeze3A_174 = vector.extract %slice3A_173[0] : i32 from vector<1xi32>
      %get3A_175 = arith.index_cast %squeeze3A_174 : i32 to index
      %get3A_176 = tpu.vector_load %arg10[%get3A_175] {strides = array<i32>} : memref<16000xf32, #tpu.memory_space<vmem>>, vector<16xf32>,
      %mul3A_177 = arith.constant 16 : i32
      %mul3A_178 = arith.muli %add3A_172, %mul3A_177 : i32
      %swap3A_179 = arith.index_cast %mul3A_178 : i32 to index
      %swap3A_180 = tpu.vector_load %arg11[%swap3A_179] {strides = array<i32>} : memref<8192xf32, #tpu.memory_space<vmem>>, vector<16xf32>,
      tpu.vector_store %arg11[%swap3A_179], %get3A_176 {strides = array<i32>} : memref<8192xf32, #tpu.memory_space<vmem>>, vector<16xf32>,
      %mul3A_181 = arith.constant 16 : i32
      %mul3A_182 = arith.muli %scan3A_21, %mul3A_181 : i32
      %add3A_183 = arith.constant 13 : i32
      %add3A_184 = arith.addi %mul3A_182, %add3A_183 : i32
      %slice3A_185 = vector.extract_strided_slice %mul3A_27 {offsets = [13], sizes = [1], strides = [1]} : vector<16xi32> to vector<1xi32>
      %squeeze3A_186 = vector.extract %slice3A_185[0] : i32 from vector<1xi32>
      %get3A_187 = arith.index_cast %squeeze3A_186 : i32 to index
      %get3A_188 = tpu.vector_load %arg10[%get3A_187] {strides = array<i32>} : memref<16000xf32, #tpu.memory_space<vmem>>, vector<16xf32>,
      %mul3A_189 = arith.constant 16 : i32
      %mul3A_190 = arith.muli %add3A_184, %mul3A_189 : i32
      %swap3A_191 = arith.index_cast %mul3A_190 : i32 to index
      %swap3A_192 = tpu.vector_load %arg11[%swap3A_191] {strides = array<i32>} : memref<8192xf32, #tpu.memory_space<vmem>>, vector<16xf32>,
      tpu.vector_store %arg11[%swap3A_191], %get3A_188 {strides = array<i32>} : memref<8192xf32, #tpu.memory_space<vmem>>, vector<16xf32>,
      %mul3A_193 = arith.constant 16 : i32
      %mul3A_194 = arith.muli %scan3A_21, %mul3A_193 : i32
      %add3A_195 = arith.constant 14 : i32
      %add3A_196 = arith.addi %mul3A_194, %add3A_195 : i32
      %slice3A_197 = vector.extract_strided_slice %mul3A_27 {offsets = [14], sizes = [1], strides = [1]} : vector<16xi32> to vector<1xi32>
      %squeeze3A_198 = vector.extract %slice3A_197[0] : i32 from vector<1xi32>
      %get3A_199 = arith.index_cast %squeeze3A_198 : i32 to index
      %get3A_200 = tpu.vector_load %arg10[%get3A_199] {strides = array<i32>} : memref<16000xf32, #tpu.memory_space<vmem>>, vector<16xf32>,
      %mul3A_201 = arith.constant 16 : i32
      %mul3A_202 = arith.muli %add3A_196, %mul3A_201 : i32
      %swap3A_203 = arith.index_cast %mul3A_202 : i32 to index
      %swap3A_204 = tpu.vector_load %arg11[%swap3A_203] {strides = array<i32>} : memref<8192xf32, #tpu.memory_space<vmem>>, vector<16xf32>,
      tpu.vector_store %arg11[%swap3A_203], %get3A_200 {strides = array<i32>} : memref<8192xf32, #tpu.memory_space<vmem>>, vector<16xf32>,
      %mul3A_205 = arith.constant 16 : i32
      %mul3A_206 = arith.muli %scan3A_21, %mul3A_205 : i32
      %add3A_207 = arith.constant 15 : i32
      %add3A_208 = arith.addi %mul3A_206, %add3A_207 : i32
      %slice3A_209 = vector.extract_strided_slice %mul3A_27 {offsets = [15], sizes = [1], strides = [1]} : vector<16xi32> to vector<1xi32>
      %squeeze3A_210 = vector.extract %slice3A_209[0] : i32 from vector<1xi32>
      %get3A_211 = arith.index_cast %squeeze3A_210 : i32 to index
      %get3A_212 = tpu.vector_load %arg10[%get3A_211] {strides = array<i32>} : memref<16000xf32, #tpu.memory_space<vmem>>, vector<16xf32>,
      %mul3A_213 = arith.constant 16 : i32
      %mul3A_214 = arith.muli %add3A_208, %mul3A_213 : i32
      %swap3A_215 = arith.index_cast %mul3A_214 : i32 to index
      %swap3A_216 = tpu.vector_load %arg11[%swap3A_215] {strides = array<i32>} : memref<8192xf32, #tpu.memory_space<vmem>>, vector<16xf32>,
      tpu.vector_store %arg11[%swap3A_215], %get3A_212 {strides = array<i32>} : memref<8192xf32, #tpu.memory_space<vmem>>, vector<16xf32>,
      %scan3A_217 = arith.constant 1 : i32
      %scan3A_218 = arith.addi %scan3A_21, %scan3A_217 : i32
      %mul3A_219 = arith.constant 16 : i32
      %mul3A_220 = arith.muli %scan3A_218, %mul3A_219 : i32
      %get3A_221 = arith.index_cast %mul3A_220 : i32 to index
      %get3A_222 = tpu.vector_load %arg9[%get3A_221] {strides = array<i32>} : memref<512xi32, #tpu.memory_space<vmem>>, vector<16xi32>,
      %mul3A_223 = arith.constant 16 : i32
      %mul3A_224 = vector.broadcast %mul3A_223 : i32 to vector<16xi32>
      %mul3A_225 = arith.muli %get3A_222, %mul3A_224 : vector<16xi32>
      %mul3A_226 = arith.constant 16 : i32
      %mul3A_227 = arith.muli %scan3A_218, %mul3A_226 : i32
      %add3A_228 = arith.constant 0 : i32
      %add3A_229 = arith.addi %mul3A_227, %add3A_228 : i32
      %slice3A_230 = vector.extract_strided_slice %mul3A_225 {offsets = [0], sizes = [1], strides = [1]} : vector<16xi32> to vector<1xi32>
      %squeeze3A_231 = vector.extract %slice3A_230[0] : i32 from vector<1xi32>
      %get3A_232 = arith.index_cast %squeeze3A_231 : i32 to index
      %get3A_233 = tpu.vector_load %arg10[%get3A_232] {strides = array<i32>} : memref<16000xf32, #tpu.memory_space<vmem>>, vector<16xf32>,
      %mul3A_234 = arith.constant 16 : i32
      %mul3A_235 = arith.muli %add3A_229, %mul3A_234 : i32
      %swap3A_236 = arith.index_cast %mul3A_235 : i32 to index
      %swap3A_237 = tpu.vector_load %arg11[%swap3A_236] {strides = array<i32>} : memref<8192xf32, #tpu.memory_space<vmem>>, vector<16xf32>,
      tpu.vector_store %arg11[%swap3A_236], %get3A_233 {strides = array<i32>} : memref<8192xf32, #tpu.memory_space<vmem>>, vector<16xf32>,
      %mul3A_238 = arith.constant 16 : i32
      %mul3A_239 = arith.muli %scan3A_218, %mul3A_238 : i32
      %add3A_240 = arith.constant 1 : i32
      %add3A_241 = arith.addi %mul3A_239, %add3A_240 : i32
      %slice3A_242 = vector.extract_strided_slice %mul3A_225 {offsets = [1], sizes = [1], strides = [1]} : vector<16xi32> to vector<1xi32>
      %squeeze3A_243 = vector.extract %slice3A_242[0] : i32 from vector<1xi32>
      %get3A_244 = arith.index_cast %squeeze3A_243 : i32 to index
      %get3A_245 = tpu.vector_load %arg10[%get3A_244] {strides = array<i32>} : memref<16000xf32, #tpu.memory_space<vmem>>, vector<16xf32>,
      %mul3A_246 = arith.constant 16 : i32
      %mul3A_247 = arith.muli %add3A_241, %mul3A_246 : i32
      %swap3A_248 = arith.index_cast %mul3A_247 : i32 to index
      %swap3A_249 = tpu.vector_load %arg11[%swap3A_248] {strides = array<i32>} : memref<8192xf32, #tpu.memory_space<vmem>>, vector<16xf32>,
      tpu.vector_store %arg11[%swap3A_248], %get3A_245 {strides = array<i32>} : memref<8192xf32, #tpu.memory_space<vmem>>, vector<16xf32>,
      %mul3A_250 = arith.constant 16 : i32
      %mul3A_251 = arith.muli %scan3A_218, %mul3A_250 : i32
      %add3A_252 = arith.constant 2 : i32
      %add3A_253 = arith.addi %mul3A_251, %add3A_252 : i32
      %slice3A_254 = vector.extract_strided_slice %mul3A_225 {offsets = [2], sizes = [1], strides = [1]} : vector<16xi32> to vector<1xi32>
      %squeeze3A_255 = vector.extract %slice3A_254[0] : i32 from vector<1xi32>
      %get3A_256 = arith.index_cast %squeeze3A_255 : i32 to index
      %get3A_257 = tpu.vector_load %arg10[%get3A_256] {strides = array<i32>} : memref<16000xf32, #tpu.memory_space<vmem>>, vector<16xf32>,
      %mul3A_258 = arith.constant 16 : i32
      %mul3A_259 = arith.muli %add3A_253, %mul3A_258 : i32
      %swap3A_260 = arith.index_cast %mul3A_259 : i32 to index
      %swap3A_261 = tpu.vector_load %arg11[%swap3A_260] {strides = array<i32>} : memref<8192xf32, #tpu.memory_space<vmem>>, vector<16xf32>,
      tpu.vector_store %arg11[%swap3A_260], %get3A_257 {strides = array<i32>} : memref<8192xf32, #tpu.memory_space<vmem>>, vector<16xf32>,
      %mul3A_262 = arith.constant 16 : i32
      %mul3A_263 = arith.muli %scan3A_218, %mul3A_262 : i32
      %add3A_264 = arith.constant 3 : i32
      %add3A_265 = arith.addi %mul3A_263, %add3A_264 : i32
      %slice3A_266 = vector.extract_strided_slice %mul3A_225 {offsets = [3], sizes = [1], strides = [1]} : vector<16xi32> to vector<1xi32>
      %squeeze3A_267 = vector.extract %slice3A_266[0] : i32 from vector<1xi32>
      %get3A_268 = arith.index_cast %squeeze3A_267 : i32 to index
      %get3A_269 = tpu.vector_load %arg10[%get3A_268] {strides = array<i32>} : memref<16000xf32, #tpu.memory_space<vmem>>, vector<16xf32>,
      %mul3A_270 = arith.constant 16 : i32
      %mul3A_271 = arith.muli %add3A_265, %mul3A_270 : i32
      %swap3A_272 = arith.index_cast %mul3A_271 : i32 to index
      %swap3A_273 = tpu.vector_load %arg11[%swap3A_272] {strides = array<i32>} : memref<8192xf32, #tpu.memory_space<vmem>>, vector<16xf32>,
      tpu.vector_store %arg11[%swap3A_272], %get3A_269 {strides = array<i32>} : memref<8192xf32, #tpu.memory_space<vmem>>, vector<16xf32>,
      %mul3A_274 = arith.constant 16 : i32
      %mul3A_275 = arith.muli %scan3A_218, %mul3A_274 : i32
      %add3A_276 = arith.constant 4 : i32
      %add3A_277 = arith.addi %mul3A_275, %add3A_276 : i32
      %slice3A_278 = vector.extract_strided_slice %mul3A_225 {offsets = [4], sizes = [1], strides = [1]} : vector<16xi32> to vector<1xi32>
      %squeeze3A_279 = vector.extract %slice3A_278[0] : i32 from vector<1xi32>
      %get3A_280 = arith.index_cast %squeeze3A_279 : i32 to index
      %get3A_281 = tpu.vector_load %arg10[%get3A_280] {strides = array<i32>} : memref<16000xf32, #tpu.memory_space<vmem>>, vector<16xf32>,
      %mul3A_282 = arith.constant 16 : i32
      %mul3A_283 = arith.muli %add3A_277, %mul3A_282 : i32
      %swap3A_284 = arith.index_cast %mul3A_283 : i32 to index
      %swap3A_285 = tpu.vector_load %arg11[%swap3A_284] {strides = array<i32>} : memref<8192xf32, #tpu.memory_space<vmem>>, vector<16xf32>,
      tpu.vector_store %arg11[%swap3A_284], %get3A_281 {strides = array<i32>} : memref<8192xf32, #tpu.memory_space<vmem>>, vector<16xf32>,
      %mul3A_286 = arith.constant 16 : i32
      %mul3A_287 = arith.muli %scan3A_218, %mul3A_286 : i32
      %add3A_288 = arith.constant 5 : i32
      %add3A_289 = arith.addi %mul3A_287, %add3A_288 : i32
      %slice3A_290 = vector.extract_strided_slice %mul3A_225 {offsets = [5], sizes = [1], strides = [1]} : vector<16xi32> to vector<1xi32>
      %squeeze3A_291 = vector.extract %slice3A_290[0] : i32 from vector<1xi32>
      %get3A_292 = arith.index_cast %squeeze3A_291 : i32 to index
      %get3A_293 = tpu.vector_load %arg10[%get3A_292] {strides = array<i32>} : memref<16000xf32, #tpu.memory_space<vmem>>, vector<16xf32>,
      %mul3A_294 = arith.constant 16 : i32
      %mul3A_295 = arith.muli %add3A_289, %mul3A_294 : i32
      %swap3A_296 = arith.index_cast %mul3A_295 : i32 to index
      %swap3A_297 = tpu.vector_load %arg11[%swap3A_296] {strides = array<i32>} : memref<8192xf32, #tpu.memory_space<vmem>>, vector<16xf32>,
      tpu.vector_store %arg11[%swap3A_296], %get3A_293 {strides = array<i32>} : memref<8192xf32, #tpu.memory_space<vmem>>, vector<16xf32>,
      %mul3A_298 = arith.constant 16 : i32
      %mul3A_299 = arith.muli %scan3A_218, %mul3A_298 : i32
      %add3A_300 = arith.constant 6 : i32
      %add3A_301 = arith.addi %mul3A_299, %add3A_300 : i32
      %slice3A_302 = vector.extract_strided_slice %mul3A_225 {offsets = [6], sizes = [1], strides = [1]} : vector<16xi32> to vector<1xi32>
      %squeeze3A_303 = vector.extract %slice3A_302[0] : i32 from vector<1xi32>
      %get3A_304 = arith.index_cast %squeeze3A_303 : i32 to index
      %get3A_305 = tpu.vector_load %arg10[%get3A_304] {strides = array<i32>} : memref<16000xf32, #tpu.memory_space<vmem>>, vector<16xf32>,
      %mul3A_306 = arith.constant 16 : i32
      %mul3A_307 = arith.muli %add3A_301, %mul3A_306 : i32
      %swap3A_308 = arith.index_cast %mul3A_307 : i32 to index
      %swap3A_309 = tpu.vector_load %arg11[%swap3A_308] {strides = array<i32>} : memref<8192xf32, #tpu.memory_space<vmem>>, vector<16xf32>,
      tpu.vector_store %arg11[%swap3A_308], %get3A_305 {strides = array<i32>} : memref<8192xf32, #tpu.memory_space<vmem>>, vector<16xf32>,
      %mul3A_310 = arith.constant 16 : i32
      %mul3A_311 = arith.muli %scan3A_218, %mul3A_310 : i32
      %add3A_312 = arith.constant 7 : i32
      %add3A_313 = arith.addi %mul3A_311, %add3A_312 : i32
      %slice3A_314 = vector.extract_strided_slice %mul3A_225 {offsets = [7], sizes = [1], strides = [1]} : vector<16xi32> to vector<1xi32>
      %squeeze3A_315 = vector.extract %slice3A_314[0] : i32 from vector<1xi32>
      %get3A_316 = arith.index_cast %squeeze3A_315 : i32 to index
      %get3A_317 = tpu.vector_load %arg10[%get3A_316] {strides = array<i32>} : memref<16000xf32, #tpu.memory_space<vmem>>, vector<16xf32>,
      %mul3A_318 = arith.constant 16 : i32
      %mul3A_319 = arith.muli %add3A_313, %mul3A_318 : i32
      %swap3A_320 = arith.index_cast %mul3A_319 : i32 to index
      %swap3A_321 = tpu.vector_load %arg11[%swap3A_320] {strides = array<i32>} : memref<8192xf32, #tpu.memory_space<vmem>>, vector<16xf32>,
      tpu.vector_store %arg11[%swap3A_320], %get3A_317 {strides = array<i32>} : memref<8192xf32, #tpu.memory_space<vmem>>, vector<16xf32>,
      %mul3A_322 = arith.constant 16 : i32
      %mul3A_323 = arith.muli %scan3A_218, %mul3A_322 : i32
      %add3A_324 = arith.constant 8 : i32
      %add3A_325 = arith.addi %mul3A_323, %add3A_324 : i32
      %slice3A_326 = vector.extract_strided_slice %mul3A_225 {offsets = [8], sizes = [1], strides = [1]} : vector<16xi32> to vector<1xi32>
      %squeeze3A_327 = vector.extract %slice3A_326[0] : i32 from vector<1xi32>
      %get3A_328 = arith.index_cast %squeeze3A_327 : i32 to index
      %get3A_329 = tpu.vector_load %arg10[%get3A_328] {strides = array<i32>} : memref<16000xf32, #tpu.memory_space<vmem>>, vector<16xf32>,
      %mul3A_330 = arith.constant 16 : i32
      %mul3A_331 = arith.muli %add3A_325, %mul3A_330 : i32
      %swap3A_332 = arith.index_cast %mul3A_331 : i32 to index
      %swap3A_333 = tpu.vector_load %arg11[%swap3A_332] {strides = array<i32>} : memref<8192xf32, #tpu.memory_space<vmem>>, vector<16xf32>,
      tpu.vector_store %arg11[%swap3A_332], %get3A_329 {strides = array<i32>} : memref<8192xf32, #tpu.memory_space<vmem>>, vector<16xf32>,
      %mul3A_334 = arith.constant 16 : i32
      %mul3A_335 = arith.muli %scan3A_218, %mul3A_334 : i32
      %add3A_336 = arith.constant 9 : i32
      %add3A_337 = arith.addi %mul3A_335, %add3A_336 : i32
      %slice3A_338 = vector.extract_strided_slice %mul3A_225 {offsets = [9], sizes = [1], strides = [1]} : vector<16xi32> to vector<1xi32>
      %squeeze3A_339 = vector.extract %slice3A_338[0] : i32 from vector<1xi32>
      %get3A_340 = arith.index_cast %squeeze3A_339 : i32 to index
      %get3A_341 = tpu.vector_load %arg10[%get3A_340] {strides = array<i32>} : memref<16000xf32, #tpu.memory_space<vmem>>, vector<16xf32>,
      %mul3A_342 = arith.constant 16 : i32
      %mul3A_343 = arith.muli %add3A_337, %mul3A_342 : i32
      %swap3A_344 = arith.index_cast %mul3A_343 : i32 to index
      %swap3A_345 = tpu.vector_load %arg11[%swap3A_344] {strides = array<i32>} : memref<8192xf32, #tpu.memory_space<vmem>>, vector<16xf32>,
      tpu.vector_store %arg11[%swap3A_344], %get3A_341 {strides = array<i32>} : memref<8192xf32, #tpu.memory_space<vmem>>, vector<16xf32>,
      %mul3A_346 = arith.constant 16 : i32
      %mul3A_347 = arith.muli %scan3A_218, %mul3A_346 : i32
      %add3A_348 = arith.constant 10 : i32
      %add3A_349 = arith.addi %mul3A_347, %add3A_348 : i32
      %slice3A_350 = vector.extract_strided_slice %mul3A_225 {offsets = [10], sizes = [1], strides = [1]} : vector<16xi32> to vector<1xi32>
      %squeeze3A_351 = vector.extract %slice3A_350[0] : i32 from vector<1xi32>
      %get3A_352 = arith.index_cast %squeeze3A_351 : i32 to index
      %get3A_353 = tpu.vector_load %arg10[%get3A_352] {strides = array<i32>} : memref<16000xf32, #tpu.memory_space<vmem>>, vector<16xf32>,
      %mul3A_354 = arith.constant 16 : i32
      %mul3A_355 = arith.muli %add3A_349, %mul3A_354 : i32
      %swap3A_356 = arith.index_cast %mul3A_355 : i32 to index
      %swap3A_357 = tpu.vector_load %arg11[%swap3A_356] {strides = array<i32>} : memref<8192xf32, #tpu.memory_space<vmem>>, vector<16xf32>,
      tpu.vector_store %arg11[%swap3A_356], %get3A_353 {strides = array<i32>} : memref<8192xf32, #tpu.memory_space<vmem>>, vector<16xf32>,
      %mul3A_358 = arith.constant 16 : i32
      %mul3A_359 = arith.muli %scan3A_218, %mul3A_358 : i32
      %add3A_360 = arith.constant 11 : i32
      %add3A_361 = arith.addi %mul3A_359, %add3A_360 : i32
      %slice3A_362 = vector.extract_strided_slice %mul3A_225 {offsets = [11], sizes = [1], strides = [1]} : vector<16xi32> to vector<1xi32>
      %squeeze3A_363 = vector.extract %slice3A_362[0] : i32 from vector<1xi32>
      %get3A_364 = arith.index_cast %squeeze3A_363 : i32 to index
      %get3A_365 = tpu.vector_load %arg10[%get3A_364] {strides = array<i32>} : memref<16000xf32, #tpu.memory_space<vmem>>, vector<16xf32>,
      %mul3A_366 = arith.constant 16 : i32
      %mul3A_367 = arith.muli %add3A_361, %mul3A_366 : i32
      %swap3A_368 = arith.index_cast %mul3A_367 : i32 to index
      %swap3A_369 = tpu.vector_load %arg11[%swap3A_368] {strides = array<i32>} : memref<8192xf32, #tpu.memory_space<vmem>>, vector<16xf32>,
      tpu.vector_store %arg11[%swap3A_368], %get3A_365 {strides = array<i32>} : memref<8192xf32, #tpu.memory_space<vmem>>, vector<16xf32>,
      %mul3A_370 = arith.constant 16 : i32
      %mul3A_371 = arith.muli %scan3A_218, %mul3A_370 : i32
      %add3A_372 = arith.constant 12 : i32
      %add3A_373 = arith.addi %mul3A_371, %add3A_372 : i32
      %slice3A_374 = vector.extract_strided_slice %mul3A_225 {offsets = [12], sizes = [1], strides = [1]} : vector<16xi32> to vector<1xi32>
      %squeeze3A_375 = vector.extract %slice3A_374[0] : i32 from vector<1xi32>
      %get3A_376 = arith.index_cast %squeeze3A_375 : i32 to index
      %get3A_377 = tpu.vector_load %arg10[%get3A_376] {strides = array<i32>} : memref<16000xf32, #tpu.memory_space<vmem>>, vector<16xf32>,
      %mul3A_378 = arith.constant 16 : i32
      %mul3A_379 = arith.muli %add3A_373, %mul3A_378 : i32
      %swap3A_380 = arith.index_cast %mul3A_379 : i32 to index
      %swap3A_381 = tpu.vector_load %arg11[%swap3A_380] {strides = array<i32>} : memref<8192xf32, #tpu.memory_space<vmem>>, vector<16xf32>,
      tpu.vector_store %arg11[%swap3A_380], %get3A_377 {strides = array<i32>} : memref<8192xf32, #tpu.memory_space<vmem>>, vector<16xf32>,
      %mul3A_382 = arith.constant 16 : i32
      %mul3A_383 = arith.muli %scan3A_218, %mul3A_382 : i32
      %add3A_384 = arith.constant 13 : i32
      %add3A_385 = arith.addi %mul3A_383, %add3A_384 : i32
      %slice3A_386 = vector.extract_strided_slice %mul3A_225 {offsets = [13], sizes = [1], strides = [1]} : vector<16xi32> to vector<1xi32>
      %squeeze3A_387 = vector.extract %slice3A_386[0] : i32 from vector<1xi32>
      %get3A_388 = arith.index_cast %squeeze3A_387 : i32 to index
      %get3A_389 = tpu.vector_load %arg10[%get3A_388] {strides = array<i32>} : memref<16000xf32, #tpu.memory_space<vmem>>, vector<16xf32>,
      %mul3A_390 = arith.constant 16 : i32
      %mul3A_391 = arith.muli %add3A_385, %mul3A_390 : i32
      %swap3A_392 = arith.index_cast %mul3A_391 : i32 to index
      %swap3A_393 = tpu.vector_load %arg11[%swap3A_392] {strides = array<i32>} : memref<8192xf32, #tpu.memory_space<vmem>>, vector<16xf32>,
      tpu.vector_store %arg11[%swap3A_392], %get3A_389 {strides = array<i32>} : memref<8192xf32, #tpu.memory_space<vmem>>, vector<16xf32>,
      %mul3A_394 = arith.constant 16 : i32
      %mul3A_395 = arith.muli %scan3A_218, %mul3A_394 : i32
      %add3A_396 = arith.constant 14 : i32
      %add3A_397 = arith.addi %mul3A_395, %add3A_396 : i32
      %slice3A_398 = vector.extract_strided_slice %mul3A_225 {offsets = [14], sizes = [1], strides = [1]} : vector<16xi32> to vector<1xi32>
      %squeeze3A_399 = vector.extract %slice3A_398[0] : i32 from vector<1xi32>
      %get3A_400 = arith.index_cast %squeeze3A_399 : i32 to index
      %get3A_401 = tpu.vector_load %arg10[%get3A_400] {strides = array<i32>} : memref<16000xf32, #tpu.memory_space<vmem>>, vector<16xf32>,
      %mul3A_402 = arith.constant 16 : i32
      %mul3A_403 = arith.muli %add3A_397, %mul3A_402 : i32
      %swap3A_404 = arith.index_cast %mul3A_403 : i32 to index
      %swap3A_405 = tpu.vector_load %arg11[%swap3A_404] {strides = array<i32>} : memref<8192xf32, #tpu.memory_space<vmem>>, vector<16xf32>,
      tpu.vector_store %arg11[%swap3A_404], %get3A_401 {strides = array<i32>} : memref<8192xf32, #tpu.memory_space<vmem>>, vector<16xf32>,
      %mul3A_406 = arith.constant 16 : i32
      %mul3A_407 = arith.muli %scan3A_218, %mul3A_406 : i32
      %add3A_408 = arith.constant 15 : i32
      %add3A_409 = arith.addi %mul3A_407, %add3A_408 : i32
      %slice3A_410 = vector.extract_strided_slice %mul3A_225 {offsets = [15], sizes = [1], strides = [1]} : vector<16xi32> to vector<1xi32>
      %squeeze3A_411 = vector.extract %slice3A_410[0] : i32 from vector<1xi32>
      %get3A_412 = arith.index_cast %squeeze3A_411 : i32 to index
      %get3A_413 = tpu.vector_load %arg10[%get3A_412] {strides = array<i32>} : memref<16000xf32, #tpu.memory_space<vmem>>, vector<16xf32>,
      %mul3A_414 = arith.constant 16 : i32
      %mul3A_415 = arith.muli %add3A_409, %mul3A_414 : i32
      %swap3A_416 = arith.index_cast %mul3A_415 : i32 to index
      %swap3A_417 = tpu.vector_load %arg11[%swap3A_416] {strides = array<i32>} : memref<8192xf32, #tpu.memory_space<vmem>>, vector<16xf32>,
      tpu.vector_store %arg11[%swap3A_416], %get3A_413 {strides = array<i32>} : memref<8192xf32, #tpu.memory_space<vmem>>, vector<16xf32>,
    }
    %scan3A_13 = arith.constant 32 : i32
    %mul3A_14 = arith.constant 16 : i32
    %mul3A_15 = arith.muli %mul3A_2, %mul3A_14 : i32
    "tpu.region"() ({
      %run_scoped3A = tpu.sem_alloc : memref<!tpu.dma_semaphore, #tpu.memory_space<semaphore_mem>>
      %dma_start3A = tpu.memref_slice %arg7[%mul3A_15] : memref<262144xf32, #tpu.memory_space<hbm>> -> memref<8192xf32, #tpu.memory_space<hbm>>
      %dma_start3A_21 = tpu.memref_slice %arg7[%mul3A_15] : memref<262144xf32, #tpu.memory_space<hbm>> -> memref<8192xf32, #tpu.memory_space<hbm>>
      tpu.enqueue_dma source(%arg11 : memref<8192xf32, #tpu.memory_space<vmem>>) target(%dma_start3A_21 : memref<8192xf32, #tpu.memory_space<hbm>>) target_semaphore(%run_scoped3A : memref<!tpu.dma_semaphore, #tpu.memory_space<semaphore_mem>>)
      %dma_wait3A_22 = tpu.memref_slice %arg7[%mul3A_15] : memref<262144xf32, #tpu.memory_space<hbm>> -> memref<8192xf32, #tpu.memory_space<hbm>>
      %dma_wait3A_23 = tpu.memref_slice %arg7[%mul3A_15] : memref<262144xf32, #tpu.memory_space<hbm>> -> memref<8192xf32, #tpu.memory_space<hbm>>
      tpu.wait_dma2 semaphore(%run_scoped3A : memref<!tpu.dma_semaphore, #tpu.memory_space<semaphore_mem>>) src(%arg11 : memref<8192xf32, #tpu.memory_space<vmem>>) dst(%dma_wait3A_23 : memref<8192xf32, #tpu.memory_space<hbm>>)
      tpu.yield
    }) : () -> ()
    %dma_wait3A = arith.constant 0 : i32
    %dma_wait3A_16 = arith.constant 0 : i32
    %dma_wait3A_17 = tpu.memref_slice %arg4[%dma_wait3A, %dma_wait3A_16] : memref<1000000x32xf32, #tpu.memory_space<hbm>> -> memref<512x32xf32, #tpu.memory_space<hbm>>
    %dma_wait3A_18 = arith.constant 0 : i32
    %dma_wait3A_19 = arith.constant 0 : i32
    %dma_wait3A_20 = tpu.memref_slice %arg4[%dma_wait3A_18, %dma_wait3A_19] : memref<1000000x32xf32, #tpu.memory_space<hbm>> -> memref<512x32xf32, #tpu.memory_space<hbm>>
    tpu.wait_dma2 semaphore(%arg13 : memref<!tpu.dma_semaphore, #tpu.memory_space<semaphore_mem>>) src(%dma_wait3A_20 : memref<512x32xf32, #tpu.memory_space<hbm>>) dst(%arg12 : memref<512x32xf32, #tpu.memory_space<vmem>>)
    "tpu.region"() ({
      %run_scoped3A = tpu.sem_alloc : memref<!tpu.dma_semaphore, #tpu.memory_space<semaphore_mem>>
      %dma_start3A = arith.constant 0 : i32
      %dma_start3A_21 = tpu.memref_slice %arg6[%mul3A_2, %dma_start3A] : memref<16384x32xf32, #tpu.memory_space<hbm>> -> memref<512x32xf32, #tpu.memory_space<hbm>>
      %dma_start3A_22 = arith.constant 0 : i32
      %dma_start3A_23 = tpu.memref_slice %arg6[%mul3A_2, %dma_start3A_22] : memref<16384x32xf32, #tpu.memory_space<hbm>> -> memref<512x32xf32, #tpu.memory_space<hbm>>
      tpu.enqueue_dma source(%arg12 : memref<512x32xf32, #tpu.memory_space<vmem>>) target(%dma_start3A_23 : memref<512x32xf32, #tpu.memory_space<hbm>>) target_semaphore(%run_scoped3A : memref<!tpu.dma_semaphore, #tpu.memory_space<semaphore_mem>>)
      %dma_wait3A_24 = arith.constant 0 : i32
      %dma_wait3A_25 = tpu.memref_slice %arg6[%mul3A_2, %dma_wait3A_24] : memref<16384x32xf32, #tpu.memory_space<hbm>> -> memref<512x32xf32, #tpu.memory_space<hbm>>
      %dma_wait3A_26 = arith.constant 0 : i32
      %dma_wait3A_27 = tpu.memref_slice %arg6[%mul3A_2, %dma_wait3A_26] : memref<16384x32xf32, #tpu.memory_space<hbm>> -> memref<512x32xf32, #tpu.memory_space<hbm>>
      tpu.wait_dma2 semaphore(%run_scoped3A : memref<!tpu.dma_semaphore, #tpu.memory_space<semaphore_mem>>) src(%arg12 : memref<512x32xf32, #tpu.memory_space<vmem>>) dst(%dma_wait3A_27 : memref<512x32xf32, #tpu.memory_space<hbm>>)
      tpu.yield
    }) : () -> ()
    return
  }
}

</mosaic_0001>

<sc_bundles>
// kernel: kernel.3.cloned.1.call-start
scs
__scs_entry_jumppad:
0x0: {  	(pc) =	sbr.rel $0x88, $3  }
0x1: {  	(tag) =	ssettag $0x0;
	lr =	simm.s32 $0x1  }
0x2: {  	[smem:$0x3F9B] =	sst lr;
	_ =	strace $0xD0000000  }
0x3: {  	_ = 	snop  }
0x4: {  	_ = 	snop  }
0x5: {  	_ = 	snop  }
0x6: {  	_ = 	snop  }
0x7: {  	_ = 	snop  }
__scs_overlays_trampoline_lowered:
0x8: {  	[smem:$0x3FAA] =	sst s0  }
0x9: {  	[smem:$0x3FAB] =	sst s1  }
0xa: {  	[smem:$0x3FAC] =	sst s2  }
0xb: {  	[smem:$0x3FAD] =	sst s3  }
0xc: {  	[smem:$0x3FAE] =	sst s4  }
0xd: {  	[smem:$0x3FAF] =	sst s5  }
0xe: {  	[smem:$0x3FB0] =	sst s6  }
0xf: {  	[smem:$0x3FB1] =	sst s7  }
0x10: {  	[smem:$0x3FB2] =	sst s8  }
0x11: {  	[smem:$0x3FB3] =	sst s9;
	s0 =	simm.s32 @!p0 $0x0  }
0x12: {  	s1 =	sld [smem:$0x3F99];
	s0 =	simm.s32 @p0 $0x1  }
0x13: {  	[smem:$0x3FB4] =	sst s0;
	s0 =	simm.s32 @!p1 $0x0  }
0x14: {  	s2 =	sld [smem:$0x3F98];
	s0 =	simm.s32 @p1 $0x1  }
0x15: {  	[smem:$0x3FB5] =	sst s0;
	s0 =	simm.s32 @!p2 $0x0  }
0x16: {  	s3 =	sld [smem:$0x3FDB];
	s0 =	simm.s32 @p2 $0x1  }
0x17: {  	s4 =	simm.s32 $0x1BF5;
	[smem:$0x3FB7] =	sst s0  }
0x18: {  	s0 =	sld [smem:$0x3F9A];
	_ =	swait.ge [sflag:s4], $0x0  }
0x19: {  	s7 =	sld [smem:$0x3F9B]  }
0x1a: {  	s8 =	sadd.s32 $0xFFFFE003, lr  }
0x1b: {  	s9 =	sadd.s32 $0xFFFFFEF7, lr;
	s5 =	simm.s32 $0xFFFFFFFF;
	p2 =	slt.u32 s8, $0xFFFFF086  }
0x1c: {  	p1 =	slt.u32 s9, $0xF7A;
	s5 =	simm.s32 @!p2 $0x0  }
0x1d: {  	s5 =	simm.s32 @p1 $0x1;
	p0 =	seq.s32 s7, s2  }
0x1e: {  	s7 =	smul.u32 @!p0 $0xF7A, s2;
	p2 =	seq.s32 @!p0 s5, $0x0  }
0x1f: {  	s9 =	smul.u32 $0xF7A, s1;
	s8 =	simm.s32 @!p0 $0x1BF5;
	p2 =	por !p2, p0  }
0x20: {  	[sflag:s8] =	ssyncset.s32 @!p0 $0xFFFFF086;
	s6 =	sadd.s32 @!p0 s3, s7;
	s7 =	simm.s32 @!p0 $0x108  }
0x21: {  	s3 =	sadd.s32 s3, s9;
	s6 =	sadd.s32 @!p0 $0x88, s6;
	s7 =	simm.s32 @p2 $0x1082  }
0x22: {  	[simem:s7], [sflag:s8] =	dma.local @!p0 [hbm:s6], $0xF7A  }
0x23: {  	s9 =	sor.u32 $0xD0000000, s2;
	s6 =	simm.s32 $0x108;
	_ =	swait.ge @!p0 [sflag:s8], $0x0  }
0x24: {  	s3 =	sadd.s32 $0x88, s3;
	s6 =	simm.s32 @!p1 $0x1082;
	[sflag:s4] =	ssyncset.s32 $0xFFFFF086  }
0x25: {  	[simem:s6], [sflag:s4] =	dma.local [hbm:s3], $0xF7A  }
0x26: {  	[smem:$0x3F9B] =	sst s1;
	(tag) =	ssettag s2;
	_ =	strace s9  }
0x27: {  	s1 =	sld [smem:$0x3FAB]  }
0x28: {  	s2 =	sld [smem:$0x3FAC]  }
0x29: {  	s4 =	sld [smem:$0x3FAE]  }
0x2a: {  	p0 =	seq.s32 s5, $0x0;
	s5 =	sld [smem:$0x3FAF]  }
0x2b: {  	s6 =	sld [smem:$0x3FB0]  }
0x2c: {  	s7 =	sld [smem:$0x3FB1]  }
0x2d: {  	s3 =	simm.s32 $0x108;
	s8 =	sld [smem:$0x3FB2]  }
0x2e: {  	s3 =	simm.s32 @!p0 $0x1082;
	s9 =	sld [smem:$0x3FB3]  }
0x2f: {  	lr =	sadd.s32 s0, s3;
	s0 =	sld [smem:$0x3FAA]  }
0x30: {  	s3 =	sld [smem:$0x3FAD]  }
0x31: {  	[smem:$0x3FB6] =	sst s10  }
0x32: {  	s10 =	sld [smem:$0x3FB4];
	_ =	sdelay $0x3  }
0x33: {  	p0 =	seq.s32 s10, $0x1;
	s10 =	sld [smem:$0x3FB6];
	_ =	sdelay $0x3  }
0x34: {  	[smem:$0x3FB6] =	sst s10  }
0x35: {  	s10 =	sld [smem:$0x3FB5];
	_ =	sdelay $0x3  }
0x36: {  	p1 =	seq.s32 s10, $0x1;
	s10 =	sld [smem:$0x3FB6];
	_ =	sdelay $0x3  }
0x37: {  	[smem:$0x3FB6] =	sst s10  }
0x38: {  	s10 =	sld [smem:$0x3FB7]  }
0x39: {  	_ = 	snop;
	(pc) =	sbr.ind lr, $3  }
0x3a: {  	_ = 	snop  }
0x3b: {  	_ = 	snop  }
0x3c: {  	p2 =	seq.s32 s10, $0x1;
	s10 =	sld [smem:$0x3FB6]  }
0x3d: {  	_ =	shalt  }
0x3e: {  	_ =	shalt  }
0x3f: {  	_ =	shalt  }
0x40: {  	_ =	shalt  }
0x41: {  	_ =	shalt  }
0x42: {  	_ =	shalt  }
0x43: {  	_ =	shalt  }
0x44: {  	_ =	shalt  }
0x45: {  	_ =	shalt  }
0x46: {  	_ =	shalt  }
0x47: {  	_ =	shalt  }
0x48: {  	_ =	shalt  }
0x49: {  	_ =	shalt  }
0x4a: {  	_ =	shalt  }
0x4b: {  	_ =	shalt  }
0x4c: {  	_ =	shalt  }
0x4d: {  	_ =	shalt  }
0x4e: {  	_ =	shalt  }
0x4f: {  	_ =	shalt  }
0x50: {  	_ =	shalt  }
0x51: {  	_ =	shalt  }
0x52: {  	_ =	shalt  }
0x53: {  	_ =	shalt  }
0x54: {  	_ =	shalt  }
0x55: {  	_ =	shalt  }
0x56: {  	_ =	shalt  }
0x57: {  	_ =	shalt  }
0x58: {  	_ =	shalt  }
0x59: {  	_ =	shalt  }
0x5a: {  	_ =	shalt  }
0x5b: {  	_ =	shalt  }
0x5c: {  	_ =	shalt  }
0x5d: {  	_ =	shalt  }
0x5e: {  	_ =	shalt  }
0x5f: {  	_ =	shalt  }
0x60: {  	_ =	shalt  }
0x61: {  	_ =	shalt  }
0x62: {  	_ =	shalt  }
0x63: {  	_ =	shalt  }
0x64: {  	_ =	shalt  }
0x65: {  	_ =	shalt  }
0x66: {  	_ =	shalt  }
0x67: {  	_ =	shalt  }
0x68: {  	_ =	shalt  }
0x69: {  	_ =	shalt  }
0x6a: {  	_ =	shalt  }
0x6b: {  	_ =	shalt  }
0x6c: {  	_ =	shalt  }
0x6d: {  	_ =	shalt  }
0x6e: {  	_ =	shalt  }
0x6f: {  	_ =	shalt  }
0x70: {  	_ =	shalt  }
0x71: {  	_ =	shalt  }
0x72: {  	_ =	shalt  }
0x73: {  	_ =	shalt  }
0x74: {  	_ =	shalt  }
0x75: {  	_ =	shalt  }
0x76: {  	_ =	shalt  }
0x77: {  	_ =	shalt  }
0x78: {  	_ =	shalt  }
0x79: {  	_ =	shalt  }
0x7a: {  	_ =	shalt  }
0x7b: {  	_ =	shalt  }
0x7c: {  	_ =	shalt  }
0x7d: {  	_ =	shalt  }
0x7e: {  	_ =	shalt  }
0x7f: {  	_ =	shalt  }
0x80: {  	_ =	shalt  }
0x81: {  	_ =	shalt  }
0x82: {  	_ =	shalt  }
0x83: {  	_ =	shalt  }
0x84: {  	_ =	shalt  }
0x85: {  	_ =	shalt  }
0x86: {  	_ =	shalt  }
0x87: {  	_ =	shalt  }
.Lfunc_end0:
.L_simem_size_0:
called_computation_lowered:
.L_overlay_start_0:
0x88: {  	s2 =	sld [smem:$0x3FD9]  }
0x89: {  	s3 =	sld [smem:$0x3FFE];
	_ =	sdelay $0x1  }
0x8a: {  	s1 =	srdreg.scid  }
0x8b: {  	s0 =	sand.u32 $0x1, s1  }
0x8c: {  	s17 =	sshll.u32 s0, $0xA;
	s2 =	sadd.s32 s3, s2  }
0x8d: {  	s2 =	sadd.s32 s2, s17  }
0x8e: {  	[smem:$0x3FC2] =	sst s2  }
0x8f: {  	_ = 	snop  }
0x90: {  	s2 =	sld [smem:$0x3FC9]  }
0x91: {  	s18 =	sld [smem:$0x3FC8]  }
0x92: {  	s4 =	sld [smem:$0x3FD0];
	(tm) =	ssettm $0x1  }
0x93: {  	s5 =	sld [smem:$0x3FFB];
	_ =	sdelay $0x3  }
0x94: {  	_ =	strace s5  }
0x95: {  	s5 =	sld [smem:$0x3FFC];
	_ =	sdelay $0x3  }
0x96: {  	_ =	strace s5  }
0x97: {  	s5 =	sld [smem:$0x3FFD];
	_ =	sdelay $0x3  }
0x98: {  	_ =	strace s5  }
0x99: {  	_ =	strace $0x8FFFFFFF  }
0x9a: {  	s19 =	sld [smem:$0x3FDB];
	_ =	sdelay $0x1  }
0x9b: {  	s6 =	simm.s32 $_scs_section_size  }
0x9c: {  	s7 =	simm.s32 $_size__tile_overlayer_lowered;
	s8 =	simm.s32 $_tile_overlayer_lowered  }
0x9d: {  	s22 =	simm.s32 $0x1BFF;
	s21 =	sshll.u32 s8, $0x1;
	s5 =	sadd.s32 s6, s19  }
0x9e: {  	s9 =	simm.s32 $0x0;
	s20 =	sshll.u32 s7, $0x1;
	s7 =	sadd.s32 s21, s5  }
0x9f: {  	[timem:s9], [sflag:s22] =	dma.local [hbm:s7], s20  }
0xa0: {  	_ =	swait.ge [sflag:s22], s20  }
0xa1: {  	s6 =	ssub.s32 $0x0, s20;
	[sflag:s22] =	ssyncset.done $0x0  }
0xa2: {  	[sflag:s22] =	ssyncadd.s32 s6;
	_ =	sdelay $0x1  }
0xa3: {  	s23 =	simm.s32 $0x1B8B  }
0xa4: {  	_ =	swait.ge [sflag:s23], $0x1  }
0xa5: {  	[sflag:s23] =	ssyncset.done $0x0  }
0xa6: {  	s25 =	simm.s32 $0x1B8E;
	s24 =	sld [smem:$0x3FFE];
	[sflag:s23] =	ssyncadd.s32 $0xFFFFFFFF  }
0xa7: {  	s26 =	simm.s32 $execute0_lowered;
	[smem:$0x3FD2] =	sst s25  }
0xa8: {  	s7 =	sshll.u32 s26, $0x1;
	_ =	strace $0x80000046;
	[dreg:$0x1] =	wrdreg $0xFFFFFFFF  }
0xa9: {  	s28 =	simm.s32 $_size_execute0_lowered;
	s5 =	sadd.s32 s5, s7;
	[dreg:$0x0] =	wrdreg $0x0  }
0xaa: {  	s7 =	sshll.u32 s28, $0x1;
	[dreg:$0x2] =	wrdreg s5  }
0xab: {  	[dreg:$0x3] =	wrdreg s7  }
0xac: {  	[dreg:$0x4] =	wrdreg $0xC0  }
0xad: {  	_ =	task [dreg:s9], $0x5FFFF  }
0xae: {  	[dreg:$0x1] =	wrdreg $0xFFFFFFFF  }
0xaf: {  	[dreg:$0x0] =	wrdreg $0x60  }
0xb0: {  	[dreg:$0x2] =	wrdreg s2  }
0xb1: {  	[dreg:$0x3] =	wrdreg s18  }
0xb2: {  	[dreg:$0x4] =	wrdreg s24  }
0xb3: {  	[dreg:$0x5] =	wrdreg s4  }
0xb4: {  	[dreg:$0x6] =	wrdreg $0x9  }
0xb5: {  	_ =	task.clear_ibuf [dreg:s9], $0x7FFFF;
	_ =	strace $0x90000046  }
0xb6: {  	s29 =	simm.s32 $0x9;
	_ =	strace $0x80000048  }
0xb7: {  	_ =	swait.ge [sflag:s29], $0x1  }
0xb8: {  	[sflag:s29] =	ssyncadd.s32 $0xFFFFFFFF  }
0xb9: {  	_ =	strace $0x90000048  }
0xba: {  	_ =	sfence  }
0xbb: {  	s30 =	sld [smem:$0x0];
	_ =	sdelay $0x2  }
0xbc: {  	s31 =	sshll.u32 s1, $0xD;
	s1 =	sshrl.u32 s1, $0x2  }
0xbd: {  	s3 =	sand.u32 $0x4000, s31;
	s1 =	sadd.s32 s1, s30  }
0xbe: {  	s0 =	sor.u32 s3, s0;
	s1 =	sshll.u32 s1, $0x11  }
0xbf: {  	s0 =	sor.u32 s1, s0  }
0xc0: {  	s0 =	sadd.s32 $0x8F2B, s0  }
0xc1: {  	[sflag:s0] =	ssyncadd.remote.s32 $0x1  }
0xc2: {  	_ =	sfence.sel $0xFFFF  }
0xc3: {  	[dreg:$0x0] =	wrdreg $0xFFFFFFFF;
	(pc) =	sbr.abs _section_cstart, $3  }
0xc4: {  	[dreg:$0x1] =	wrdreg $0xFFFFFFFF  }
0xc5: {  	_ =	task.clear_ibuf [dreg:s9], $0x2FFFF;
	_ =	strace $0x9FFFFFFF  }
0xc6: {  	(tm) =	ssettm $0x7FFFFFFF  }
0xc7: {  	_ =	shalt  }
tec
execute0_lowered:
.L_overlay_start_1:
0x0: {  	(tag) =	ssettag $0x1  }
0x1: {  	s5 =	rddreg [dreg:$0x0]  }
0x2: {  	s6 =	rddreg [dreg:$0x1]  }
0x3: {  	s7 =	rddreg [dreg:$0x2]  }
0x4: {  	s8 =	rddreg [dreg:$0x3]  }
0x5: {  	s2 =	simm.s32 $0x0;
	s3 =	srdreg.scid;
	s0 =	stileid.u32  }
0x6: {  	s13 =	simm.s32 $0x2;
	s15 =	simm.s32 $0x1;
	s17 =	simm.s32 $0x0  }
0x7: {  	[smem:$0x7FF] =	sst s2;
	s9 =	sand.u32 $0x1, s3;
	s4 =	sshll.u32 s0, $0x1  }
0x8: {  	s3 =	sadd.s32 $0x1600, s7;
	s29 =	sadd.s32 $0xE00, s7;
	_ =	strace $0x80000047  }
0x9: {  	s10 =	sor.u32 s9, s4;
	[dreg:$0x5] =	wrdreg s29;
	s9 =	ssub.s32 $0x2, s9  }
0xa: {  	s11 =	sshll.u32 s10, $0xD;
	s30 =	sshrl.u32 s9, $0x1;
	s12 =	sshll.u32 s10, $0x6  }
0xb: {  	s31 =	sshll.u32 s10, $0xA;
	s10 =	simm.s32 $0x3;
	s11 =	sadd.s32 s11, s7  }
0xc: {  	s9 =	ssub.s32 s9, s30;
	s5 =	sadd.s32 s5, s12;
	s6 =	sadd.s32 s6, s12  }
0xd: {  	s7 =	sadd.s32 s8, s31;
	s8 =	sadd.s32 $0xF43A00, s11;
	s9 =	smax.u32 s9, $0x1  }
.LBB2_1:
0xe: {  	[tilespmem:s2], [sflag:$0x3] =	stream.linear.gather [hbm4b:s5+s2], $0x200, $0x38;
	[tilespmem:$0x16280] =	vst v63  }
0xf: {  	_ =	swait.ge [sflag:s10], $0x200  }
0x10: {  	[sflag:s10] =	ssyncset.done $0x0  }
0x11: {  	s0 =	simm.s32 $0x200;
	[sflag:s10] =	ssyncadd.s32 $0xFFFFFE00  }
0x12: {  	[tilespmem:s0], [sflag:$0x3] =	stream.linear.gather [hbm4b:s6+s2], $0x200, $0x38;
	[tilespmem:$0x16280] =	vst v63  }
0x13: {  	_ =	swait.ge [sflag:s10], $0x200  }
0x14: {  	s1 =	simm.s32 $0x400;
	[sflag:s10] =	ssyncset.done $0x0  }
0x15: {  	s19 =	simm.s32 $0x20;
	s26 =	rddreg [dreg:$0x5];
	[sflag:s10] =	ssyncadd.s32 $0xFFFFFE00  }
0x16: {  	[tilespmem:s1], [sflag:$0x2] =	stream.linear.gather [hbm4b:s26+s2], $0x3E80, $0x38;
	[tilespmem:$0x16280] =	vst v63  }
0x17: {  	v0 =	vld [tilespmem:s19+$0xFFFFFFE0];
	_ =	sdelay $0x4  }
0x18: {  	v0 =	vshll.u32 v0, $0x4  }
0x19: {  	(v2sf) =	vpush v0, $0x0;
	_ =	sdelay $0x1  }
0x1a: {  	(v2sf) =	vpush v0, $0x1  }
0x1b: {  	(v2sf) =	vpush v0, $0x2;
	_ =	sdelay $0x1  }
0x1c: {  	(v2sf) =	vpush v0, $0x3;
	_ =	sdelay $0x1  }
0x1d: {  	(v2sf) =	vpush v0, $0x4;
	_ =	sdelay $0x1  }
0x1e: {  	(v2sf) =	vpush v0, $0x5;
	_ =	sdelay $0x1  }
0x1f: {  	(v2sf) =	vpush v0, $0x6;
	_ =	sdelay $0x3  }
0x20: {  	s20 =	simm.s32 $0x6280;
	s28 =	simm.s32 $0x6300;
	s18 =	spop (v2sf);
	(v2sf) =	vpush v0, $0x7  }
0x21: {  	s31 =	simm.s32 $0x6380;
	s4 =	simm.s32 $0x6400;
	s12 =	simm.s32 $0x6480  }
0x22: {  	s25 =	simm.s32 $0x6580;
	s18 =	sand.u32 $0x1FFFFFF0, s18;
	s21 =	spop (v2sf);
	(v2sf) =	vpush v0, $0x8  }
0x23: {  	s18 =	sadd.s32 s3, s18;
	(v2sf) =	vpush v0, $0x9;
	s29 =	sand.u32 $0x1FFFFFF0, s21;
	s30 =	spop (v2sf)  }
0x24: {  	[tilespmem:s20], [sflag:$0x1] =	stream.linear.gather [hbm4b:s18+s2], $0x80, $0x38;
	[tilespmem:$0x16280] =	vst v63  }
0x25: {  	s20 =	sadd.s32 s3, s29;
	s21 =	sand.u32 $0x1FFFFFF0, s30;
	s22 =	spop (v2sf);
	(v2sf) =	vpush v0, $0xA  }
0x26: {  	(v2sf) =	vpush v0, $0xB;
	[tilespmem:s28], [sflag:$0x1] =	stream.linear.gather [hbm4b:s20+s2], $0x80, $0x38;
	[tilespmem:$0x16280] =	vst v63  }
0x27: {  	s0 =	sadd.s32 s3, s21;
	s1 =	sand.u32 $0x1FFFFFF0, s22;
	s11 =	spop (v2sf)  }
0x28: {  	(v2sf) =	vpush v0, $0xC;
	[tilespmem:s31], [sflag:$0x1] =	stream.linear.gather [hbm4b:s0+s2], $0x80, $0x38;
	[tilespmem:$0x16280] =	vst v63  }
0x29: {  	s21 =	sadd.s32 s3, s1;
	s20 =	sand.u32 $0x1FFFFFF0, s11;
	s14 =	spop (v2sf)  }
0x2a: {  	[tilespmem:s4], [sflag:$0x1] =	stream.linear.gather [hbm4b:s21+s2], $0x80, $0x38;
	[tilespmem:$0x16280] =	vst v63  }
0x2b: {  	s20 =	sadd.s32 s3, s20;
	s16 =	spop (v2sf);
	s21 =	sand.u32 $0x1FFFFFF0, s14  }
0x2c: {  	(v2sf) =	vpush v0, $0xD;
	[tilespmem:s12], [sflag:$0x1] =	stream.linear.gather [hbm4b:s20+s2], $0x80, $0x38;
	[tilespmem:$0x16280] =	vst v63  }
0x2d: {  	s24 =	sand.u32 $0x1FFFFFF0, s16;
	s23 =	sadd.s32 s3, s21;
	s20 =	simm.s32 $0x6500  }
0x2e: {  	[tilespmem:s20], [sflag:$0x1] =	stream.linear.gather [hbm4b:s23+s2], $0x80, $0x38;
	[tilespmem:$0x16280] =	vst v63  }
0x2f: {  	s28 =	simm.s32 $0x6600;
	s21 =	sadd.s32 s3, s24;
	s26 =	spop (v2sf)  }
0x30: {  	(v2sf) =	vpush v0, $0xE;
	[tilespmem:s25], [sflag:$0x1] =	stream.linear.gather [hbm4b:s21+s2], $0x80, $0x38;
	[tilespmem:$0x16280] =	vst v63  }
0x31: {  	s31 =	simm.s32 $0x6680;
	s20 =	sand.u32 $0x1FFFFFF0, s26;
	s29 =	spop (v2sf)  }
0x32: {  	s4 =	simm.s32 $0x6700;
	(v2sf) =	vpush v0, $0xF;
	s20 =	sadd.s32 s3, s20;
	s30 =	spop (v2sf)  }
0x33: {  	[tilespmem:s28], [sflag:$0x1] =	stream.linear.gather [hbm4b:s20+s2], $0x80, $0x38;
	[tilespmem:$0x16280] =	vst v63  }
0x34: {  	s12 =	simm.s32 $0x6780;
	s21 =	sand.u32 $0x1FFFFFF0, s29;
	s11 =	spop (v2sf)  }
0x35: {  	s0 =	sadd.s32 s3, s21;
	s1 =	sand.u32 $0x1FFFFFF0, s30;
	s14 =	spop (v2sf)  }
0x36: {  	[tilespmem:s31], [sflag:$0x1] =	stream.linear.gather [hbm4b:s0+s2], $0x80, $0x38;
	[tilespmem:$0x16280] =	vst v63  }
0x37: {  	s21 =	sadd.s32 s3, s1;
	s20 =	sand.u32 $0x1FFFFFF0, s11;
	s16 =	spop (v2sf)  }
0x38: {  	[tilespmem:s4], [sflag:$0x1] =	stream.linear.gather [hbm4b:s21+s2], $0x80, $0x38;
	[tilespmem:$0x16280] =	vst v63  }
0x39: {  	s20 =	sadd.s32 s3, s20;
	s23 =	sand.u32 $0x1FFFFFF0, s16;
	s21 =	sand.u32 $0x1FFFFFF0, s14  }
0x3a: {  	[tilespmem:s12], [sflag:$0x1] =	stream.linear.gather [hbm4b:s20+s2], $0x80, $0x38;
	[tilespmem:$0x16280] =	vst v63  }
0x3b: {  	s25 =	spop (v2sf);
	s21 =	sadd.s32 s3, s21;
	s20 =	simm.s32 $0x6800  }
0x3c: {  	[tilespmem:s20], [sflag:$0x1] =	stream.linear.gather [hbm4b:s21+s2], $0x80, $0x38;
	[tilespmem:$0x16280] =	vst v63  }
0x3d: {  	s24 =	simm.s32 $0x6880;
	s21 =	sadd.s32 s3, s23;
	s20 =	sand.u32 $0x1FFFFFF0, s25  }
0x3e: {  	[tilespmem:s24], [sflag:$0x1] =	stream.linear.gather [hbm4b:s21+s2], $0x80, $0x38;
	[tilespmem:$0x16280] =	vst v63  }
0x3f: {  	s26 =	simm.s32 $0x6900;
	s20 =	sadd.s32 s3, s20;
	s28 =	spop (v2sf)  }
0x40: {  	[tilespmem:s26], [sflag:$0x1] =	stream.linear.gather [hbm4b:s20+s2], $0x80, $0x38;
	[tilespmem:$0x16280] =	vst v63  }
0x41: {  	s21 =	sand.u32 $0x1FFFFFF0, s28;
	s29 =	spop (v2sf)  }
0x42: {  	s30 =	simm.s32 $0x6980;
	s31 =	sadd.s32 s3, s21;
	s0 =	sand.u32 $0x1FFFFFF0, s29  }
0x43: {  	[tilespmem:s30], [sflag:$0x1] =	stream.linear.gather [hbm4b:s31+s2], $0x80, $0x38;
	[tilespmem:$0x16280] =	vst v63  }
0x44: {  	s1 =	simm.s32 $0x6A00;
	s4 =	sadd.s32 s3, s0  }
0x45: {  	[tilespmem:s1], [sflag:$0x1] =	stream.linear.gather [hbm4b:s4+s2], $0x80, $0x38;
	[tilespmem:$0x16280] =	vst v63  }
0x46: {  	v61 =	vld [tilespmem:s19+$0xFFFFFFF0];
	_ =	sdelay $0x4  }
0x47: {  	v0 =	vshll.u32 v61, $0x4  }
0x48: {  	(v2sf) =	vpush v0, $0x0  }
0x49: {  	(v2sf) =	vpush v0, $0x1;
	_ =	sdelay $0x2  }
0x4a: {  	(v2sf) =	vpush v0, $0x2  }
0x4b: {  	(v2sf) =	vpush v0, $0x3;
	_ =	sdelay $0x1  }
0x4c: {  	(v2sf) =	vpush v0, $0x4;
	_ =	sdelay $0x1  }
0x4d: {  	(v2sf) =	vpush v0, $0x5;
	_ =	sdelay $0x1  }
0x4e: {  	(v2sf) =	vpush v0, $0x6;
	_ =	sdelay $0x1  }
0x4f: {  	(v2sf) =	vpush v0, $0x7  }
0x50: {  	s16 =	simm.s32 $0x6B00;
	s12 =	simm.s32 $0x6A80  }
0x51: {  	s25 =	simm.s32 $0x6B80;
	s29 =	simm.s32 $0x6C00;
	s11 =	spop (v2sf)  }
0x52: {  	s31 =	simm.s32 $0x6C80;
	s18 =	sand.u32 $0x1FFFFFF0, s11;
	s14 =	spop (v2sf)  }
0x53: {  	s4 =	simm.s32 $0x6D00;
	(v2sf) =	vpush v0, $0x8;
	s18 =	sadd.s32 s3, s18;
	s22 =	sand.u32 $0x1FFFFFF0, s14  }
0x54: {  	[tilespmem:s12], [sflag:$0x1] =	stream.linear.gather [hbm4b:s18+s2], $0x80, $0x38;
	[tilespmem:$0x16280] =	vst v63  }
0x55: {  	s23 =	spop (v2sf);
	s14 =	simm.s32 $0x6D80;
	s20 =	sadd.s32 s3, s22  }
0x56: {  	(v2sf) =	vpush v0, $0x9;
	s21 =	sand.u32 $0x1FFFFFF0, s23;
	s24 =	spop (v2sf);
	s22 =	simm.s32 $0x6E00  }
0x57: {  	(v2sf) =	vpush v0, $0xA;
	[tilespmem:s16], [sflag:$0x1] =	stream.linear.gather [hbm4b:s20+s2], $0x80, $0x38;
	[tilespmem:$0x16280] =	vst v63  }
0x58: {  	s26 =	sadd.s32 s3, s21;
	s28 =	sand.u32 $0x1FFFFFF0, s24;
	s30 =	spop (v2sf)  }
0x59: {  	(v2sf) =	vpush v0, $0xB;
	[tilespmem:s25], [sflag:$0x1] =	stream.linear.gather [hbm4b:s26+s2], $0x80, $0x38;
	[tilespmem:$0x16280] =	vst v63  }
0x5a: {  	s21 =	sadd.s32 s3, s28;
	s20 =	sand.u32 $0x1FFFFFF0, s30;
	s0 =	spop (v2sf)  }
0x5b: {  	(v2sf) =	vpush v0, $0xC;
	[tilespmem:s29], [sflag:$0x1] =	stream.linear.gather [hbm4b:s21+s2], $0x80, $0x38;
	[tilespmem:$0x16280] =	vst v63  }
0x5c: {  	s20 =	sadd.s32 s3, s20;
	s1 =	spop (v2sf);
	s21 =	sand.u32 $0x1FFFFFF0, s0  }
0x5d: {  	(v2sf) =	vpush v0, $0xD;
	[tilespmem:s31], [sflag:$0x1] =	stream.linear.gather [hbm4b:s20+s2], $0x80, $0x38;
	[tilespmem:$0x16280] =	vst v63  }
0x5e: {  	s12 =	sand.u32 $0x1FFFFFF0, s1;
	s16 =	spop (v2sf);
	s11 =	sadd.s32 s3, s21  }
0x5f: {  	(v2sf) =	vpush v0, $0xE;
	[tilespmem:s4], [sflag:$0x1] =	stream.linear.gather [hbm4b:s11+s2], $0x80, $0x38;
	[tilespmem:$0x16280] =	vst v63  }
0x60: {  	s25 =	simm.s32 $0x6E80;
	s29 =	simm.s32 $0x6F00;
	s21 =	sadd.s32 s3, s12  }
0x61: {  	(v2sf) =	vpush v0, $0xF;
	[tilespmem:s14], [sflag:$0x1] =	stream.linear.gather [hbm4b:s21+s2], $0x80, $0x38;
	[tilespmem:$0x16280] =	vst v63  }
0x62: {  	s20 =	sand.u32 $0x1FFFFFF0, s16;
	s31 =	simm.s32 $0x6F80;
	s23 =	spop (v2sf)  }
0x63: {  	s20 =	sadd.s32 s3, s20;
	s4 =	simm.s32 $0x7000;
	s21 =	sand.u32 $0x1FFFFFF0, s23  }
0x64: {  	[tilespmem:s22], [sflag:$0x1] =	stream.linear.gather [hbm4b:s20+s2], $0x80, $0x38;
	[tilespmem:$0x16280] =	vst v63  }
0x65: {  	s14 =	simm.s32 $0x7080;
	s24 =	spop (v2sf);
	s26 =	sadd.s32 s3, s21  }
0x66: {  	s28 =	sand.u32 $0x1FFFFFF0, s24;
	s30 =	spop (v2sf);
	s22 =	simm.s32 $0x7100  }
0x67: {  	[tilespmem:s25], [sflag:$0x1] =	stream.linear.gather [hbm4b:s26+s2], $0x80, $0x38;
	[tilespmem:$0x16280] =	vst v63  }
0x68: {  	s21 =	sadd.s32 s3, s28;
	s20 =	sand.u32 $0x1FFFFFF0, s30;
	s0 =	spop (v2sf)  }
0x69: {  	[tilespmem:s29], [sflag:$0x1] =	stream.linear.gather [hbm4b:s21+s2], $0x80, $0x38;
	[tilespmem:$0x16280] =	vst v63  }
0x6a: {  	s20 =	sadd.s32 s3, s20;
	s1 =	spop (v2sf);
	s21 =	sand.u32 $0x1FFFFFF0, s0  }
0x6b: {  	[tilespmem:s31], [sflag:$0x1] =	stream.linear.gather [hbm4b:s20+s2], $0x80, $0x38;
	[tilespmem:$0x16280] =	vst v63  }
0x6c: {  	s12 =	sand.u32 $0x1FFFFFF0, s1;
	s16 =	spop (v2sf);
	s11 =	sadd.s32 s3, s21  }
0x6d: {  	[tilespmem:s4], [sflag:$0x1] =	stream.linear.gather [hbm4b:s11+s2], $0x80, $0x38;
	[tilespmem:$0x16280] =	vst v63  }
0x6e: {  	s21 =	sadd.s32 s3, s12;
	s23 =	spop (v2sf);
	s20 =	sand.u32 $0x1FFFFFF0, s16  }
0x6f: {  	[tilespmem:s14], [sflag:$0x1] =	stream.linear.gather [hbm4b:s21+s2], $0x80, $0x38;
	[tilespmem:$0x16280] =	vst v63  }
0x70: {  	s24 =	spop (v2sf);
	s20 =	sadd.s32 s3, s20;
	s21 =	sand.u32 $0x1FFFFFF0, s23  }
0x71: {  	[tilespmem:s22], [sflag:$0x1] =	stream.linear.gather [hbm4b:s20+s2], $0x80, $0x38;
	[tilespmem:$0x16280] =	vst v63  }
0x72: {  	s25 =	simm.s32 $0x7180;
	s28 =	sand.u32 $0x1FFFFFF0, s24;
	s26 =	sadd.s32 s3, s21  }
0x73: {  	[tilespmem:s25], [sflag:$0x1] =	stream.linear.gather [hbm4b:s26+s2], $0x80, $0x38;
	[tilespmem:$0x16280] =	vst v63  }
0x74: {  	s29 =	simm.s32 $0x7200;
	s30 =	sadd.s32 s3, s28  }
0x75: {  	[tilespmem:s29], [sflag:$0x1] =	stream.linear.gather [hbm4b:s30+s2], $0x80, $0x38;
	[tilespmem:$0x16280] =	vst v63  }
0x76: {  	v62 =	vld [tilespmem:s19+$0x0];
	_ =	sdelay $0x4  }
0x77: {  	v0 =	vshll.u32 v62, $0x4  }
0x78: {  	(v2sf) =	vpush v0, $0x0  }
0x79: {  	(v2sf) =	vpush v0, $0x1  }
0x7a: {  	(v2sf) =	vpush v0, $0x2;
	_ =	sdelay $0x1  }
0x7b: {  	(v2sf) =	vpush v0, $0x3  }
0x7c: {  	(v2sf) =	vpush v0, $0x4;
	_ =	sdelay $0x1  }
0x7d: {  	(v2sf) =	vpush v0, $0x5;
	_ =	sdelay $0x1  }
0x7e: {  	(v2sf) =	vpush v0, $0x6;
	_ =	sdelay $0x3  }
0x7f: {  	s18 =	simm.s32 $0x7280;
	(v2sf) =	vpush v0, $0x7  }
0x80: {  	s16 =	simm.s32 $0x7380;
	s4 =	simm.s32 $0x7300;
	s28 =	simm.s32 $0x7480  }
0x81: {  	s23 =	simm.s32 $0x7400;
	s22 =	simm.s32 $0x7700;
	s31 =	spop (v2sf)  }
0x82: {  	s29 =	simm.s32 $0x7500;
	s0 =	sand.u32 $0x1FFFFFF0, s31;
	s1 =	spop (v2sf)  }
0x83: {  	(v2sf) =	vpush v0, $0x8;
	s20 =	sadd.s32 s3, s0;
	s21 =	sand.u32 $0x1FFFFFF0, s1;
	s11 =	spop (v2sf)  }
0x84: {  	[tilespmem:s18], [sflag:$0x1] =	stream.linear.gather [hbm4b:s20+s2], $0x80, $0x38;
	[tilespmem:$0x16280] =	vst v63  }
0x85: {  	(v2sf) =	vpush v0, $0x9;
	s1 =	simm.s32 $0x7580;
	s12 =	sand.u32 $0x1FFFFFF0, s11;
	s14 =	spop (v2sf)  }
0x86: {  	s21 =	sadd.s32 s3, s21;
	(v2sf) =	vpush v0, $0xA;
	s20 =	sadd.s32 s3, s12;
	s24 =	spop (v2sf)  }
0x87: {  	[tilespmem:s4], [sflag:$0x1] =	stream.linear.gather [hbm4b:s21+s2], $0x80, $0x38;
	[tilespmem:$0x16280] =	vst v63  }
0x88: {  	(v2sf) =	vpush v0, $0xB;
	s21 =	sand.u32 $0x1FFFFFF0, s14;
	s25 =	sand.u32 $0x1FFFFFF0, s24;
	s26 =	spop (v2sf)  }
0x89: {  	[tilespmem:s16], [sflag:$0x1] =	stream.linear.gather [hbm4b:s20+s2], $0x80, $0x38;
	[tilespmem:$0x16280] =	vst v63  }
0x8a: {  	(v2sf) =	vpush v0, $0xC;
	s4 =	simm.s32 $0x7600;
	s21 =	sadd.s32 s3, s21;
	s30 =	spop (v2sf)  }
0x8b: {  	[tilespmem:s23], [sflag:$0x1] =	stream.linear.gather [hbm4b:s21+s2], $0x80, $0x38;
	[tilespmem:$0x16280] =	vst v63  }
0x8c: {  	(v2sf) =	vpush v0, $0xD;
	s20 =	sadd.s32 s3, s25;
	s31 =	sand.u32 $0x1FFFFFF0, s30;
	s21 =	sand.u32 $0x1FFFFFF0, s26  }
0x8d: {  	[tilespmem:s28], [sflag:$0x1] =	stream.linear.gather [hbm4b:s20+s2], $0x80, $0x38;
	[tilespmem:$0x16280] =	vst v63  }
0x8e: {  	s0 =	spop (v2sf);
	(v2sf) =	vpush v0, $0xE;
	s16 =	simm.s32 $0x7680;
	s21 =	sadd.s32 s3, s21  }
0x8f: {  	[tilespmem:s29], [sflag:$0x1] =	stream.linear.gather [hbm4b:s21+s2], $0x80, $0x38;
	[tilespmem:$0x16280] =	vst v63  }
0x90: {  	s26 =	simm.s32 $0x7780;
	s20 =	sadd.s32 s3, s31;
	s21 =	sand.u32 $0x1FFFFFF0, s0  }
0x91: {  	[tilespmem:s1], [sflag:$0x1] =	stream.linear.gather [hbm4b:s20+s2], $0x80, $0x38;
	[tilespmem:$0x16280] =	vst v63  }
0x92: {  	s28 =	simm.s32 $0x7800;
	s21 =	sadd.s32 s3, s21;
	s11 =	spop (v2sf);
	(v2sf) =	vpush v0, $0xF  }
0x93: {  	[tilespmem:s4], [sflag:$0x1] =	stream.linear.gather [hbm4b:s21+s2], $0x80, $0x38;
	[tilespmem:$0x16280] =	vst v63  }
0x94: {  	s0 =	simm.s32 $0x7880;
	s12 =	sand.u32 $0x1FFFFFF0, s11;
	s14 =	spop (v2sf)  }
0x95: {  	s20 =	sadd.s32 s3, s12;
	s21 =	sand.u32 $0x1FFFFFF0, s14;
	s23 =	spop (v2sf)  }
0x96: {  	[tilespmem:s16], [sflag:$0x1] =	stream.linear.gather [hbm4b:s20+s2], $0x80, $0x38;
	[tilespmem:$0x16280] =	vst v63  }
0x97: {  	s21 =	sadd.s32 s3, s21;
	s24 =	sand.u32 $0x1FFFFFF0, s23;
	s25 =	spop (v2sf)  }
0x98: {  	[tilespmem:s22], [sflag:$0x1] =	stream.linear.gather [hbm4b:s21+s2], $0x80, $0x38;
	[tilespmem:$0x16280] =	vst v63  }
0x99: {  	s20 =	sadd.s32 s3, s24;
	s29 =	spop (v2sf);
	s21 =	sand.u32 $0x1FFFFFF0, s25  }
0x9a: {  	[tilespmem:s26], [sflag:$0x1] =	stream.linear.gather [hbm4b:s20+s2], $0x80, $0x38;
	[tilespmem:$0x16280] =	vst v63  }
0x9b: {  	s30 =	sand.u32 $0x1FFFFFF0, s29;
	s31 =	spop (v2sf);
	s21 =	sadd.s32 s3, s21  }
0x9c: {  	[tilespmem:s28], [sflag:$0x1] =	stream.linear.gather [hbm4b:s21+s2], $0x80, $0x38;
	[tilespmem:$0x16280] =	vst v63  }
0x9d: {  	s4 =	spop (v2sf);
	s20 =	sadd.s32 s3, s30;
	s21 =	sand.u32 $0x1FFFFFF0, s31  }
0x9e: {  	[tilespmem:s0], [sflag:$0x1] =	stream.linear.gather [hbm4b:s20+s2], $0x80, $0x38;
	[tilespmem:$0x16280] =	vst v63  }
0x9f: {  	s1 =	simm.s32 $0x7900;
	s11 =	sand.u32 $0x1FFFFFF0, s4;
	s21 =	sadd.s32 s3, s21  }
0xa0: {  	[tilespmem:s1], [sflag:$0x1] =	stream.linear.gather [hbm4b:s21+s2], $0x80, $0x38;
	[tilespmem:$0x16280] =	vst v63  }
0xa1: {  	s14 =	simm.s32 $0x7980;
	s20 =	sadd.s32 s3, s11;
	s12 =	spop (v2sf)  }
0xa2: {  	[tilespmem:s14], [sflag:$0x1] =	stream.linear.gather [hbm4b:s20+s2], $0x80, $0x38;
	[tilespmem:$0x16280] =	vst v63  }
0xa3: {  	s21 =	sand.u32 $0x1FFFFFF0, s12  }
0xa4: {  	s16 =	simm.s32 $0x7A00;
	s21 =	sadd.s32 s3, s21  }
0xa5: {  	[tilespmem:s16], [sflag:$0x1] =	stream.linear.gather [hbm4b:s21+s2], $0x80, $0x38;
	[tilespmem:$0x16280] =	vst v63  }
0xa6: {  	v63 =	vld [tilespmem:s19+$0x10];
	_ =	sdelay $0x4  }
0xa7: {  	v0 =	vshll.u32 v63, $0x4  }
0xa8: {  	(v2sf) =	vpush v0, $0x0  }
0xa9: {  	(v2sf) =	vpush v0, $0x1  }
0xaa: {  	(v2sf) =	vpush v0, $0x2;
	_ =	sdelay $0x2  }
0xab: {  	(v2sf) =	vpush v0, $0x3  }
0xac: {  	(v2sf) =	vpush v0, $0x4;
	_ =	sdelay $0x1  }
0xad: {  	(v2sf) =	vpush v0, $0x5;
	_ =	sdelay $0x1  }
0xae: {  	(v2sf) =	vpush v0, $0x6;
	_ =	sdelay $0x1  }
0xaf: {  	(v2sf) =	vpush v0, $0x7;
	_ =	sdelay $0x1  }
0xb0: {  	s22 =	simm.s32 $0x7A80;
	s25 =	simm.s32 $0x7B00  }
0xb1: {  	s29 =	simm.s32 $0x7B80;
	s4 =	simm.s32 $0x7C80;
	s21 =	spop (v2sf)  }
0xb2: {  	s31 =	simm.s32 $0x7C00;
	s19 =	sand.u32 $0x1FFFFFF0, s21;
	s23 =	spop (v2sf)  }
0xb3: {  	(v2sf) =	vpush v0, $0x8;
	s19 =	sadd.s32 s3, s19;
	s21 =	sand.u32 $0x1FFFFFF0, s23;
	s24 =	spop (v2sf)  }
0xb4: {  	[tilespmem:s22], [sflag:$0x1] =	stream.linear.gather [hbm4b:s19+s2], $0x80, $0x38;
	[tilespmem:$0x16280] =	vst v63  }
0xb5: {  	s14 =	simm.s32 $0x7D00;
	(v2sf) =	vpush v0, $0x9;
	s26 =	sadd.s32 s3, s21;
	s28 =	sand.u32 $0x1FFFFFF0, s24  }
0xb6: {  	s30 =	spop (v2sf);
	s22 =	simm.s32 $0x7D80;
	s19 =	simm.s32 $0x0  }
0xb7: {  	(v2sf) =	vpush v0, $0xA;
	s21 =	sadd.s32 s3, s28;
	s20 =	sand.u32 $0x1FFFFFF0, s30;
	s0 =	spop (v2sf)  }
0xb8: {  	[tilespmem:s25], [sflag:$0x1] =	stream.linear.gather [hbm4b:s26+s2], $0x80, $0x38;
	[tilespmem:$0x16280] =	vst v63  }
0xb9: {  	(v2sf) =	vpush v0, $0xB;
	s20 =	sadd.s32 s3, s20;
	s1 =	spop (v2sf);
	s25 =	simm.s32 $0x7E00  }
0xba: {  	[tilespmem:s29], [sflag:$0x1] =	stream.linear.gather [hbm4b:s21+s2], $0x80, $0x38;
	[tilespmem:$0x16280] =	vst v63  }
0xbb: {  	(v2sf) =	vpush v0, $0xC;
	s12 =	sand.u32 $0x1FFFFFF0, s1;
	s16 =	spop (v2sf);
	s21 =	sand.u32 $0x1FFFFFF0, s0  }
0xbc: {  	[tilespmem:s31], [sflag:$0x1] =	stream.linear.gather [hbm4b:s20+s2], $0x80, $0x38;
	[tilespmem:$0x16280] =	vst v63  }
0xbd: {  	(v2sf) =	vpush v0, $0xD;
	s23 =	spop (v2sf);
	s29 =	simm.s32 $0x7E80;
	s11 =	sadd.s32 s3, s21  }
0xbe: {  	[tilespmem:s4], [sflag:$0x1] =	stream.linear.gather [hbm4b:s11+s2], $0x80, $0x38;
	[tilespmem:$0x16280] =	vst v63  }
0xbf: {  	(v2sf) =	vpush v0, $0xE;
	s21 =	sadd.s32 s3, s12;
	s20 =	sand.u32 $0x1FFFFFF0, s16;
	s31 =	simm.s32 $0x7F00  }
0xc0: {  	[tilespmem:s14], [sflag:$0x1] =	stream.linear.gather [hbm4b:s21+s2], $0x80, $0x38;
	[tilespmem:$0x16280] =	vst v63  }
0xc1: {  	s20 =	sadd.s32 s3, s20;
	s4 =	simm.s32 $0x7F80;
	s21 =	sand.u32 $0x1FFFFFF0, s23  }
0xc2: {  	s14 =	simm.s32 $0x8000;
	s26 =	sadd.s32 s3, s21;
	s24 =	spop (v2sf)  }
0xc3: {  	[tilespmem:s22], [sflag:$0x1] =	stream.linear.gather [hbm4b:s20+s2], $0x80, $0x38;
	(v2sf) =	vpush v0, $0xF;
	[tilespmem:$0x16280] =	vst v63  }
0xc4: {  	s22 =	simm.s32 $0x8080;
	s28 =	sand.u32 $0x1FFFFFF0, s24;
	s30 =	spop (v2sf)  }
0xc5: {  	[tilespmem:s25], [sflag:$0x1] =	stream.linear.gather [hbm4b:s26+s2], $0x80, $0x38;
	[tilespmem:$0x16280] =	vst v63  }
0xc6: {  	s21 =	sadd.s32 s3, s28;
	s20 =	sand.u32 $0x1FFFFFF0, s30;
	s0 =	spop (v2sf)  }
0xc7: {  	[tilespmem:s29], [sflag:$0x1] =	stream.linear.gather [hbm4b:s21+s2], $0x80, $0x38;
	[tilespmem:$0x16280] =	vst v63  }
0xc8: {  	s20 =	sadd.s32 s3, s20;
	s1 =	spop (v2sf);
	s21 =	sand.u32 $0x1FFFFFF0, s0  }
0xc9: {  	[tilespmem:s31], [sflag:$0x1] =	stream.linear.gather [hbm4b:s20+s2], $0x80, $0x38;
	[tilespmem:$0x16280] =	vst v63  }
0xca: {  	s12 =	sand.u32 $0x1FFFFFF0, s1;
	s16 =	spop (v2sf);
	s11 =	sadd.s32 s3, s21  }
0xcb: {  	[tilespmem:s4], [sflag:$0x1] =	stream.linear.gather [hbm4b:s11+s2], $0x80, $0x38;
	[tilespmem:$0x16280] =	vst v63  }
0xcc: {  	s21 =	sadd.s32 s3, s12;
	s23 =	spop (v2sf);
	s20 =	sand.u32 $0x1FFFFFF0, s16  }
0xcd: {  	[tilespmem:s14], [sflag:$0x1] =	stream.linear.gather [hbm4b:s21+s2], $0x80, $0x38;
	[tilespmem:$0x16280] =	vst v63  }
0xce: {  	s24 =	spop (v2sf);
	s20 =	sadd.s32 s3, s20;
	s21 =	sand.u32 $0x1FFFFFF0, s23  }
0xcf: {  	[tilespmem:s22], [sflag:$0x1] =	stream.linear.gather [hbm4b:s20+s2], $0x80, $0x38;
	[tilespmem:$0x16280] =	vst v63  }
0xd0: {  	s25 =	simm.s32 $0x8100;
	s28 =	sand.u32 $0x1FFFFFF0, s24;
	s26 =	sadd.s32 s3, s21  }
0xd1: {  	[tilespmem:s25], [sflag:$0x1] =	stream.linear.gather [hbm4b:s26+s2], $0x80, $0x38;
	[tilespmem:$0x16280] =	vst v63  }
0xd2: {  	s29 =	simm.s32 $0x8180;
	s30 =	sadd.s32 s3, s28;
	s31 =	spop (v2sf)  }
0xd3: {  	[tilespmem:s29], [sflag:$0x1] =	stream.linear.gather [hbm4b:s30+s2], $0x80, $0x38;
	[tilespmem:$0x16280] =	vst v63  }
0xd4: {  	s21 =	simm.s32 $0x8200;
	s20 =	simm.s32 $0x60;
	s22 =	sand.u32 $0x1FFFFFF0, s31  }
.LBB2_2:
0xd5: {  	s19 =	sadd.s32 $0x4, s19;
	s22 =	sadd.s32 s3, s22;
	s18 =	sadd.s32 $0x2000, s18  }
0xd6: {  	[tilespmem:s21], [sflag:$0x1] =	stream.linear.gather [hbm4b:s22+s2], $0x80, $0x38;
	[tilespmem:$0x16280] =	vst v63  }
0xd7: {  	p0 =	slt.u32 s19, $0x1C;
	v0 =	vld [tilespmem:s20+$0xFFFFFFE0];
	_ =	sdelay $0x4  }
0xd8: {  	v0 =	vshll.u32 v0, $0x4  }
0xd9: {  	(v2sf) =	vpush v0, $0x0  }
0xda: {  	(v2sf) =	vpush v0, $0x1  }
0xdb: {  	(v2sf) =	vpush v0, $0x2;
	_ =	sdelay $0x1  }
0xdc: {  	(v2sf) =	vpush v0, $0x3;
	_ =	sdelay $0x1  }
0xdd: {  	(v2sf) =	vpush v0, $0x4;
	_ =	sdelay $0x1  }
0xde: {  	(v2sf) =	vpush v0, $0x5;
	_ =	sdelay $0x1  }
0xdf: {  	(v2sf) =	vpush v0, $0x6  }
0xe0: {  	s22 =	sadd.s32 $0xFFFFF600, s18;
	s21 =	sadd.s32 $0xFFFFF680, s18  }
0xe1: {  	s25 =	sadd.s32 $0xFFFFF480, s18;
	s24 =	sadd.s32 $0xFFFFF500, s18;
	s23 =	sadd.s32 $0xFFFFF580, s18;
	(v2sf) =	vpush v0, $0x7  }
0xe2: {  	s29 =	sadd.s32 $0xFFFFF300, s18;
	s28 =	sadd.s32 $0xFFFFF380, s18;
	s26 =	sadd.s32 $0xFFFFF400, s18  }
0xe3: {  	s30 =	sadd.s32 $0xFFFFF180, s18;
	s31 =	sadd.s32 $0xFFFFF200, s18;
	s0 =	sadd.s32 $0xFFFFF280, s18;
	(v2sf) =	vpush v0, $0x8  }
0xe4: {  	s1 =	sadd.s32 $0xFFFFF080, s18;
	s11 =	sadd.s32 $0xFFFFF100, s18;
	s12 =	spop (v2sf)  }
0xe5: {  	s14 =	sadd.s32 $0xFFFFF000, s18;
	s12 =	sand.u32 $0x1FFFFFF0, s12;
	s16 =	spop (v2sf);
	(v2sf) =	vpush v0, $0x9  }
0xe6: {  	s12 =	sadd.s32 s3, s12;
	s16 =	sand.u32 $0x1FFFFFF0, s16;
	s4 =	spop (v2sf)  }
0xe7: {  	[tilespmem:s14], [sflag:$0x1] =	stream.linear.gather [hbm4b:s12+s2], $0x80, $0x38;
	(v2sf) =	vpush v0, $0xA;
	[tilespmem:$0x16280] =	vst v63  }
0xe8: {  	s12 =	sadd.s32 s3, s16;
	s4 =	sand.u32 $0x1FFFFFF0, s4;
	s14 =	spop (v2sf)  }
0xe9: {  	[tilespmem:s1], [sflag:$0x1] =	stream.linear.gather [hbm4b:s12+s2], $0x80, $0x38;
	(v2sf) =	vpush v0, $0xB;
	[tilespmem:$0x16280] =	vst v63  }
0xea: {  	s1 =	sadd.s32 s3, s4;
	s4 =	sand.u32 $0x1FFFFFF0, s14;
	s12 =	spop (v2sf)  }
0xeb: {  	[tilespmem:s11], [sflag:$0x1] =	stream.linear.gather [hbm4b:s1+s2], $0x80, $0x38;
	(v2sf) =	vpush v0, $0xC;
	[tilespmem:$0x16280] =	vst v63  }
0xec: {  	s1 =	sadd.s32 s3, s4;
	s4 =	sand.u32 $0x1FFFFFF0, s12;
	s11 =	spop (v2sf)  }
0xed: {  	[tilespmem:s30], [sflag:$0x1] =	stream.linear.gather [hbm4b:s1+s2], $0x80, $0x38;
	(v2sf) =	vpush v0, $0xD;
	[tilespmem:$0x16280] =	vst v63  }
0xee: {  	s1 =	sadd.s32 s3, s4;
	s4 =	sand.u32 $0x1FFFFFF0, s11;
	s11 =	spop (v2sf)  }
0xef: {  	[tilespmem:s31], [sflag:$0x1] =	stream.linear.gather [hbm4b:s1+s2], $0x80, $0x38;
	(v2sf) =	vpush v0, $0xE;
	[tilespmem:$0x16280] =	vst v63  }
0xf0: {  	s1 =	sadd.s32 s3, s4;
	s4 =	sand.u32 $0x1FFFFFF0, s11;
	s11 =	spop (v2sf)  }
0xf1: {  	[tilespmem:s0], [sflag:$0x1] =	stream.linear.gather [hbm4b:s1+s2], $0x80, $0x38;
	(v2sf) =	vpush v0, $0xF;
	[tilespmem:$0x16280] =	vst v63  }
0xf2: {  	s0 =	sadd.s32 s3, s4;
	s1 =	sand.u32 $0x1FFFFFF0, s11;
	s4 =	spop (v2sf)  }
0xf3: {  	[tilespmem:s29], [sflag:$0x1] =	stream.linear.gather [hbm4b:s0+s2], $0x80, $0x38;
	[tilespmem:$0x16280] =	vst v63  }
0xf4: {  	s0 =	sadd.s32 s3, s1;
	s1 =	sand.u32 $0x1FFFFFF0, s4;
	s4 =	spop (v2sf)  }
0xf5: {  	[tilespmem:s28], [sflag:$0x1] =	stream.linear.gather [hbm4b:s0+s2], $0x80, $0x38;
	[tilespmem:$0x16280] =	vst v63  }
0xf6: {  	s0 =	sadd.s32 s3, s1;
	s1 =	sand.u32 $0x1FFFFFF0, s4;
	s4 =	spop (v2sf)  }
0xf7: {  	[tilespmem:s26], [sflag:$0x1] =	stream.linear.gather [hbm4b:s0+s2], $0x80, $0x38;
	[tilespmem:$0x16280] =	vst v63  }
0xf8: {  	s0 =	sadd.s32 s3, s1;
	s1 =	sand.u32 $0x1FFFFFF0, s4;
	s4 =	spop (v2sf)  }
0xf9: {  	[tilespmem:s25], [sflag:$0x1] =	stream.linear.gather [hbm4b:s0+s2], $0x80, $0x38;
	[tilespmem:$0x16280] =	vst v63  }
0xfa: {  	s0 =	sadd.s32 s3, s1;
	s1 =	sand.u32 $0x1FFFFFF0, s4;
	s4 =	spop (v2sf)  }
0xfb: {  	[tilespmem:s24], [sflag:$0x1] =	stream.linear.gather [hbm4b:s0+s2], $0x80, $0x38;
	[tilespmem:$0x16280] =	vst v63  }
0xfc: {  	s0 =	sadd.s32 s3, s1;
	s1 =	sand.u32 $0x1FFFFFF0, s4;
	s4 =	spop (v2sf)  }
0xfd: {  	[tilespmem:s23], [sflag:$0x1] =	stream.linear.gather [hbm4b:s0+s2], $0x80, $0x38;
	[tilespmem:$0x16280] =	vst v63  }
0xfe: {  	s0 =	sadd.s32 s3, s1;
	s1 =	sand.u32 $0x1FFFFFF0, s4;
	s4 =	spop (v2sf)  }
0xff: {  	[tilespmem:s22], [sflag:$0x1] =	stream.linear.gather [hbm4b:s0+s2], $0x80, $0x38;
	[tilespmem:$0x16280] =	vst v63  }
0x100: {  	s0 =	sadd.s32 s3, s1;
	s1 =	sand.u32 $0x1FFFFFF0, s4;
	s4 =	spop (v2sf)  }
0x101: {  	[tilespmem:s21], [sflag:$0x1] =	stream.linear.gather [hbm4b:s0+s2], $0x80, $0x38;
	[tilespmem:$0x16280] =	vst v63  }
0x102: {  	s1 =	sadd.s32 s3, s1;
	s0 =	sadd.s32 $0xFFFFF700, s18;
	s4 =	sand.u32 $0x1FFFFFF0, s4  }
0x103: {  	[tilespmem:s0], [sflag:$0x1] =	stream.linear.gather [hbm4b:s1+s2], $0x80, $0x38;
	[tilespmem:$0x16280] =	vst v63  }
0x104: {  	s0 =	sadd.s32 $0xFFFFF780, s18;
	s1 =	sadd.s32 s3, s4  }
0x105: {  	[tilespmem:s0], [sflag:$0x1] =	stream.linear.gather [hbm4b:s1+s2], $0x80, $0x38;
	[tilespmem:$0x16280] =	vst v63  }
0x106: {  	v0 =	vld [tilespmem:s20+$0xFFFFFFF0];
	_ =	sdelay $0x4  }
0x107: {  	v0 =	vshll.u32 v0, $0x4  }
0x108: {  	(v2sf) =	vpush v0, $0x0  }
0x109: {  	(v2sf) =	vpush v0, $0x1  }
0x10a: {  	(v2sf) =	vpush v0, $0x2;
	_ =	sdelay $0x1  }
0x10b: {  	(v2sf) =	vpush v0, $0x3;
	_ =	sdelay $0x1  }
0x10c: {  	(v2sf) =	vpush v0, $0x4;
	_ =	sdelay $0x1  }
0x10d: {  	(v2sf) =	vpush v0, $0x5;
	_ =	sdelay $0x1  }
0x10e: {  	(v2sf) =	vpush v0, $0x6  }
0x10f: {  	s22 =	sadd.s32 $0xFFFFFE00, s18;
	s21 =	sadd.s32 $0xFFFFFE80, s18  }
0x110: {  	s25 =	sadd.s32 $0xFFFFFC80, s18;
	s24 =	sadd.s32 $0xFFFFFD00, s18;
	s23 =	sadd.s32 $0xFFFFFD80, s18;
	(v2sf) =	vpush v0, $0x7  }
0x111: {  	s29 =	sadd.s32 $0xFFFFFB00, s18;
	s28 =	sadd.s32 $0xFFFFFB80, s18;
	s26 =	sadd.s32 $0xFFFFFC00, s18  }
0x112: {  	s4 =	sadd.s32 $0xFFFFFA80, s18;
	s0 =	sadd.s32 $0xFFFFF980, s18;
	s1 =	sadd.s32 $0xFFFFFA00, s18;
	(v2sf) =	vpush v0, $0x8  }
0x113: {  	s12 =	sadd.s32 $0xFFFFF900, s18;
	s11 =	sadd.s32 $0xFFFFF880, s18;
	s14 =	spop (v2sf)  }
0x114: {  	s16 =	sadd.s32 $0xFFFFF800, s18;
	s14 =	sand.u32 $0x1FFFFFF0, s14;
	s30 =	spop (v2sf);
	(v2sf) =	vpush v0, $0x9  }
0x115: {  	s14 =	sadd.s32 s3, s14;
	s30 =	sand.u32 $0x1FFFFFF0, s30;
	s31 =	spop (v2sf)  }
0x116: {  	[tilespmem:s16], [sflag:$0x1] =	stream.linear.gather [hbm4b:s14+s2], $0x80, $0x38;
	(v2sf) =	vpush v0, $0xA;
	[tilespmem:$0x16280] =	vst v63  }
0x117: {  	s14 =	sadd.s32 s3, s30;
	s16 =	sand.u32 $0x1FFFFFF0, s31;
	s30 =	spop (v2sf)  }
0x118: {  	[tilespmem:s11], [sflag:$0x1] =	stream.linear.gather [hbm4b:s14+s2], $0x80, $0x38;
	(v2sf) =	vpush v0, $0xB;
	[tilespmem:$0x16280] =	vst v63  }
0x119: {  	s11 =	sadd.s32 s3, s16;
	s14 =	sand.u32 $0x1FFFFFF0, s30;
	s16 =	spop (v2sf)  }
0x11a: {  	[tilespmem:s12], [sflag:$0x1] =	stream.linear.gather [hbm4b:s11+s2], $0x80, $0x38;
	(v2sf) =	vpush v0, $0xC;
	[tilespmem:$0x16280] =	vst v63  }
0x11b: {  	s11 =	sadd.s32 s3, s14;
	s12 =	sand.u32 $0x1FFFFFF0, s16;
	s14 =	spop (v2sf)  }
0x11c: {  	[tilespmem:s0], [sflag:$0x1] =	stream.linear.gather [hbm4b:s11+s2], $0x80, $0x38;
	(v2sf) =	vpush v0, $0xD;
	[tilespmem:$0x16280] =	vst v63  }
0x11d: {  	s0 =	sadd.s32 s3, s12;
	s11 =	sand.u32 $0x1FFFFFF0, s14;
	s12 =	spop (v2sf)  }
0x11e: {  	[tilespmem:s1], [sflag:$0x1] =	stream.linear.gather [hbm4b:s0+s2], $0x80, $0x38;
	(v2sf) =	vpush v0, $0xE;
	[tilespmem:$0x16280] =	vst v63  }
0x11f: {  	s0 =	sadd.s32 s3, s11;
	s1 =	sand.u32 $0x1FFFFFF0, s12;
	s11 =	spop (v2sf)  }
0x120: {  	[tilespmem:s4], [sflag:$0x1] =	stream.linear.gather [hbm4b:s0+s2], $0x80, $0x38;
	(v2sf) =	vpush v0, $0xF;
	[tilespmem:$0x16280] =	vst v63  }
0x121: {  	s0 =	sadd.s32 s3, s1;
	s1 =	sand.u32 $0x1FFFFFF0, s11;
	s4 =	spop (v2sf)  }
0x122: {  	[tilespmem:s29], [sflag:$0x1] =	stream.linear.gather [hbm4b:s0+s2], $0x80, $0x38;
	[tilespmem:$0x16280] =	vst v63  }
0x123: {  	s0 =	sadd.s32 s3, s1;
	s1 =	sand.u32 $0x1FFFFFF0, s4;
	s4 =	spop (v2sf)  }
0x124: {  	[tilespmem:s28], [sflag:$0x1] =	stream.linear.gather [hbm4b:s0+s2], $0x80, $0x38;
	[tilespmem:$0x16280] =	vst v63  }
0x125: {  	s0 =	sadd.s32 s3, s1;
	s1 =	sand.u32 $0x1FFFFFF0, s4;
	s4 =	spop (v2sf)  }
0x126: {  	[tilespmem:s26], [sflag:$0x1] =	stream.linear.gather [hbm4b:s0+s2], $0x80, $0x38;
	[tilespmem:$0x16280] =	vst v63  }
0x127: {  	s0 =	sadd.s32 s3, s1;
	s1 =	sand.u32 $0x1FFFFFF0, s4;
	s4 =	spop (v2sf)  }
0x128: {  	[tilespmem:s25], [sflag:$0x1] =	stream.linear.gather [hbm4b:s0+s2], $0x80, $0x38;
	[tilespmem:$0x16280] =	vst v63  }
0x129: {  	s0 =	sadd.s32 s3, s1;
	s1 =	sand.u32 $0x1FFFFFF0, s4;
	s4 =	spop (v2sf)  }
0x12a: {  	[tilespmem:s24], [sflag:$0x1] =	stream.linear.gather [hbm4b:s0+s2], $0x80, $0x38;
	[tilespmem:$0x16280] =	vst v63  }
0x12b: {  	s0 =	sadd.s32 s3, s1;
	s1 =	sand.u32 $0x1FFFFFF0, s4;
	s4 =	spop (v2sf)  }
0x12c: {  	[tilespmem:s23], [sflag:$0x1] =	stream.linear.gather [hbm4b:s0+s2], $0x80, $0x38;
	[tilespmem:$0x16280] =	vst v63  }
0x12d: {  	s0 =	sadd.s32 s3, s1;
	s1 =	sand.u32 $0x1FFFFFF0, s4;
	s4 =	spop (v2sf)  }
0x12e: {  	[tilespmem:s22], [sflag:$0x1] =	stream.linear.gather [hbm4b:s0+s2], $0x80, $0x38;
	[tilespmem:$0x16280] =	vst v63  }
0x12f: {  	s0 =	sadd.s32 s3, s1;
	s1 =	sand.u32 $0x1FFFFFF0, s4;
	s4 =	spop (v2sf)  }
0x130: {  	[tilespmem:s21], [sflag:$0x1] =	stream.linear.gather [hbm4b:s0+s2], $0x80, $0x38;
	[tilespmem:$0x16280] =	vst v63  }
0x131: {  	s1 =	sadd.s32 s3, s1;
	s0 =	sadd.s32 $0xFFFFFF00, s18;
	s4 =	sand.u32 $0x1FFFFFF0, s4  }
0x132: {  	[tilespmem:s0], [sflag:$0x1] =	stream.linear.gather [hbm4b:s1+s2], $0x80, $0x38;
	[tilespmem:$0x16280] =	vst v63  }
0x133: {  	s0 =	sadd.s32 $0xFFFFFF80, s18;
	s1 =	sadd.s32 s3, s4  }
0x134: {  	[tilespmem:s0], [sflag:$0x1] =	stream.linear.gather [hbm4b:s1+s2], $0x80, $0x38;
	[tilespmem:$0x16280] =	vst v63  }
0x135: {  	v0 =	vld [tilespmem:s20+$0x0];
	_ =	sdelay $0x4  }
0x136: {  	v0 =	vshll.u32 v0, $0x4  }
0x137: {  	(v2sf) =	vpush v0, $0x0  }
0x138: {  	(v2sf) =	vpush v0, $0x1  }
0x139: {  	(v2sf) =	vpush v0, $0x2;
	_ =	sdelay $0x1  }
0x13a: {  	(v2sf) =	vpush v0, $0x3;
	_ =	sdelay $0x1  }
0x13b: {  	(v2sf) =	vpush v0, $0x4;
	_ =	sdelay $0x1  }
0x13c: {  	(v2sf) =	vpush v0, $0x5;
	_ =	sdelay $0x1  }
0x13d: {  	(v2sf) =	vpush v0, $0x6  }
0x13e: {  	s21 =	sadd.s32 $0x680, s18  }
0x13f: {  	s24 =	sadd.s32 $0x500, s18;
	s23 =	sadd.s32 $0x580, s18;
	s22 =	sadd.s32 $0x600, s18;
	(v2sf) =	vpush v0, $0x7  }
0x140: {  	s28 =	sadd.s32 $0x380, s18;
	s26 =	sadd.s32 $0x400, s18;
	s25 =	sadd.s32 $0x480, s18  }
0x141: {  	s4 =	sadd.s32 $0x300, s18;
	s0 =	sadd.s32 $0x200, s18;
	s1 =	sadd.s32 $0x280, s18;
	(v2sf) =	vpush v0, $0x8  }
0x142: {  	s12 =	sadd.s32 $0x180, s18;
	s11 =	sadd.s32 $0x100, s18;
	s14 =	spop (v2sf)  }
0x143: {  	s16 =	sadd.s32 $0x80, s18;
	s14 =	sand.u32 $0x1FFFFFF0, s14;
	s29 =	spop (v2sf);
	(v2sf) =	vpush v0, $0x9  }
0x144: {  	s14 =	sadd.s32 s3, s14;
	s29 =	sand.u32 $0x1FFFFFF0, s29;
	s30 =	spop (v2sf)  }
0x145: {  	[tilespmem:s18], [sflag:$0x1] =	stream.linear.gather [hbm4b:s14+s2], $0x80, $0x38;
	(v2sf) =	vpush v0, $0xA;
	[tilespmem:$0x16280] =	vst v63  }
0x146: {  	s14 =	sadd.s32 s3, s29;
	s29 =	sand.u32 $0x1FFFFFF0, s30;
	s30 =	spop (v2sf)  }
0x147: {  	[tilespmem:s16], [sflag:$0x1] =	stream.linear.gather [hbm4b:s14+s2], $0x80, $0x38;
	(v2sf) =	vpush v0, $0xB;
	[tilespmem:$0x16280] =	vst v63  }
0x148: {  	s14 =	sadd.s32 s3, s29;
	s16 =	sand.u32 $0x1FFFFFF0, s30;
	s29 =	spop (v2sf)  }
0x149: {  	[tilespmem:s11], [sflag:$0x1] =	stream.linear.gather [hbm4b:s14+s2], $0x80, $0x38;
	(v2sf) =	vpush v0, $0xC;
	[tilespmem:$0x16280] =	vst v63  }
0x14a: {  	s11 =	sadd.s32 s3, s16;
	s14 =	sand.u32 $0x1FFFFFF0, s29;
	s16 =	spop (v2sf)  }
0x14b: {  	[tilespmem:s12], [sflag:$0x1] =	stream.linear.gather [hbm4b:s11+s2], $0x80, $0x38;
	(v2sf) =	vpush v0, $0xD;
	[tilespmem:$0x16280] =	vst v63  }
0x14c: {  	s11 =	sadd.s32 s3, s14;
	s12 =	sand.u32 $0x1FFFFFF0, s16;
	s14 =	spop (v2sf)  }
0x14d: {  	[tilespmem:s0], [sflag:$0x1] =	stream.linear.gather [hbm4b:s11+s2], $0x80, $0x38;
	(v2sf) =	vpush v0, $0xE;
	[tilespmem:$0x16280] =	vst v63  }
0x14e: {  	s0 =	sadd.s32 s3, s12;
	s11 =	sand.u32 $0x1FFFFFF0, s14;
	s12 =	spop (v2sf)  }
0x14f: {  	[tilespmem:s1], [sflag:$0x1] =	stream.linear.gather [hbm4b:s0+s2], $0x80, $0x38;
	(v2sf) =	vpush v0, $0xF;
	[tilespmem:$0x16280] =	vst v63  }
0x150: {  	s0 =	sadd.s32 s3, s11;
	s1 =	sand.u32 $0x1FFFFFF0, s12;
	s11 =	spop (v2sf)  }
0x151: {  	[tilespmem:s4], [sflag:$0x1] =	stream.linear.gather [hbm4b:s0+s2], $0x80, $0x38;
	[tilespmem:$0x16280] =	vst v63  }
0x152: {  	s0 =	sadd.s32 s3, s1;
	s1 =	sand.u32 $0x1FFFFFF0, s11;
	s4 =	spop (v2sf)  }
0x153: {  	[tilespmem:s28], [sflag:$0x1] =	stream.linear.gather [hbm4b:s0+s2], $0x80, $0x38;
	[tilespmem:$0x16280] =	vst v63  }
0x154: {  	s0 =	sadd.s32 s3, s1;
	s1 =	sand.u32 $0x1FFFFFF0, s4;
	s4 =	spop (v2sf)  }
0x155: {  	[tilespmem:s26], [sflag:$0x1] =	stream.linear.gather [hbm4b:s0+s2], $0x80, $0x38;
	[tilespmem:$0x16280] =	vst v63  }
0x156: {  	s0 =	sadd.s32 s3, s1;
	s1 =	sand.u32 $0x1FFFFFF0, s4;
	s4 =	spop (v2sf)  }
0x157: {  	[tilespmem:s25], [sflag:$0x1] =	stream.linear.gather [hbm4b:s0+s2], $0x80, $0x38;
	[tilespmem:$0x16280] =	vst v63  }
0x158: {  	s0 =	sadd.s32 s3, s1;
	s1 =	sand.u32 $0x1FFFFFF0, s4;
	s4 =	spop (v2sf)  }
0x159: {  	[tilespmem:s24], [sflag:$0x1] =	stream.linear.gather [hbm4b:s0+s2], $0x80, $0x38;
	[tilespmem:$0x16280] =	vst v63  }
0x15a: {  	s0 =	sadd.s32 s3, s1;
	s1 =	sand.u32 $0x1FFFFFF0, s4;
	s4 =	spop (v2sf)  }
0x15b: {  	[tilespmem:s23], [sflag:$0x1] =	stream.linear.gather [hbm4b:s0+s2], $0x80, $0x38;
	[tilespmem:$0x16280] =	vst v63  }
0x15c: {  	s0 =	sadd.s32 s3, s1;
	s1 =	sand.u32 $0x1FFFFFF0, s4;
	s4 =	spop (v2sf)  }
0x15d: {  	[tilespmem:s22], [sflag:$0x1] =	stream.linear.gather [hbm4b:s0+s2], $0x80, $0x38;
	[tilespmem:$0x16280] =	vst v63  }
0x15e: {  	s0 =	sadd.s32 s3, s1;
	s1 =	sand.u32 $0x1FFFFFF0, s4;
	s4 =	spop (v2sf)  }
0x15f: {  	[tilespmem:s21], [sflag:$0x1] =	stream.linear.gather [hbm4b:s0+s2], $0x80, $0x38;
	[tilespmem:$0x16280] =	vst v63  }
0x160: {  	s1 =	sadd.s32 s3, s1;
	s0 =	sadd.s32 $0x700, s18;
	s4 =	sand.u32 $0x1FFFFFF0, s4  }
0x161: {  	[tilespmem:s0], [sflag:$0x1] =	stream.linear.gather [hbm4b:s1+s2], $0x80, $0x38;
	[tilespmem:$0x16280] =	vst v63  }
0x162: {  	s0 =	sadd.s32 $0x780, s18;
	s1 =	sadd.s32 s3, s4  }
0x163: {  	[tilespmem:s0], [sflag:$0x1] =	stream.linear.gather [hbm4b:s1+s2], $0x80, $0x38;
	[tilespmem:$0x16280] =	vst v63  }
0x164: {  	v0 =	vld [tilespmem:s20+$0x10];
	_ =	sdelay $0x4  }
0x165: {  	v0 =	vshll.u32 v0, $0x4  }
0x166: {  	(v2sf) =	vpush v0, $0x0  }
0x167: {  	(v2sf) =	vpush v0, $0x1  }
0x168: {  	(v2sf) =	vpush v0, $0x2;
	_ =	sdelay $0x1  }
0x169: {  	(v2sf) =	vpush v0, $0x3;
	_ =	sdelay $0x1  }
0x16a: {  	(v2sf) =	vpush v0, $0x4;
	_ =	sdelay $0x1  }
0x16b: {  	(v2sf) =	vpush v0, $0x5;
	_ =	sdelay $0x1  }
0x16c: {  	(v2sf) =	vpush v0, $0x6  }
0x16d: {  	s22 =	sadd.s32 $0xE00, s18;
	s21 =	sadd.s32 $0xE80, s18  }
0x16e: {  	s25 =	sadd.s32 $0xC80, s18;
	s24 =	sadd.s32 $0xD00, s18;
	s23 =	sadd.s32 $0xD80, s18;
	(v2sf) =	vpush v0, $0x7  }
0x16f: {  	s29 =	sadd.s32 $0xB00, s18;
	s28 =	sadd.s32 $0xB80, s18;
	s26 =	sadd.s32 $0xC00, s18  }
0x170: {  	s4 =	sadd.s32 $0xA80, s18;
	s0 =	sadd.s32 $0x980, s18;
	s1 =	sadd.s32 $0xA00, s18;
	(v2sf) =	vpush v0, $0x8  }
0x171: {  	s12 =	sadd.s32 $0x900, s18;
	s11 =	sadd.s32 $0x880, s18;
	s14 =	spop (v2sf)  }
0x172: {  	s16 =	sadd.s32 $0x800, s18;
	s14 =	sand.u32 $0x1FFFFFF0, s14;
	s30 =	spop (v2sf);
	(v2sf) =	vpush v0, $0x9  }
0x173: {  	s14 =	sadd.s32 s3, s14;
	s30 =	sand.u32 $0x1FFFFFF0, s30;
	s31 =	spop (v2sf)  }
0x174: {  	[tilespmem:s16], [sflag:$0x1] =	stream.linear.gather [hbm4b:s14+s2], $0x80, $0x38;
	(v2sf) =	vpush v0, $0xA;
	[tilespmem:$0x16280] =	vst v63  }
0x175: {  	s14 =	sadd.s32 s3, s30;
	s16 =	sand.u32 $0x1FFFFFF0, s31;
	s30 =	spop (v2sf)  }
0x176: {  	[tilespmem:s11], [sflag:$0x1] =	stream.linear.gather [hbm4b:s14+s2], $0x80, $0x38;
	(v2sf) =	vpush v0, $0xB;
	[tilespmem:$0x16280] =	vst v63  }
0x177: {  	s11 =	sadd.s32 s3, s16;
	s14 =	sand.u32 $0x1FFFFFF0, s30;
	s16 =	spop (v2sf)  }
0x178: {  	[tilespmem:s12], [sflag:$0x1] =	stream.linear.gather [hbm4b:s11+s2], $0x80, $0x38;
	(v2sf) =	vpush v0, $0xC;
	[tilespmem:$0x16280] =	vst v63  }
0x179: {  	s11 =	sadd.s32 s3, s14;
	s12 =	sand.u32 $0x1FFFFFF0, s16;
	s14 =	spop (v2sf)  }
0x17a: {  	[tilespmem:s0], [sflag:$0x1] =	stream.linear.gather [hbm4b:s11+s2], $0x80, $0x38;
	(v2sf) =	vpush v0, $0xD;
	[tilespmem:$0x16280] =	vst v63  }
0x17b: {  	s0 =	sadd.s32 s3, s12;
	s11 =	sand.u32 $0x1FFFFFF0, s14;
	s12 =	spop (v2sf)  }
0x17c: {  	[tilespmem:s1], [sflag:$0x1] =	stream.linear.gather [hbm4b:s0+s2], $0x80, $0x38;
	(v2sf) =	vpush v0, $0xE;
	[tilespmem:$0x16280] =	vst v63  }
0x17d: {  	s0 =	sadd.s32 s3, s11;
	s1 =	sand.u32 $0x1FFFFFF0, s12;
	s11 =	spop (v2sf)  }
0x17e: {  	[tilespmem:s4], [sflag:$0x1] =	stream.linear.gather [hbm4b:s0+s2], $0x80, $0x38;
	[tilespmem:$0x16280] =	vst v63  }
0x17f: {  	s0 =	sadd.s32 s3, s1;
	s1 =	sand.u32 $0x1FFFFFF0, s11;
	s4 =	spop (v2sf)  }
0x180: {  	[tilespmem:s29], [sflag:$0x1] =	stream.linear.gather [hbm4b:s0+s2], $0x80, $0x38;
	(v2sf) =	vpush v0, $0xF;
	[tilespmem:$0x16280] =	vst v63  }
0x181: {  	s0 =	sadd.s32 s3, s1;
	s1 =	sand.u32 $0x1FFFFFF0, s4;
	s4 =	spop (v2sf)  }
0x182: {  	[tilespmem:s28], [sflag:$0x1] =	stream.linear.gather [hbm4b:s0+s2], $0x80, $0x38;
	[tilespmem:$0x16280] =	vst v63  }
0x183: {  	s0 =	sadd.s32 s3, s1;
	s1 =	sand.u32 $0x1FFFFFF0, s4;
	s4 =	spop (v2sf)  }
0x184: {  	[tilespmem:s26], [sflag:$0x1] =	stream.linear.gather [hbm4b:s0+s2], $0x80, $0x38;
	[tilespmem:$0x16280] =	vst v63  }
0x185: {  	s0 =	sadd.s32 s3, s1;
	s1 =	sand.u32 $0x1FFFFFF0, s4;
	s4 =	spop (v2sf)  }
0x186: {  	[tilespmem:s25], [sflag:$0x1] =	stream.linear.gather [hbm4b:s0+s2], $0x80, $0x38;
	[tilespmem:$0x16280] =	vst v63  }
0x187: {  	s0 =	sadd.s32 s3, s1;
	s1 =	sand.u32 $0x1FFFFFF0, s4;
	s4 =	spop (v2sf)  }
0x188: {  	[tilespmem:s24], [sflag:$0x1] =	stream.linear.gather [hbm4b:s0+s2], $0x80, $0x38;
	[tilespmem:$0x16280] =	vst v63  }
0x189: {  	s0 =	sadd.s32 s3, s1;
	s1 =	sand.u32 $0x1FFFFFF0, s4;
	s4 =	spop (v2sf)  }
0x18a: {  	[tilespmem:s23], [sflag:$0x1] =	stream.linear.gather [hbm4b:s0+s2], $0x80, $0x38;
	[tilespmem:$0x16280] =	vst v63  }
0x18b: {  	s0 =	sadd.s32 s3, s1;
	s1 =	sand.u32 $0x1FFFFFF0, s4;
	s4 =	spop (v2sf)  }
0x18c: {  	[tilespmem:s22], [sflag:$0x1] =	stream.linear.gather [hbm4b:s0+s2], $0x80, $0x38;
	[tilespmem:$0x16280] =	vst v63  }
.Ltmp0:
0x18d: {  	s0 =	sadd.s32 s3, s1;
	s1 =	sand.u32 $0x1FFFFFF0, s4;
	(pc) =	sbr.rel @p0 .LBB2_2-.Ltmp0, $4  }
0x18e: {  	[tilespmem:s21], [sflag:$0x1] =	stream.linear.gather [hbm4b:s0+s2], $0x80, $0x38;
	[tilespmem:$0x16280] =	vst v63  }
0x18f: {  	s1 =	sadd.s32 s3, s1;
	s0 =	sadd.s32 $0xF00, s18;
	s4 =	spop (v2sf)  }
0x190: {  	[tilespmem:s0], [sflag:$0x1] =	stream.linear.gather [hbm4b:s1+s2], $0x80, $0x38;
	[tilespmem:$0x16280] =	vst v63  }
0x191: {  	s20 =	sadd.s32 $0x40, s20;
	s21 =	sadd.s32 $0xF80, s18;
	s22 =	sand.u32 $0x1FFFFFF0, s4  }
0x192: {  	s0 =	sadd.s32 s3, s22  }
0x193: {  	[tilespmem:s21], [sflag:$0x1] =	stream.linear.gather [hbm4b:s0+s2], $0x80, $0x38;
	[tilespmem:$0x16280] =	vst v63  }
0x194: {  	_ =	swait.ge [sflag:s13], $0x3E80  }
0x195: {  	[sflag:s13] =	ssyncset.done $0x0  }
0x196: {  	s18 =	simm.s32 $0x210;
	[sflag:s13] =	ssyncadd.s32 $0xFFFFC180  }
0x197: {  	v0 =	vld [tilespmem:s18+$0xFFFFFFF0];
	_ =	sdelay $0x4  }
0x198: {  	v0 =	vshll.u32 v0, $0x4  }
0x199: {  	v0 =	vadd.s32 $0x400, v0  }
0x19a: {  	(v2sf) =	vpush v0, $0x0;
	_ =	sdelay $0x5  }
0x19b: {  	(v2sf) =	vpush v0, $0x1;
	_ =	sdelay $0x5  }
0x19c: {  	(v2sf) =	vpush v0, $0x2;
	_ =	sdelay $0x2  }
0x19d: {  	s11 =	spop (v2sf)  }
0x19e: {  	v1 =	vld [tilespmem:s11+$0x0];
	_ =	sdelay $0x1  }
0x19f: {  	(v2sf) =	vpush v0, $0x3;
	_ =	sdelay $0x1  }
0x1a0: {  	s19 =	simm.s32 $0x4380  }
0x1a1: {  	s12 =	spop (v2sf);
	[tilespmem:s19+$0xFFFFFF00] =	vst v1  }
0x1a2: {  	v1 =	vld [tilespmem:s12+$0x0];
	_ =	sdelay $0x1  }
0x1a3: {  	(v2sf) =	vpush v0, $0x4;
	_ =	sdelay $0x2  }
0x1a4: {  	s14 =	spop (v2sf);
	[tilespmem:s19+$0xFFFFFF10] =	vst v1  }
0x1a5: {  	v1 =	vld [tilespmem:s14+$0x0];
	_ =	sdelay $0x1  }
0x1a6: {  	(v2sf) =	vpush v0, $0x5;
	_ =	sdelay $0x2  }
0x1a7: {  	s16 =	spop (v2sf);
	[tilespmem:s19+$0xFFFFFF20] =	vst v1  }
0x1a8: {  	v1 =	vld [tilespmem:s16+$0x0];
	_ =	sdelay $0x1  }
0x1a9: {  	(v2sf) =	vpush v0, $0x6;
	_ =	sdelay $0x2  }
0x1aa: {  	s20 =	spop (v2sf);
	[tilespmem:s19+$0xFFFFFF30] =	vst v1  }
0x1ab: {  	v1 =	vld [tilespmem:s20+$0x0];
	_ =	sdelay $0x1  }
0x1ac: {  	(v2sf) =	vpush v0, $0x7;
	_ =	sdelay $0x2  }
0x1ad: {  	s21 =	spop (v2sf);
	[tilespmem:s19+$0xFFFFFF40] =	vst v1  }
0x1ae: {  	v1 =	vld [tilespmem:s21+$0x0];
	_ =	sdelay $0x1  }
0x1af: {  	(v2sf) =	vpush v0, $0x8;
	_ =	sdelay $0x2  }
0x1b0: {  	s22 =	spop (v2sf);
	[tilespmem:s19+$0xFFFFFF50] =	vst v1  }
0x1b1: {  	v1 =	vld [tilespmem:s22+$0x0];
	_ =	sdelay $0x1  }
0x1b2: {  	(v2sf) =	vpush v0, $0x9;
	_ =	sdelay $0x2  }
0x1b3: {  	s23 =	spop (v2sf);
	[tilespmem:s19+$0xFFFFFF60] =	vst v1  }
0x1b4: {  	v1 =	vld [tilespmem:s23+$0x0];
	_ =	sdelay $0x1  }
0x1b5: {  	(v2sf) =	vpush v0, $0xA;
	_ =	sdelay $0x2  }
0x1b6: {  	s24 =	spop (v2sf);
	[tilespmem:s19+$0xFFFFFF70] =	vst v1  }
0x1b7: {  	v1 =	vld [tilespmem:s24+$0x0];
	_ =	sdelay $0x1  }
0x1b8: {  	(v2sf) =	vpush v0, $0xB;
	_ =	sdelay $0x2  }
0x1b9: {  	s25 =	spop (v2sf);
	[tilespmem:s19+$0xFFFFFF80] =	vst v1  }
0x1ba: {  	v1 =	vld [tilespmem:s25+$0x0];
	_ =	sdelay $0x1  }
0x1bb: {  	(v2sf) =	vpush v0, $0xC;
	_ =	sdelay $0x2  }
0x1bc: {  	s26 =	spop (v2sf);
	[tilespmem:s19+$0xFFFFFF90] =	vst v1  }
0x1bd: {  	v1 =	vld [tilespmem:s26+$0x0];
	_ =	sdelay $0x1  }
0x1be: {  	(v2sf) =	vpush v0, $0xD;
	_ =	sdelay $0x2  }
0x1bf: {  	s28 =	spop (v2sf);
	[tilespmem:s19+$0xFFFFFFA0] =	vst v1  }
0x1c0: {  	v1 =	vld [tilespmem:s28+$0x0];
	_ =	sdelay $0x1  }
0x1c1: {  	(v2sf) =	vpush v0, $0xE;
	_ =	sdelay $0x2  }
0x1c2: {  	s29 =	spop (v2sf);
	[tilespmem:s19+$0xFFFFFFB0] =	vst v1  }
0x1c3: {  	v1 =	vld [tilespmem:s29+$0x0];
	_ =	sdelay $0x1  }
0x1c4: {  	(v2sf) =	vpush v0, $0xF;
	_ =	sdelay $0x2  }
0x1c5: {  	s30 =	spop (v2sf);
	[tilespmem:s19+$0xFFFFFFC0] =	vst v1  }
0x1c6: {  	v0 =	vld [tilespmem:s30+$0x0];
	_ =	sdelay $0x4  }
0x1c7: {  	s31 =	spop (v2sf);
	[tilespmem:s19+$0xFFFFFFD0] =	vst v0  }
0x1c8: {  	v0 =	vld [tilespmem:s31+$0x0];
	_ =	sdelay $0x4  }
0x1c9: {  	s1 =	spop (v2sf);
	[tilespmem:s19+$0xFFFFFFE0] =	vst v0  }
0x1ca: {  	v0 =	vld [tilespmem:s1+$0x0];
	_ =	sdelay $0x4  }
0x1cb: {  	[tilespmem:s19+$0xFFFFFFF0] =	vst v0  }
0x1cc: {  	v0 =	vld [tilespmem:s18+$0x0];
	_ =	sdelay $0x4  }
0x1cd: {  	v0 =	vshll.u32 v0, $0x4  }
0x1ce: {  	v0 =	vadd.s32 $0x400, v0  }
0x1cf: {  	(v2sf) =	vpush v0, $0x0;
	_ =	sdelay $0x5  }
0x1d0: {  	(v2sf) =	vpush v0, $0x1;
	_ =	sdelay $0x5  }
0x1d1: {  	(v2sf) =	vpush v0, $0x2;
	_ =	sdelay $0x2  }
0x1d2: {  	s4 =	spop (v2sf)  }
0x1d3: {  	v1 =	vld [tilespmem:s4+$0x0];
	_ =	sdelay $0x1  }
0x1d4: {  	(v2sf) =	vpush v0, $0x3;
	_ =	sdelay $0x2  }
0x1d5: {  	s11 =	spop (v2sf);
	[tilespmem:s19+$0x0] =	vst v1  }
0x1d6: {  	v1 =	vld [tilespmem:s11+$0x0];
	_ =	sdelay $0x1  }
0x1d7: {  	(v2sf) =	vpush v0, $0x4;
	_ =	sdelay $0x2  }
0x1d8: {  	s12 =	spop (v2sf);
	[tilespmem:s19+$0x10] =	vst v1  }
0x1d9: {  	v1 =	vld [tilespmem:s12+$0x0];
	_ =	sdelay $0x1  }
0x1da: {  	(v2sf) =	vpush v0, $0x5;
	_ =	sdelay $0x2  }
0x1db: {  	s14 =	spop (v2sf);
	[tilespmem:s19+$0x20] =	vst v1  }
0x1dc: {  	v1 =	vld [tilespmem:s14+$0x0];
	_ =	sdelay $0x1  }
0x1dd: {  	(v2sf) =	vpush v0, $0x6;
	_ =	sdelay $0x2  }
0x1de: {  	s16 =	spop (v2sf);
	[tilespmem:s19+$0x30] =	vst v1  }
0x1df: {  	v1 =	vld [tilespmem:s16+$0x0];
	_ =	sdelay $0x1  }
0x1e0: {  	(v2sf) =	vpush v0, $0x7;
	_ =	sdelay $0x2  }
0x1e1: {  	s20 =	spop (v2sf);
	[tilespmem:s19+$0x40] =	vst v1  }
0x1e2: {  	v1 =	vld [tilespmem:s20+$0x0];
	_ =	sdelay $0x1  }
0x1e3: {  	(v2sf) =	vpush v0, $0x8;
	_ =	sdelay $0x2  }
0x1e4: {  	s21 =	spop (v2sf);
	[tilespmem:s19+$0x50] =	vst v1  }
0x1e5: {  	v1 =	vld [tilespmem:s21+$0x0];
	_ =	sdelay $0x1  }
0x1e6: {  	(v2sf) =	vpush v0, $0x9;
	_ =	sdelay $0x2  }
0x1e7: {  	s22 =	spop (v2sf);
	[tilespmem:s19+$0x60] =	vst v1  }
0x1e8: {  	v1 =	vld [tilespmem:s22+$0x0];
	_ =	sdelay $0x1  }
0x1e9: {  	(v2sf) =	vpush v0, $0xA;
	_ =	sdelay $0x2  }
0x1ea: {  	s23 =	spop (v2sf);
	[tilespmem:s19+$0x70] =	vst v1  }
0x1eb: {  	v1 =	vld [tilespmem:s23+$0x0];
	_ =	sdelay $0x1  }
0x1ec: {  	(v2sf) =	vpush v0, $0xB;
	_ =	sdelay $0x2  }
0x1ed: {  	s24 =	spop (v2sf);
	[tilespmem:s19+$0x80] =	vst v1  }
0x1ee: {  	v1 =	vld [tilespmem:s24+$0x0];
	_ =	sdelay $0x1  }
0x1ef: {  	(v2sf) =	vpush v0, $0xC;
	_ =	sdelay $0x2  }
0x1f0: {  	s25 =	spop (v2sf);
	[tilespmem:s19+$0x90] =	vst v1  }
0x1f1: {  	v1 =	vld [tilespmem:s25+$0x0];
	_ =	sdelay $0x1  }
0x1f2: {  	(v2sf) =	vpush v0, $0xD;
	_ =	sdelay $0x2  }
0x1f3: {  	s26 =	spop (v2sf);
	[tilespmem:s19+$0xA0] =	vst v1  }
0x1f4: {  	v1 =	vld [tilespmem:s26+$0x0];
	_ =	sdelay $0x1  }
0x1f5: {  	(v2sf) =	vpush v0, $0xE;
	_ =	sdelay $0x2  }
0x1f6: {  	s28 =	spop (v2sf);
	[tilespmem:s19+$0xB0] =	vst v1  }
0x1f7: {  	v1 =	vld [tilespmem:s28+$0x0];
	_ =	sdelay $0x1  }
0x1f8: {  	(v2sf) =	vpush v0, $0xF;
	_ =	sdelay $0x2  }
0x1f9: {  	s29 =	spop (v2sf);
	[tilespmem:s19+$0xC0] =	vst v1  }
0x1fa: {  	v0 =	vld [tilespmem:s29+$0x0];
	_ =	sdelay $0x4  }
0x1fb: {  	s30 =	spop (v2sf);
	[tilespmem:s19+$0xD0] =	vst v0  }
0x1fc: {  	v0 =	vld [tilespmem:s30+$0x0];
	_ =	sdelay $0x4  }
0x1fd: {  	s31 =	spop (v2sf);
	[tilespmem:s19+$0xE0] =	vst v0  }
0x1fe: {  	s20 =	simm.s32 $0x0;
	v0 =	vld [tilespmem:s31+$0x0]  }
.LBB2_4:
0x1ff: {  	_ =	sdelay $0x3  }
0x200: {  	s20 =	sadd.s32 $0x2, s20;
	s18 =	sadd.s32 $0x20, s18;
	[tilespmem:s19+$0xF0] =	vst v0;
	s19 =	sadd.s32 $0x200, s19  }
0x201: {  	p0 =	slt.u32 s20, $0x1E;
	v0 =	vld [tilespmem:s18+$0xFFFFFFF0];
	_ =	sdelay $0x4  }
0x202: {  	v0 =	vshll.u32 v0, $0x4  }
0x203: {  	v0 =	vadd.s32 $0x400, v0  }
0x204: {  	(v2sf) =	vpush v0, $0x0;
	_ =	sdelay $0x5  }
0x205: {  	(v2sf) =	vpush v0, $0x1;
	_ =	sdelay $0x5  }
0x206: {  	(v2sf) =	vpush v0, $0x2;
	_ =	sdelay $0x2  }
0x207: {  	s0 =	spop (v2sf)  }
0x208: {  	v1 =	vld [tilespmem:s0+$0x0];
	_ =	sdelay $0x1  }
0x209: {  	(v2sf) =	vpush v0, $0x3;
	_ =	sdelay $0x2  }
0x20a: {  	[tilespmem:s19+$0xFFFFFF00] =	vst v1;
	s0 =	spop (v2sf)  }
0x20b: {  	v1 =	vld [tilespmem:s0+$0x0];
	_ =	sdelay $0x1  }
0x20c: {  	(v2sf) =	vpush v0, $0x4;
	_ =	sdelay $0x2  }
0x20d: {  	[tilespmem:s19+$0xFFFFFF10] =	vst v1;
	s0 =	spop (v2sf)  }
0x20e: {  	v1 =	vld [tilespmem:s0+$0x0];
	_ =	sdelay $0x1  }
0x20f: {  	(v2sf) =	vpush v0, $0x5;
	_ =	sdelay $0x2  }
0x210: {  	[tilespmem:s19+$0xFFFFFF20] =	vst v1;
	s0 =	spop (v2sf)  }
0x211: {  	v1 =	vld [tilespmem:s0+$0x0];
	_ =	sdelay $0x1  }
0x212: {  	(v2sf) =	vpush v0, $0x6;
	_ =	sdelay $0x2  }
0x213: {  	[tilespmem:s19+$0xFFFFFF30] =	vst v1;
	s0 =	spop (v2sf)  }
0x214: {  	v1 =	vld [tilespmem:s0+$0x0];
	_ =	sdelay $0x1  }
0x215: {  	(v2sf) =	vpush v0, $0x7;
	_ =	sdelay $0x2  }
0x216: {  	[tilespmem:s19+$0xFFFFFF40] =	vst v1;
	s0 =	spop (v2sf)  }
0x217: {  	v1 =	vld [tilespmem:s0+$0x0];
	_ =	sdelay $0x1  }
0x218: {  	(v2sf) =	vpush v0, $0x8;
	_ =	sdelay $0x2  }
0x219: {  	[tilespmem:s19+$0xFFFFFF50] =	vst v1;
	s0 =	spop (v2sf)  }
0x21a: {  	v1 =	vld [tilespmem:s0+$0x0];
	_ =	sdelay $0x1  }
0x21b: {  	(v2sf) =	vpush v0, $0x9;
	_ =	sdelay $0x2  }
0x21c: {  	[tilespmem:s19+$0xFFFFFF60] =	vst v1;
	s0 =	spop (v2sf)  }
0x21d: {  	v1 =	vld [tilespmem:s0+$0x0];
	_ =	sdelay $0x1  }
0x21e: {  	(v2sf) =	vpush v0, $0xA;
	_ =	sdelay $0x2  }
0x21f: {  	[tilespmem:s19+$0xFFFFFF70] =	vst v1;
	s0 =	spop (v2sf)  }
0x220: {  	v1 =	vld [tilespmem:s0+$0x0];
	_ =	sdelay $0x1  }
0x221: {  	(v2sf) =	vpush v0, $0xB;
	_ =	sdelay $0x2  }
0x222: {  	[tilespmem:s19+$0xFFFFFF80] =	vst v1;
	s0 =	spop (v2sf)  }
0x223: {  	v1 =	vld [tilespmem:s0+$0x0];
	_ =	sdelay $0x1  }
0x224: {  	(v2sf) =	vpush v0, $0xC;
	_ =	sdelay $0x2  }
0x225: {  	[tilespmem:s19+$0xFFFFFF90] =	vst v1;
	s0 =	spop (v2sf)  }
0x226: {  	v1 =	vld [tilespmem:s0+$0x0];
	_ =	sdelay $0x1  }
0x227: {  	(v2sf) =	vpush v0, $0xD;
	_ =	sdelay $0x2  }
0x228: {  	[tilespmem:s19+$0xFFFFFFA0] =	vst v1;
	s0 =	spop (v2sf)  }
0x229: {  	v1 =	vld [tilespmem:s0+$0x0];
	_ =	sdelay $0x1  }
0x22a: {  	(v2sf) =	vpush v0, $0xE;
	_ =	sdelay $0x2  }
0x22b: {  	[tilespmem:s19+$0xFFFFFFB0] =	vst v1;
	s0 =	spop (v2sf)  }
0x22c: {  	v1 =	vld [tilespmem:s0+$0x0];
	_ =	sdelay $0x1  }
0x22d: {  	(v2sf) =	vpush v0, $0xF;
	_ =	sdelay $0x2  }
0x22e: {  	[tilespmem:s19+$0xFFFFFFC0] =	vst v1;
	s0 =	spop (v2sf)  }
0x22f: {  	v0 =	vld [tilespmem:s0+$0x0];
	_ =	sdelay $0x4  }
0x230: {  	[tilespmem:s19+$0xFFFFFFD0] =	vst v0;
	s0 =	spop (v2sf)  }
0x231: {  	v0 =	vld [tilespmem:s0+$0x0];
	_ =	sdelay $0x4  }
0x232: {  	[tilespmem:s19+$0xFFFFFFE0] =	vst v0;
	s0 =	spop (v2sf)  }
0x233: {  	v0 =	vld [tilespmem:s0+$0x0];
	_ =	sdelay $0x4  }
0x234: {  	[tilespmem:s19+$0xFFFFFFF0] =	vst v0  }
0x235: {  	v0 =	vld [tilespmem:s18+$0x0];
	_ =	sdelay $0x4  }
0x236: {  	v0 =	vshll.u32 v0, $0x4  }
0x237: {  	v0 =	vadd.s32 $0x400, v0  }
0x238: {  	(v2sf) =	vpush v0, $0x0;
	_ =	sdelay $0x5  }
0x239: {  	(v2sf) =	vpush v0, $0x1;
	_ =	sdelay $0x5  }
0x23a: {  	(v2sf) =	vpush v0, $0x2;
	_ =	sdelay $0x2  }
0x23b: {  	s0 =	spop (v2sf)  }
0x23c: {  	v1 =	vld [tilespmem:s0+$0x0];
	_ =	sdelay $0x1  }
0x23d: {  	(v2sf) =	vpush v0, $0x3;
	_ =	sdelay $0x2  }
0x23e: {  	[tilespmem:s19+$0x0] =	vst v1;
	s0 =	spop (v2sf)  }
0x23f: {  	v1 =	vld [tilespmem:s0+$0x0];
	_ =	sdelay $0x1  }
0x240: {  	(v2sf) =	vpush v0, $0x4;
	_ =	sdelay $0x2  }
0x241: {  	[tilespmem:s19+$0x10] =	vst v1;
	s0 =	spop (v2sf)  }
0x242: {  	v1 =	vld [tilespmem:s0+$0x0];
	_ =	sdelay $0x1  }
0x243: {  	(v2sf) =	vpush v0, $0x5;
	_ =	sdelay $0x2  }
0x244: {  	[tilespmem:s19+$0x20] =	vst v1;
	s0 =	spop (v2sf)  }
0x245: {  	v1 =	vld [tilespmem:s0+$0x0];
	_ =	sdelay $0x1  }
0x246: {  	(v2sf) =	vpush v0, $0x6;
	_ =	sdelay $0x2  }
0x247: {  	[tilespmem:s19+$0x30] =	vst v1;
	s0 =	spop (v2sf)  }
0x248: {  	v1 =	vld [tilespmem:s0+$0x0];
	_ =	sdelay $0x1  }
0x249: {  	(v2sf) =	vpush v0, $0x7;
	_ =	sdelay $0x2  }
0x24a: {  	[tilespmem:s19+$0x40] =	vst v1;
	s0 =	spop (v2sf)  }
0x24b: {  	v1 =	vld [tilespmem:s0+$0x0];
	_ =	sdelay $0x1  }
0x24c: {  	(v2sf) =	vpush v0, $0x8;
	_ =	sdelay $0x2  }
0x24d: {  	[tilespmem:s19+$0x50] =	vst v1;
	s0 =	spop (v2sf)  }
0x24e: {  	v1 =	vld [tilespmem:s0+$0x0];
	_ =	sdelay $0x1  }
0x24f: {  	(v2sf) =	vpush v0, $0x9;
	_ =	sdelay $0x2  }
0x250: {  	[tilespmem:s19+$0x60] =	vst v1;
	s0 =	spop (v2sf)  }
0x251: {  	v1 =	vld [tilespmem:s0+$0x0];
	_ =	sdelay $0x1  }
0x252: {  	(v2sf) =	vpush v0, $0xA;
	_ =	sdelay $0x2  }
0x253: {  	[tilespmem:s19+$0x70] =	vst v1;
	s0 =	spop (v2sf)  }
0x254: {  	v1 =	vld [tilespmem:s0+$0x0];
	_ =	sdelay $0x1  }
0x255: {  	(v2sf) =	vpush v0, $0xB;
	_ =	sdelay $0x2  }
0x256: {  	[tilespmem:s19+$0x80] =	vst v1;
	s0 =	spop (v2sf)  }
0x257: {  	v1 =	vld [tilespmem:s0+$0x0];
	_ =	sdelay $0x1  }
0x258: {  	(v2sf) =	vpush v0, $0xC;
	_ =	sdelay $0x2  }
0x259: {  	[tilespmem:s19+$0x90] =	vst v1;
	s0 =	spop (v2sf)  }
0x25a: {  	v1 =	vld [tilespmem:s0+$0x0];
	_ =	sdelay $0x1  }
0x25b: {  	(v2sf) =	vpush v0, $0xD;
	_ =	sdelay $0x2  }
0x25c: {  	[tilespmem:s19+$0xA0] =	vst v1;
	s0 =	spop (v2sf)  }
0x25d: {  	v1 =	vld [tilespmem:s0+$0x0];
	_ =	sdelay $0x1  }
0x25e: {  	(v2sf) =	vpush v0, $0xE;
	_ =	sdelay $0x2  }
0x25f: {  	[tilespmem:s19+$0xB0] =	vst v1;
	s0 =	spop (v2sf)  }
0x260: {  	v1 =	vld [tilespmem:s0+$0x0];
	_ =	sdelay $0x1  }
0x261: {  	(v2sf) =	vpush v0, $0xF;
	_ =	sdelay $0x2  }
0x262: {  	[tilespmem:s19+$0xC0] =	vst v1;
	s0 =	spop (v2sf)  }
0x263: {  	v0 =	vld [tilespmem:s0+$0x0];
	_ =	sdelay $0x4  }
0x264: {  	[tilespmem:s19+$0xD0] =	vst v0;
	s0 =	spop (v2sf)  }
0x265: {  	v0 =	vld [tilespmem:s0+$0x0];
	_ =	sdelay $0x1  }
.Ltmp1:
0x266: {  	(pc) =	sbr.rel @p0 .LBB2_4-.Ltmp1, $3  }
0x267: {  	_ =	sdelay $0x1  }
0x268: {  	[tilespmem:s19+$0xE0] =	vst v0;
	s0 =	spop (v2sf)  }
0x269: {  	v0 =	vld [tilespmem:s0+$0x0]  }
0x26a: {  	_ =	sdelay $0x3  }
0x26b: {  	s0 =	simm.s32 $0x4280;
	[tilespmem:s19+$0xF0] =	vst v0  }
0x26c: {  	[hbm4b:s7+s2] =	stream.linear.scatter [tilespmem:s0], [sflag:$0x3], $0x2000, $0x38;
	[tilespmem:$0x16280] =	vst v63  }
0x26d: {  	_ =	swait.ge [sflag:s10], $0x2000  }
0x26e: {  	[sflag:s10] =	ssyncset.done $0x0  }
0x26f: {  	[sflag:s10] =	ssyncadd.s32 $0xFFFFE000  }
0x270: {  	s17 =	sadd.s32 $0x1, s17;
	_ =	swait.ge [sflag:s15], $0x10000  }
0x271: {  	p0 =	sne.s32 s17, s9;
	[sflag:s15] =	ssyncset.done $0x0  }
.Ltmp2:
0x272: {  	s31 =	simm.s32 $0x6280;
	[sflag:s15] =	ssyncadd.s32 $0xFFFF0000;
	(pc) =	sbr.rel @p0 .LBB2_1-.Ltmp2, $4  }
0x273: {  	[hbm4b:s8+s2] =	stream.linear.scatter [tilespmem:s31], [sflag:$0x3], $0x10000, $0x38;
	[tilespmem:$0x16280] =	vst v63  }
0x274: {  	_ =	swait.ge [sflag:s10], $0x10000  }
0x275: {  	[sflag:s10] =	ssyncset.done $0x0  }
0x276: {  	[sflag:s10] =	ssyncadd.s32 $0xFFFF0000  }
0x277: {  	_ =	sfence.sel $0x180000  }
0x278: {  	[bflag:$0x0] =	sbarrier.arrive $0xFFFF  }
0x279: {  	_ =	strace $0x90000047  }
0x27a: {  	s0 =	stileid.u32;
	[bflag:$0x2] =	sbarrier.arrive $0xFFFF  }
0x27b: {  	p0 =	sne.s32 s0, $0x0;
	s0 =	rddreg [dreg:$0x4]  }
0x27c: {  	s0 =	sadd.s32 @!p0 $0x100000, s0  }
0x27d: {  	[sflag:s0] =	ssyncadd.tile.s32 @!p0 $0x1;
	_ =	shalt  }
.Lfunc_end2:
_tile_overlayer_lowered:
.L_overlay_start_2:
0x27e: {  	(tag) =	ssettag $0x2  }
0x27f: {  	s0 =	rddreg [dreg:$0x0];
	s2 =	stileid.u32  }
0x280: {  	s1 =	rddreg [dreg:$0x1];
	p0 =	sne.s32 s2, $0x0  }
0x281: {  	s3 =	rddreg [dreg:$0x2];
	[bflag:$0x3] =	sbarrier.arrive $0xFFFF;
	s2 =	simm.s32 @!p0 $0x1C03  }
0x282: {  	[timem:s3], [sflag:s2] =	dma.local @!p0 [hbm:s0], s1  }
0x283: {  	s0 =	simm.s32 @!p0 $0x3  }
0x284: {  	_ =	swait.ge @!p0 [sflag:s0], s1  }
0x285: {  	s1 =	ssub.s32 @!p0 $0x0, s1;
	[sflag:s0] =	ssyncset.done @!p0 $0x0  }
0x286: {  	[sflag:s0] =	ssyncadd.s32 @!p0 s1  }
0x287: {  	[bflag:$0x3] =	sbarrier.arrive $0xFFFF  }
0x288: {  	_ =	shalt  }

</sc_bundles>
